<compile_context>
chip_gen: v7x
topology: tpu7x:2x2x1
jax: 0.10.2.dev20260603
libtpu: 0.0.44.dev20260713+nightly
codegen_flags: <defaults>
</compile_context>

<pallas_src>
import functools
import jax
import jax.numpy as jnp
from jax import lax
from jax.experimental import pallas as pl
from jax.experimental.pallas import tpu as pltpu
from jax.experimental.pallas import tpu_sc as plsc

_LAMDA = 0.5
_BLK = 512
_CH = 32
_FPAD = 1024
_SROWS = 1024



def _sc_segment_sum(featp, target):
    b = featp.shape[0]
    info = plsc.get_sparse_core_info()
    nc, ns = info.num_cores, info.num_subcores
    nw = nc * ns
    rows_per_tile = b // nw
    nch = rows_per_tile // _CH
    nb = 2
    srows = _SROWS // ns
    mesh = plsc.VectorSubcoreMesh(core_axis_name="c", subcore_axis_name="s")

    @functools.partial(
        pl.kernel,
        mesh=mesh,
        out_type=jax.ShapeDtypeStruct((nc, _SROWS, _FPAD), jnp.bfloat16),
        scratch_types=[
            pltpu.VMEM((_CH,), jnp.int32),
            pltpu.VMEM((_CH,), jnp.int32),
            pltpu.VMEM((nb, _CH, _FPAD), jnp.bfloat16),
            pltpu.VMEM((8, _FPAD), jnp.bfloat16),
            pltpu.VMEM_SHARED((_SROWS, _FPAD), jnp.bfloat16),
        ] + [pltpu.SemaphoreType.DMA] * (3 * nb),
        compiler_params=pltpu.CompilerParams(use_tc_tiling_on_sc=False),
    )
    def sc_kernel(feat_hbm, tgt_hbm, out_hbm, idx0, idx1, fbuf, zbuf, s_acc,
                  *sems):
        c = lax.axis_index("c")
        s = lax.axis_index("s")
        wid = s * nc + c
        idxr = [idx0, idx1]

        z = jnp.zeros((32,), jnp.bfloat16)

        def zrow(r, carry):
            for j in range(_FPAD // 32):
                zbuf[r, pl.ds(j * 32, 32)] = z
            return carry

        lax.fori_loop(0, 8, zrow, 0)

        for t in range(srows // 8):
            pltpu.sync_copy(zbuf, s_acc.at[pl.ds(s * srows + t * 8, 8)])
        plsc.subcore_barrier()

        base0 = wid * rows_per_tile
        ldf_sems = list(sems[:nb])
        ldi_sems = list(sems[nb:2 * nb])
        st_sems = list(sems[2 * nb:])
        ldf_descs = [None] * nb
        ldi_descs = [None] * nb
        st_descs = [None] * nb

        for j in range(nch + 1):
            bj = j % nb
            if j < nch:
                if j >= nb:
                    st_descs[bj].wait()
                ldi_descs[bj] = pltpu.async_copy(
                    tgt_hbm.at[pl.ds(base0 + j * _CH, _CH)],
                    idxr[bj], ldi_sems[bj])
                ldf_descs[bj] = pltpu.async_copy(
                    feat_hbm.at[pl.ds(base0 + j * _CH, _CH)],
                    fbuf.at[bj], ldf_sems[bj])
            if j >= 1:
                pb = (j - 1) % nb
                ldi_descs[pb].wait()
                ldf_descs[pb].wait()
                st_descs[pb] = pltpu.async_copy(
                    fbuf.at[pb], s_acc.at[idxr[pb]],
                    st_sems[pb], add=True)
        for bj in range(nb):
            st_descs[(nch - 1 - bj) % nb].wait()
        plsc.subcore_barrier()

        for t in range(srows // 16):
            lo = s * srows + t * 16
            pltpu.sync_copy(s_acc.at[pl.ds(lo, 16)], out_hbm.at[c, pl.ds(lo, 16)])

    return sc_kernel(featp, target)



def _pass1_kernel(tgt_ref, x_ref, out_ref, counts_ref, acc_ref, *, nblk, f):
    i = pl.program_id(0)

    @pl.when(i == 0)
    def _init():
        acc_ref[0, 0] = 0.0
        acc_ref[0, 1] = 0.0
        counts_ref[...] = jnp.zeros_like(counts_ref)

    x = x_ref[...].astype(jnp.float32)
    tgt = tgt_ref[0, 0, :]
    blk, fpad = x.shape

    cols = jax.lax.broadcasted_iota(jnp.int32, (blk, fpad), 1)
    xm = jnp.where(cols < f, x, -jnp.inf)
    m = jnp.max(xm, axis=1, keepdims=True)
    lse = jnp.log(jnp.sum(jnp.exp(xm - m), axis=1, keepdims=True)) + m

    mask = cols == tgt[:, None]
    picked_sum = jnp.sum(jnp.where(mask, x, 0.0))
    counts_ref[...] += jnp.sum(mask.astype(jnp.float32), axis=0, keepdims=True)

    acc_ref[0, 0] += jnp.sum(lse) - picked_sum
    acc_ref[0, 1] += jnp.sum(x * x)

    @pl.when(i == nblk - 1)
    def _fin():
        out_ref[0, 0] = acc_ref[0, 0]
        out_ref[0, 1] = acc_ref[0, 1]


def _tc_pass1(featp, target, f):
    batch = featp.shape[0]
    nblk = batch // _BLK
    tgt3 = target.reshape(nblk, 1, _BLK)
    return pl.pallas_call(
        functools.partial(_pass1_kernel, nblk=nblk, f=f),
        grid=(nblk,),
        in_specs=[
            pl.BlockSpec((1, 1, _BLK), lambda i: (i, 0, 0)),
            pl.BlockSpec((_BLK, _FPAD), lambda i: (i, 0)),
        ],
        out_specs=[
            pl.BlockSpec(memory_space=pltpu.SMEM),
            pl.BlockSpec((1, _FPAD), lambda i: (0, 0)),
        ],
        out_shape=[
            jax.ShapeDtypeStruct((1, 2), jnp.float32),
            jax.ShapeDtypeStruct((1, _FPAD), jnp.float32),
        ],
        scratch_shapes=[pltpu.SMEM((1, 2), jnp.float32)],
    )(tgt3, featp)



def _combine_kernel(cen_ref, s_ref, counts_ref, scal_ref, out_ref, *, batch):
    cen = cen_ref[...]
    c, f = cen.shape
    s_sum = (s_ref[0].astype(jnp.float32)
             + s_ref[1].astype(jnp.float32))
    dot_sum = jnp.sum(cen * s_sum[:c, :f])
    c2 = jnp.sum(cen * cen, axis=1, keepdims=True)
    cterm = jax.lax.dot_general(
        counts_ref[:, :c], c2,
        (((1,), (0,)), ((), ())),
        precision=jax.lax.Precision.HIGHEST,
        preferred_element_type=jnp.float32,
    )[0, 0]
    soft = scal_ref[0, 0]
    f2 = scal_ref[0, 1]
    center = cterm - 2.0 * dot_sum + f2
    out_ref[0, 0] = soft / batch + _LAMDA * center / 2.0 / batch


def _tc_combine(centers, s_partials, counts, scalars, batch):
    c, f = centers.shape
    return pl.pallas_call(
        functools.partial(_combine_kernel, batch=batch),
        in_specs=[
            pl.BlockSpec((c, f), lambda: (0, 0)),
            pl.BlockSpec((2, _SROWS, _FPAD), lambda: (0, 0, 0)),
            pl.BlockSpec((1, _FPAD), lambda: (0, 0)),
            pl.BlockSpec(memory_space=pltpu.SMEM),
        ],
        out_specs=pl.BlockSpec(memory_space=pltpu.SMEM),
        out_shape=jax.ShapeDtypeStruct((1, 1), jnp.float32),
    )(centers, s_partials, counts, scalars)


def kernel(feat, target, centers):
    batch, f = feat.shape
    tgt = target.astype(jnp.int32)
    featp = jnp.pad(feat.astype(jnp.bfloat16), ((0, 0), (0, _FPAD - f)))
    s_partials = _sc_segment_sum(featp, tgt)
    scalars, counts = _tc_pass1(featp, tgt, f)
    out = _tc_combine(centers, s_partials, counts, scalars, batch)
    return out[0, 0]

# --- scband reference (transcript-rebuilt; emitter-appended) ---
"""Pipeline reference for scband-softmax-center-loss-7232724926897 (READ-ONLY COPY).

The authoritative reference and input builder live on the scoring server;
editing this copy changes nothing except your own understanding.
"""

import jax, jax.numpy as jnp
import numpy as np

LAMDA = 0.5
NUM_CLASSES = 1000
FEAT_DIM = 1000
BATCH = 16384

def setup_inputs(seed: int = 0) -> dict:
    key = jax.random.key(seed)
    k1, k2, k3 = jax.random.split(key, 3)
    feat = jax.random.normal(k1, (BATCH, FEAT_DIM), dtype=jnp.float32)
    target = jax.random.randint(k2, (BATCH,), 0, NUM_CLASSES, dtype=jnp.int64 if jax.config.jax_enable_x64 else jnp.int32).astype(jnp.int32)
    centers = jax.random.normal(k3, (NUM_CLASSES, FEAT_DIM), dtype=jnp.float32)
    return {"feat": feat, "target": target, "centers": centers}

def reference(feat, target, centers):
    batch_size = feat.shape[0]
    feat2 = feat.reshape(batch_size, -1)
    # softmax cross entropy (mean reduction), target as class indices
    lse = jax.nn.logsumexp(feat2, axis=1)
    picked = jnp.take_along_axis(feat2, target[:, None].astype(jnp.int32), axis=1)[:, 0]
    softmax_loss = jnp.mean(lse - picked)
    # center loss: gather centers rows by target
    centers_batch = jnp.take(centers, target.astype(jnp.int32), axis=0)
    diff = centers_batch - feat2
    center_loss = LAMDA * jnp.sum(diff ** 2) / 2.0 / batch_size
    return softmax_loss + center_loss

if __name__ == "__main__":
    import jax
    _d = setup_inputs()
    print(jax.jit(kernel)(*tuple(_d.values())))

</pallas_src>

<mosaic_0001>
#map = affine_map<(d0, d1) -> (0, 0)>
#map1 = affine_map<(d0, d1) -> (0)>
#map2 = affine_map<(d0, d1) -> (0, 0, 0)>
module attributes {stable_mosaic.version = 14 : i64} {
  func.func @sc_kernel(%arg0: i32, %arg1: i32, %arg2: memref<16384x1024xbf16, #tpu.memory_space<hbm>>, %arg3: memref<16384xi32, #tpu.memory_space<hbm>>, %arg4: memref<2x1024x1024xbf16, #tpu.memory_space<hbm>>, %arg5: memref<32xi32, #tpu.memory_space<vmem>>, %arg6: memref<32xi32, #tpu.memory_space<vmem>>, %arg7: memref<2x32x1024xbf16, #tpu.memory_space<vmem>>, %arg8: memref<8x1024xbf16, #tpu.memory_space<vmem>>, %arg9: memref<1024x1024xbf16, #tpu.memory_space<vmem_shared>>, %arg10: memref<!tpu.dma_semaphore, #tpu.memory_space<semaphore_mem>>, %arg11: memref<!tpu.dma_semaphore, #tpu.memory_space<semaphore_mem>>, %arg12: memref<!tpu.dma_semaphore, #tpu.memory_space<semaphore_mem>>, %arg13: memref<!tpu.dma_semaphore, #tpu.memory_space<semaphore_mem>>, %arg14: memref<!tpu.dma_semaphore, #tpu.memory_space<semaphore_mem>>, %arg15: memref<!tpu.dma_semaphore, #tpu.memory_space<semaphore_mem>>) attributes {dimension_semantics = [#tpu.dimension_semantics<core_parallel>, #tpu.dimension_semantics<subcore_parallel>], iteration_bounds = array<i64: 2, 16>, scalar_prefetch = 0 : i64, scratch_operands = 11 : i64, tpu.core_type = #tpu.core_type<sc_vector_subcore>, window_params = [{transform_indices = #map}, {transform_indices = #map1}, {transform_indices = #map2}]} {
    %mul3A = arith.constant 2 : i32
    %mul3A_0 = arith.muli %arg1, %mul3A : i32
    %add3A = arith.addi %mul3A_0, %arg0 : i32
    %broadcast_in_dim3A = arith.constant 0.000000e+00 : bf16
    %broadcast_in_dim3A_1 = vector.broadcast %broadcast_in_dim3A : bf16 to vector<32xbf16>
    %scan3A = arith.constant 0 : i32
    %scan3A_2 = arith.constant 0 : i32
    %scan3A_3 = arith.constant 8 : i32
    %scan3A_4 = arith.addi %scan3A_2, %scan3A_3 : i32
    %scan3A_5 = arith.constant 1 : i32
    scf.for %scan3A_856 = %scan3A_2 to %scan3A_4 step %scan3A_5  : i32 {
      %swap3A = arith.index_cast %scan3A_856 : i32 to index
      %swap3A_857 = arith.constant 0 : index
      %swap3A_858 = tpu.vector_load %arg8[%swap3A, %swap3A_857] {strides = array<i32>} : memref<8x1024xbf16, #tpu.memory_space<vmem>>, vector<1x32xbf16>,
      %swap3A_859 = vector.shape_cast %swap3A_858 : vector<1x32xbf16> to vector<32xbf16>
      %swap3A_860 = vector.shape_cast %broadcast_in_dim3A_1 : vector<32xbf16> to vector<1x32xbf16>
      tpu.vector_store %arg8[%swap3A, %swap3A_857], %swap3A_860 {strides = array<i32>} : memref<8x1024xbf16, #tpu.memory_space<vmem>>, vector<1x32xbf16>,
      %swap3A_861 = arith.index_cast %scan3A_856 : i32 to index
      %swap3A_862 = arith.constant 32 : index
      %swap3A_863 = tpu.vector_load %arg8[%swap3A_861, %swap3A_862] {strides = array<i32>} : memref<8x1024xbf16, #tpu.memory_space<vmem>>, vector<1x32xbf16>,
      %swap3A_864 = vector.shape_cast %swap3A_863 : vector<1x32xbf16> to vector<32xbf16>
      %swap3A_865 = vector.shape_cast %broadcast_in_dim3A_1 : vector<32xbf16> to vector<1x32xbf16>
      tpu.vector_store %arg8[%swap3A_861, %swap3A_862], %swap3A_865 {strides = array<i32>} : memref<8x1024xbf16, #tpu.memory_space<vmem>>, vector<1x32xbf16>,
      %swap3A_866 = arith.index_cast %scan3A_856 : i32 to index
      %swap3A_867 = arith.constant 64 : index
      %swap3A_868 = tpu.vector_load %arg8[%swap3A_866, %swap3A_867] {strides = array<i32>} : memref<8x1024xbf16, #tpu.memory_space<vmem>>, vector<1x32xbf16>,
      %swap3A_869 = vector.shape_cast %swap3A_868 : vector<1x32xbf16> to vector<32xbf16>
      %swap3A_870 = vector.shape_cast %broadcast_in_dim3A_1 : vector<32xbf16> to vector<1x32xbf16>
      tpu.vector_store %arg8[%swap3A_866, %swap3A_867], %swap3A_870 {strides = array<i32>} : memref<8x1024xbf16, #tpu.memory_space<vmem>>, vector<1x32xbf16>,
      %swap3A_871 = arith.index_cast %scan3A_856 : i32 to index
      %swap3A_872 = arith.constant 96 : index
      %swap3A_873 = tpu.vector_load %arg8[%swap3A_871, %swap3A_872] {strides = array<i32>} : memref<8x1024xbf16, #tpu.memory_space<vmem>>, vector<1x32xbf16>,
      %swap3A_874 = vector.shape_cast %swap3A_873 : vector<1x32xbf16> to vector<32xbf16>
      %swap3A_875 = vector.shape_cast %broadcast_in_dim3A_1 : vector<32xbf16> to vector<1x32xbf16>
      tpu.vector_store %arg8[%swap3A_871, %swap3A_872], %swap3A_875 {strides = array<i32>} : memref<8x1024xbf16, #tpu.memory_space<vmem>>, vector<1x32xbf16>,
      %swap3A_876 = arith.index_cast %scan3A_856 : i32 to index
      %swap3A_877 = arith.constant 128 : index
      %swap3A_878 = tpu.vector_load %arg8[%swap3A_876, %swap3A_877] {strides = array<i32>} : memref<8x1024xbf16, #tpu.memory_space<vmem>>, vector<1x32xbf16>,
      %swap3A_879 = vector.shape_cast %swap3A_878 : vector<1x32xbf16> to vector<32xbf16>
      %swap3A_880 = vector.shape_cast %broadcast_in_dim3A_1 : vector<32xbf16> to vector<1x32xbf16>
      tpu.vector_store %arg8[%swap3A_876, %swap3A_877], %swap3A_880 {strides = array<i32>} : memref<8x1024xbf16, #tpu.memory_space<vmem>>, vector<1x32xbf16>,
      %swap3A_881 = arith.index_cast %scan3A_856 : i32 to index
      %swap3A_882 = arith.constant 160 : index
      %swap3A_883 = tpu.vector_load %arg8[%swap3A_881, %swap3A_882] {strides = array<i32>} : memref<8x1024xbf16, #tpu.memory_space<vmem>>, vector<1x32xbf16>,
      %swap3A_884 = vector.shape_cast %swap3A_883 : vector<1x32xbf16> to vector<32xbf16>
      %swap3A_885 = vector.shape_cast %broadcast_in_dim3A_1 : vector<32xbf16> to vector<1x32xbf16>
      tpu.vector_store %arg8[%swap3A_881, %swap3A_882], %swap3A_885 {strides = array<i32>} : memref<8x1024xbf16, #tpu.memory_space<vmem>>, vector<1x32xbf16>,
      %swap3A_886 = arith.index_cast %scan3A_856 : i32 to index
      %swap3A_887 = arith.constant 192 : index
      %swap3A_888 = tpu.vector_load %arg8[%swap3A_886, %swap3A_887] {strides = array<i32>} : memref<8x1024xbf16, #tpu.memory_space<vmem>>, vector<1x32xbf16>,
      %swap3A_889 = vector.shape_cast %swap3A_888 : vector<1x32xbf16> to vector<32xbf16>
      %swap3A_890 = vector.shape_cast %broadcast_in_dim3A_1 : vector<32xbf16> to vector<1x32xbf16>
      tpu.vector_store %arg8[%swap3A_886, %swap3A_887], %swap3A_890 {strides = array<i32>} : memref<8x1024xbf16, #tpu.memory_space<vmem>>, vector<1x32xbf16>,
      %swap3A_891 = arith.index_cast %scan3A_856 : i32 to index
      %swap3A_892 = arith.constant 224 : index
      %swap3A_893 = tpu.vector_load %arg8[%swap3A_891, %swap3A_892] {strides = array<i32>} : memref<8x1024xbf16, #tpu.memory_space<vmem>>, vector<1x32xbf16>,
      %swap3A_894 = vector.shape_cast %swap3A_893 : vector<1x32xbf16> to vector<32xbf16>
      %swap3A_895 = vector.shape_cast %broadcast_in_dim3A_1 : vector<32xbf16> to vector<1x32xbf16>
      tpu.vector_store %arg8[%swap3A_891, %swap3A_892], %swap3A_895 {strides = array<i32>} : memref<8x1024xbf16, #tpu.memory_space<vmem>>, vector<1x32xbf16>,
      %swap3A_896 = arith.index_cast %scan3A_856 : i32 to index
      %swap3A_897 = arith.constant 256 : index
      %swap3A_898 = tpu.vector_load %arg8[%swap3A_896, %swap3A_897] {strides = array<i32>} : memref<8x1024xbf16, #tpu.memory_space<vmem>>, vector<1x32xbf16>,
      %swap3A_899 = vector.shape_cast %swap3A_898 : vector<1x32xbf16> to vector<32xbf16>
      %swap3A_900 = vector.shape_cast %broadcast_in_dim3A_1 : vector<32xbf16> to vector<1x32xbf16>
      tpu.vector_store %arg8[%swap3A_896, %swap3A_897], %swap3A_900 {strides = array<i32>} : memref<8x1024xbf16, #tpu.memory_space<vmem>>, vector<1x32xbf16>,
      %swap3A_901 = arith.index_cast %scan3A_856 : i32 to index
      %swap3A_902 = arith.constant 288 : index
      %swap3A_903 = tpu.vector_load %arg8[%swap3A_901, %swap3A_902] {strides = array<i32>} : memref<8x1024xbf16, #tpu.memory_space<vmem>>, vector<1x32xbf16>,
      %swap3A_904 = vector.shape_cast %swap3A_903 : vector<1x32xbf16> to vector<32xbf16>
      %swap3A_905 = vector.shape_cast %broadcast_in_dim3A_1 : vector<32xbf16> to vector<1x32xbf16>
      tpu.vector_store %arg8[%swap3A_901, %swap3A_902], %swap3A_905 {strides = array<i32>} : memref<8x1024xbf16, #tpu.memory_space<vmem>>, vector<1x32xbf16>,
      %swap3A_906 = arith.index_cast %scan3A_856 : i32 to index
      %swap3A_907 = arith.constant 320 : index
      %swap3A_908 = tpu.vector_load %arg8[%swap3A_906, %swap3A_907] {strides = array<i32>} : memref<8x1024xbf16, #tpu.memory_space<vmem>>, vector<1x32xbf16>,
      %swap3A_909 = vector.shape_cast %swap3A_908 : vector<1x32xbf16> to vector<32xbf16>
      %swap3A_910 = vector.shape_cast %broadcast_in_dim3A_1 : vector<32xbf16> to vector<1x32xbf16>
      tpu.vector_store %arg8[%swap3A_906, %swap3A_907], %swap3A_910 {strides = array<i32>} : memref<8x1024xbf16, #tpu.memory_space<vmem>>, vector<1x32xbf16>,
      %swap3A_911 = arith.index_cast %scan3A_856 : i32 to index
      %swap3A_912 = arith.constant 352 : index
      %swap3A_913 = tpu.vector_load %arg8[%swap3A_911, %swap3A_912] {strides = array<i32>} : memref<8x1024xbf16, #tpu.memory_space<vmem>>, vector<1x32xbf16>,
      %swap3A_914 = vector.shape_cast %swap3A_913 : vector<1x32xbf16> to vector<32xbf16>
      %swap3A_915 = vector.shape_cast %broadcast_in_dim3A_1 : vector<32xbf16> to vector<1x32xbf16>
      tpu.vector_store %arg8[%swap3A_911, %swap3A_912], %swap3A_915 {strides = array<i32>} : memref<8x1024xbf16, #tpu.memory_space<vmem>>, vector<1x32xbf16>,
      %swap3A_916 = arith.index_cast %scan3A_856 : i32 to index
      %swap3A_917 = arith.constant 384 : index
      %swap3A_918 = tpu.vector_load %arg8[%swap3A_916, %swap3A_917] {strides = array<i32>} : memref<8x1024xbf16, #tpu.memory_space<vmem>>, vector<1x32xbf16>,
      %swap3A_919 = vector.shape_cast %swap3A_918 : vector<1x32xbf16> to vector<32xbf16>
      %swap3A_920 = vector.shape_cast %broadcast_in_dim3A_1 : vector<32xbf16> to vector<1x32xbf16>
      tpu.vector_store %arg8[%swap3A_916, %swap3A_917], %swap3A_920 {strides = array<i32>} : memref<8x1024xbf16, #tpu.memory_space<vmem>>, vector<1x32xbf16>,
      %swap3A_921 = arith.index_cast %scan3A_856 : i32 to index
      %swap3A_922 = arith.constant 416 : index
      %swap3A_923 = tpu.vector_load %arg8[%swap3A_921, %swap3A_922] {strides = array<i32>} : memref<8x1024xbf16, #tpu.memory_space<vmem>>, vector<1x32xbf16>,
      %swap3A_924 = vector.shape_cast %swap3A_923 : vector<1x32xbf16> to vector<32xbf16>
      %swap3A_925 = vector.shape_cast %broadcast_in_dim3A_1 : vector<32xbf16> to vector<1x32xbf16>
      tpu.vector_store %arg8[%swap3A_921, %swap3A_922], %swap3A_925 {strides = array<i32>} : memref<8x1024xbf16, #tpu.memory_space<vmem>>, vector<1x32xbf16>,
      %swap3A_926 = arith.index_cast %scan3A_856 : i32 to index
      %swap3A_927 = arith.constant 448 : index
      %swap3A_928 = tpu.vector_load %arg8[%swap3A_926, %swap3A_927] {strides = array<i32>} : memref<8x1024xbf16, #tpu.memory_space<vmem>>, vector<1x32xbf16>,
      %swap3A_929 = vector.shape_cast %swap3A_928 : vector<1x32xbf16> to vector<32xbf16>
      %swap3A_930 = vector.shape_cast %broadcast_in_dim3A_1 : vector<32xbf16> to vector<1x32xbf16>
      tpu.vector_store %arg8[%swap3A_926, %swap3A_927], %swap3A_930 {strides = array<i32>} : memref<8x1024xbf16, #tpu.memory_space<vmem>>, vector<1x32xbf16>,
      %swap3A_931 = arith.index_cast %scan3A_856 : i32 to index
      %swap3A_932 = arith.constant 480 : index
      %swap3A_933 = tpu.vector_load %arg8[%swap3A_931, %swap3A_932] {strides = array<i32>} : memref<8x1024xbf16, #tpu.memory_space<vmem>>, vector<1x32xbf16>,
      %swap3A_934 = vector.shape_cast %swap3A_933 : vector<1x32xbf16> to vector<32xbf16>
      %swap3A_935 = vector.shape_cast %broadcast_in_dim3A_1 : vector<32xbf16> to vector<1x32xbf16>
      tpu.vector_store %arg8[%swap3A_931, %swap3A_932], %swap3A_935 {strides = array<i32>} : memref<8x1024xbf16, #tpu.memory_space<vmem>>, vector<1x32xbf16>,
      %swap3A_936 = arith.index_cast %scan3A_856 : i32 to index
      %swap3A_937 = arith.constant 512 : index
      %swap3A_938 = tpu.vector_load %arg8[%swap3A_936, %swap3A_937] {strides = array<i32>} : memref<8x1024xbf16, #tpu.memory_space<vmem>>, vector<1x32xbf16>,
      %swap3A_939 = vector.shape_cast %swap3A_938 : vector<1x32xbf16> to vector<32xbf16>
      %swap3A_940 = vector.shape_cast %broadcast_in_dim3A_1 : vector<32xbf16> to vector<1x32xbf16>
      tpu.vector_store %arg8[%swap3A_936, %swap3A_937], %swap3A_940 {strides = array<i32>} : memref<8x1024xbf16, #tpu.memory_space<vmem>>, vector<1x32xbf16>,
      %swap3A_941 = arith.index_cast %scan3A_856 : i32 to index
      %swap3A_942 = arith.constant 544 : index
      %swap3A_943 = tpu.vector_load %arg8[%swap3A_941, %swap3A_942] {strides = array<i32>} : memref<8x1024xbf16, #tpu.memory_space<vmem>>, vector<1x32xbf16>,
      %swap3A_944 = vector.shape_cast %swap3A_943 : vector<1x32xbf16> to vector<32xbf16>
      %swap3A_945 = vector.shape_cast %broadcast_in_dim3A_1 : vector<32xbf16> to vector<1x32xbf16>
      tpu.vector_store %arg8[%swap3A_941, %swap3A_942], %swap3A_945 {strides = array<i32>} : memref<8x1024xbf16, #tpu.memory_space<vmem>>, vector<1x32xbf16>,
      %swap3A_946 = arith.index_cast %scan3A_856 : i32 to index
      %swap3A_947 = arith.constant 576 : index
      %swap3A_948 = tpu.vector_load %arg8[%swap3A_946, %swap3A_947] {strides = array<i32>} : memref<8x1024xbf16, #tpu.memory_space<vmem>>, vector<1x32xbf16>,
      %swap3A_949 = vector.shape_cast %swap3A_948 : vector<1x32xbf16> to vector<32xbf16>
      %swap3A_950 = vector.shape_cast %broadcast_in_dim3A_1 : vector<32xbf16> to vector<1x32xbf16>
      tpu.vector_store %arg8[%swap3A_946, %swap3A_947], %swap3A_950 {strides = array<i32>} : memref<8x1024xbf16, #tpu.memory_space<vmem>>, vector<1x32xbf16>,
      %swap3A_951 = arith.index_cast %scan3A_856 : i32 to index
      %swap3A_952 = arith.constant 608 : index
      %swap3A_953 = tpu.vector_load %arg8[%swap3A_951, %swap3A_952] {strides = array<i32>} : memref<8x1024xbf16, #tpu.memory_space<vmem>>, vector<1x32xbf16>,
      %swap3A_954 = vector.shape_cast %swap3A_953 : vector<1x32xbf16> to vector<32xbf16>
      %swap3A_955 = vector.shape_cast %broadcast_in_dim3A_1 : vector<32xbf16> to vector<1x32xbf16>
      tpu.vector_store %arg8[%swap3A_951, %swap3A_952], %swap3A_955 {strides = array<i32>} : memref<8x1024xbf16, #tpu.memory_space<vmem>>, vector<1x32xbf16>,
      %swap3A_956 = arith.index_cast %scan3A_856 : i32 to index
      %swap3A_957 = arith.constant 640 : index
      %swap3A_958 = tpu.vector_load %arg8[%swap3A_956, %swap3A_957] {strides = array<i32>} : memref<8x1024xbf16, #tpu.memory_space<vmem>>, vector<1x32xbf16>,
      %swap3A_959 = vector.shape_cast %swap3A_958 : vector<1x32xbf16> to vector<32xbf16>
      %swap3A_960 = vector.shape_cast %broadcast_in_dim3A_1 : vector<32xbf16> to vector<1x32xbf16>
      tpu.vector_store %arg8[%swap3A_956, %swap3A_957], %swap3A_960 {strides = array<i32>} : memref<8x1024xbf16, #tpu.memory_space<vmem>>, vector<1x32xbf16>,
      %swap3A_961 = arith.index_cast %scan3A_856 : i32 to index
      %swap3A_962 = arith.constant 672 : index
      %swap3A_963 = tpu.vector_load %arg8[%swap3A_961, %swap3A_962] {strides = array<i32>} : memref<8x1024xbf16, #tpu.memory_space<vmem>>, vector<1x32xbf16>,
      %swap3A_964 = vector.shape_cast %swap3A_963 : vector<1x32xbf16> to vector<32xbf16>
      %swap3A_965 = vector.shape_cast %broadcast_in_dim3A_1 : vector<32xbf16> to vector<1x32xbf16>
      tpu.vector_store %arg8[%swap3A_961, %swap3A_962], %swap3A_965 {strides = array<i32>} : memref<8x1024xbf16, #tpu.memory_space<vmem>>, vector<1x32xbf16>,
      %swap3A_966 = arith.index_cast %scan3A_856 : i32 to index
      %swap3A_967 = arith.constant 704 : index
      %swap3A_968 = tpu.vector_load %arg8[%swap3A_966, %swap3A_967] {strides = array<i32>} : memref<8x1024xbf16, #tpu.memory_space<vmem>>, vector<1x32xbf16>,
      %swap3A_969 = vector.shape_cast %swap3A_968 : vector<1x32xbf16> to vector<32xbf16>
      %swap3A_970 = vector.shape_cast %broadcast_in_dim3A_1 : vector<32xbf16> to vector<1x32xbf16>
      tpu.vector_store %arg8[%swap3A_966, %swap3A_967], %swap3A_970 {strides = array<i32>} : memref<8x1024xbf16, #tpu.memory_space<vmem>>, vector<1x32xbf16>,
      %swap3A_971 = arith.index_cast %scan3A_856 : i32 to index
      %swap3A_972 = arith.constant 736 : index
      %swap3A_973 = tpu.vector_load %arg8[%swap3A_971, %swap3A_972] {strides = array<i32>} : memref<8x1024xbf16, #tpu.memory_space<vmem>>, vector<1x32xbf16>,
      %swap3A_974 = vector.shape_cast %swap3A_973 : vector<1x32xbf16> to vector<32xbf16>
      %swap3A_975 = vector.shape_cast %broadcast_in_dim3A_1 : vector<32xbf16> to vector<1x32xbf16>
      tpu.vector_store %arg8[%swap3A_971, %swap3A_972], %swap3A_975 {strides = array<i32>} : memref<8x1024xbf16, #tpu.memory_space<vmem>>, vector<1x32xbf16>,
      %swap3A_976 = arith.index_cast %scan3A_856 : i32 to index
      %swap3A_977 = arith.constant 768 : index
      %swap3A_978 = tpu.vector_load %arg8[%swap3A_976, %swap3A_977] {strides = array<i32>} : memref<8x1024xbf16, #tpu.memory_space<vmem>>, vector<1x32xbf16>,
      %swap3A_979 = vector.shape_cast %swap3A_978 : vector<1x32xbf16> to vector<32xbf16>
      %swap3A_980 = vector.shape_cast %broadcast_in_dim3A_1 : vector<32xbf16> to vector<1x32xbf16>
      tpu.vector_store %arg8[%swap3A_976, %swap3A_977], %swap3A_980 {strides = array<i32>} : memref<8x1024xbf16, #tpu.memory_space<vmem>>, vector<1x32xbf16>,
      %swap3A_981 = arith.index_cast %scan3A_856 : i32 to index
      %swap3A_982 = arith.constant 800 : index
      %swap3A_983 = tpu.vector_load %arg8[%swap3A_981, %swap3A_982] {strides = array<i32>} : memref<8x1024xbf16, #tpu.memory_space<vmem>>, vector<1x32xbf16>,
      %swap3A_984 = vector.shape_cast %swap3A_983 : vector<1x32xbf16> to vector<32xbf16>
      %swap3A_985 = vector.shape_cast %broadcast_in_dim3A_1 : vector<32xbf16> to vector<1x32xbf16>
      tpu.vector_store %arg8[%swap3A_981, %swap3A_982], %swap3A_985 {strides = array<i32>} : memref<8x1024xbf16, #tpu.memory_space<vmem>>, vector<1x32xbf16>,
      %swap3A_986 = arith.index_cast %scan3A_856 : i32 to index
      %swap3A_987 = arith.constant 832 : index
      %swap3A_988 = tpu.vector_load %arg8[%swap3A_986, %swap3A_987] {strides = array<i32>} : memref<8x1024xbf16, #tpu.memory_space<vmem>>, vector<1x32xbf16>,
      %swap3A_989 = vector.shape_cast %swap3A_988 : vector<1x32xbf16> to vector<32xbf16>
      %swap3A_990 = vector.shape_cast %broadcast_in_dim3A_1 : vector<32xbf16> to vector<1x32xbf16>
      tpu.vector_store %arg8[%swap3A_986, %swap3A_987], %swap3A_990 {strides = array<i32>} : memref<8x1024xbf16, #tpu.memory_space<vmem>>, vector<1x32xbf16>,
      %swap3A_991 = arith.index_cast %scan3A_856 : i32 to index
      %swap3A_992 = arith.constant 864 : index
      %swap3A_993 = tpu.vector_load %arg8[%swap3A_991, %swap3A_992] {strides = array<i32>} : memref<8x1024xbf16, #tpu.memory_space<vmem>>, vector<1x32xbf16>,
      %swap3A_994 = vector.shape_cast %swap3A_993 : vector<1x32xbf16> to vector<32xbf16>
      %swap3A_995 = vector.shape_cast %broadcast_in_dim3A_1 : vector<32xbf16> to vector<1x32xbf16>
      tpu.vector_store %arg8[%swap3A_991, %swap3A_992], %swap3A_995 {strides = array<i32>} : memref<8x1024xbf16, #tpu.memory_space<vmem>>, vector<1x32xbf16>,
      %swap3A_996 = arith.index_cast %scan3A_856 : i32 to index
      %swap3A_997 = arith.constant 896 : index
      %swap3A_998 = tpu.vector_load %arg8[%swap3A_996, %swap3A_997] {strides = array<i32>} : memref<8x1024xbf16, #tpu.memory_space<vmem>>, vector<1x32xbf16>,
      %swap3A_999 = vector.shape_cast %swap3A_998 : vector<1x32xbf16> to vector<32xbf16>
      %swap3A_1000 = vector.shape_cast %broadcast_in_dim3A_1 : vector<32xbf16> to vector<1x32xbf16>
      tpu.vector_store %arg8[%swap3A_996, %swap3A_997], %swap3A_1000 {strides = array<i32>} : memref<8x1024xbf16, #tpu.memory_space<vmem>>, vector<1x32xbf16>,
      %swap3A_1001 = arith.index_cast %scan3A_856 : i32 to index
      %swap3A_1002 = arith.constant 928 : index
      %swap3A_1003 = tpu.vector_load %arg8[%swap3A_1001, %swap3A_1002] {strides = array<i32>} : memref<8x1024xbf16, #tpu.memory_space<vmem>>, vector<1x32xbf16>,
      %swap3A_1004 = vector.shape_cast %swap3A_1003 : vector<1x32xbf16> to vector<32xbf16>
      %swap3A_1005 = vector.shape_cast %broadcast_in_dim3A_1 : vector<32xbf16> to vector<1x32xbf16>
      tpu.vector_store %arg8[%swap3A_1001, %swap3A_1002], %swap3A_1005 {strides = array<i32>} : memref<8x1024xbf16, #tpu.memory_space<vmem>>, vector<1x32xbf16>,
      %swap3A_1006 = arith.index_cast %scan3A_856 : i32 to index
      %swap3A_1007 = arith.constant 960 : index
      %swap3A_1008 = tpu.vector_load %arg8[%swap3A_1006, %swap3A_1007] {strides = array<i32>} : memref<8x1024xbf16, #tpu.memory_space<vmem>>, vector<1x32xbf16>,
      %swap3A_1009 = vector.shape_cast %swap3A_1008 : vector<1x32xbf16> to vector<32xbf16>
      %swap3A_1010 = vector.shape_cast %broadcast_in_dim3A_1 : vector<32xbf16> to vector<1x32xbf16>
      tpu.vector_store %arg8[%swap3A_1006, %swap3A_1007], %swap3A_1010 {strides = array<i32>} : memref<8x1024xbf16, #tpu.memory_space<vmem>>, vector<1x32xbf16>,
      %swap3A_1011 = arith.index_cast %scan3A_856 : i32 to index
      %swap3A_1012 = arith.constant 992 : index
      %swap3A_1013 = tpu.vector_load %arg8[%swap3A_1011, %swap3A_1012] {strides = array<i32>} : memref<8x1024xbf16, #tpu.memory_space<vmem>>, vector<1x32xbf16>,
      %swap3A_1014 = vector.shape_cast %swap3A_1013 : vector<1x32xbf16> to vector<32xbf16>
      %swap3A_1015 = vector.shape_cast %broadcast_in_dim3A_1 : vector<32xbf16> to vector<1x32xbf16>
      tpu.vector_store %arg8[%swap3A_1011, %swap3A_1012], %swap3A_1015 {strides = array<i32>} : memref<8x1024xbf16, #tpu.memory_space<vmem>>, vector<1x32xbf16>,
    }
    %scan3A_6 = arith.constant 8 : i32
    %mul3A_7 = arith.constant 64 : i32
    %mul3A_8 = arith.muli %arg1, %mul3A_7 : i32
    %add3A_9 = arith.constant 0 : i32
    %add3A_10 = arith.addi %mul3A_8, %add3A_9 : i32
    "tpu.region"() ({
      %run_scoped3A = tpu.sem_alloc : memref<!tpu.dma_semaphore, #tpu.memory_space<semaphore_mem>>
      %dma_start3A_856 = arith.constant 0 : i32
      %dma_start3A_857 = tpu.memref_slice %arg9[%add3A_10, %dma_start3A_856] : memref<1024x1024xbf16, #tpu.memory_space<vmem_shared>> -> memref<8x1024xbf16, #tpu.memory_space<vmem_shared>>
      %dma_start3A_858 = arith.constant 0 : i32
      %dma_start3A_859 = tpu.memref_slice %arg9[%add3A_10, %dma_start3A_858] : memref<1024x1024xbf16, #tpu.memory_space<vmem_shared>> -> memref<8x1024xbf16, #tpu.memory_space<vmem_shared>>
      tpu.enqueue_dma source(%arg8 : memref<8x1024xbf16, #tpu.memory_space<vmem>>) target(%dma_start3A_859 : memref<8x1024xbf16, #tpu.memory_space<vmem_shared>>) target_semaphore(%run_scoped3A : memref<!tpu.dma_semaphore, #tpu.memory_space<semaphore_mem>>)
      %dma_wait3A_860 = arith.constant 0 : i32
      %dma_wait3A_861 = tpu.memref_slice %arg9[%add3A_10, %dma_wait3A_860] : memref<1024x1024xbf16, #tpu.memory_space<vmem_shared>> -> memref<8x1024xbf16, #tpu.memory_space<vmem_shared>>
      %dma_wait3A_862 = arith.constant 0 : i32
      %dma_wait3A_863 = tpu.memref_slice %arg9[%add3A_10, %dma_wait3A_862] : memref<1024x1024xbf16, #tpu.memory_space<vmem_shared>> -> memref<8x1024xbf16, #tpu.memory_space<vmem_shared>>
      tpu.wait_dma2 semaphore(%run_scoped3A : memref<!tpu.dma_semaphore, #tpu.memory_space<semaphore_mem>>) src(%arg8 : memref<8x1024xbf16, #tpu.memory_space<vmem>>) dst(%dma_wait3A_863 : memref<8x1024xbf16, #tpu.memory_space<vmem_shared>>)
      tpu.yield
    }) : () -> ()
    %mul3A_11 = arith.constant 64 : i32
    %mul3A_12 = arith.muli %arg1, %mul3A_11 : i32
    %add3A_13 = arith.constant 8 : i32
    %add3A_14 = arith.addi %mul3A_12, %add3A_13 : i32
    "tpu.region"() ({
      %run_scoped3A = tpu.sem_alloc : memref<!tpu.dma_semaphore, #tpu.memory_space<semaphore_mem>>
      %dma_start3A_856 = arith.constant 0 : i32
      %dma_start3A_857 = tpu.memref_slice %arg9[%add3A_14, %dma_start3A_856] : memref<1024x1024xbf16, #tpu.memory_space<vmem_shared>> -> memref<8x1024xbf16, #tpu.memory_space<vmem_shared>>
      %dma_start3A_858 = arith.constant 0 : i32
      %dma_start3A_859 = tpu.memref_slice %arg9[%add3A_14, %dma_start3A_858] : memref<1024x1024xbf16, #tpu.memory_space<vmem_shared>> -> memref<8x1024xbf16, #tpu.memory_space<vmem_shared>>
      tpu.enqueue_dma source(%arg8 : memref<8x1024xbf16, #tpu.memory_space<vmem>>) target(%dma_start3A_859 : memref<8x1024xbf16, #tpu.memory_space<vmem_shared>>) target_semaphore(%run_scoped3A : memref<!tpu.dma_semaphore, #tpu.memory_space<semaphore_mem>>)
      %dma_wait3A_860 = arith.constant 0 : i32
      %dma_wait3A_861 = tpu.memref_slice %arg9[%add3A_14, %dma_wait3A_860] : memref<1024x1024xbf16, #tpu.memory_space<vmem_shared>> -> memref<8x1024xbf16, #tpu.memory_space<vmem_shared>>
      %dma_wait3A_862 = arith.constant 0 : i32
      %dma_wait3A_863 = tpu.memref_slice %arg9[%add3A_14, %dma_wait3A_862] : memref<1024x1024xbf16, #tpu.memory_space<vmem_shared>> -> memref<8x1024xbf16, #tpu.memory_space<vmem_shared>>
      tpu.wait_dma2 semaphore(%run_scoped3A : memref<!tpu.dma_semaphore, #tpu.memory_space<semaphore_mem>>) src(%arg8 : memref<8x1024xbf16, #tpu.memory_space<vmem>>) dst(%dma_wait3A_863 : memref<8x1024xbf16, #tpu.memory_space<vmem_shared>>)
      tpu.yield
    }) : () -> ()
    %mul3A_15 = arith.constant 64 : i32
    %mul3A_16 = arith.muli %arg1, %mul3A_15 : i32
    %add3A_17 = arith.constant 16 : i32
    %add3A_18 = arith.addi %mul3A_16, %add3A_17 : i32
    "tpu.region"() ({
      %run_scoped3A = tpu.sem_alloc : memref<!tpu.dma_semaphore, #tpu.memory_space<semaphore_mem>>
      %dma_start3A_856 = arith.constant 0 : i32
      %dma_start3A_857 = tpu.memref_slice %arg9[%add3A_18, %dma_start3A_856] : memref<1024x1024xbf16, #tpu.memory_space<vmem_shared>> -> memref<8x1024xbf16, #tpu.memory_space<vmem_shared>>
      %dma_start3A_858 = arith.constant 0 : i32
      %dma_start3A_859 = tpu.memref_slice %arg9[%add3A_18, %dma_start3A_858] : memref<1024x1024xbf16, #tpu.memory_space<vmem_shared>> -> memref<8x1024xbf16, #tpu.memory_space<vmem_shared>>
      tpu.enqueue_dma source(%arg8 : memref<8x1024xbf16, #tpu.memory_space<vmem>>) target(%dma_start3A_859 : memref<8x1024xbf16, #tpu.memory_space<vmem_shared>>) target_semaphore(%run_scoped3A : memref<!tpu.dma_semaphore, #tpu.memory_space<semaphore_mem>>)
      %dma_wait3A_860 = arith.constant 0 : i32
      %dma_wait3A_861 = tpu.memref_slice %arg9[%add3A_18, %dma_wait3A_860] : memref<1024x1024xbf16, #tpu.memory_space<vmem_shared>> -> memref<8x1024xbf16, #tpu.memory_space<vmem_shared>>
      %dma_wait3A_862 = arith.constant 0 : i32
      %dma_wait3A_863 = tpu.memref_slice %arg9[%add3A_18, %dma_wait3A_862] : memref<1024x1024xbf16, #tpu.memory_space<vmem_shared>> -> memref<8x1024xbf16, #tpu.memory_space<vmem_shared>>
      tpu.wait_dma2 semaphore(%run_scoped3A : memref<!tpu.dma_semaphore, #tpu.memory_space<semaphore_mem>>) src(%arg8 : memref<8x1024xbf16, #tpu.memory_space<vmem>>) dst(%dma_wait3A_863 : memref<8x1024xbf16, #tpu.memory_space<vmem_shared>>)
      tpu.yield
    }) : () -> ()
    %mul3A_19 = arith.constant 64 : i32
    %mul3A_20 = arith.muli %arg1, %mul3A_19 : i32
    %add3A_21 = arith.constant 24 : i32
    %add3A_22 = arith.addi %mul3A_20, %add3A_21 : i32
    "tpu.region"() ({
      %run_scoped3A = tpu.sem_alloc : memref<!tpu.dma_semaphore, #tpu.memory_space<semaphore_mem>>
      %dma_start3A_856 = arith.constant 0 : i32
      %dma_start3A_857 = tpu.memref_slice %arg9[%add3A_22, %dma_start3A_856] : memref<1024x1024xbf16, #tpu.memory_space<vmem_shared>> -> memref<8x1024xbf16, #tpu.memory_space<vmem_shared>>
      %dma_start3A_858 = arith.constant 0 : i32
      %dma_start3A_859 = tpu.memref_slice %arg9[%add3A_22, %dma_start3A_858] : memref<1024x1024xbf16, #tpu.memory_space<vmem_shared>> -> memref<8x1024xbf16, #tpu.memory_space<vmem_shared>>
      tpu.enqueue_dma source(%arg8 : memref<8x1024xbf16, #tpu.memory_space<vmem>>) target(%dma_start3A_859 : memref<8x1024xbf16, #tpu.memory_space<vmem_shared>>) target_semaphore(%run_scoped3A : memref<!tpu.dma_semaphore, #tpu.memory_space<semaphore_mem>>)
      %dma_wait3A_860 = arith.constant 0 : i32
      %dma_wait3A_861 = tpu.memref_slice %arg9[%add3A_22, %dma_wait3A_860] : memref<1024x1024xbf16, #tpu.memory_space<vmem_shared>> -> memref<8x1024xbf16, #tpu.memory_space<vmem_shared>>
      %dma_wait3A_862 = arith.constant 0 : i32
      %dma_wait3A_863 = tpu.memref_slice %arg9[%add3A_22, %dma_wait3A_862] : memref<1024x1024xbf16, #tpu.memory_space<vmem_shared>> -> memref<8x1024xbf16, #tpu.memory_space<vmem_shared>>
      tpu.wait_dma2 semaphore(%run_scoped3A : memref<!tpu.dma_semaphore, #tpu.memory_space<semaphore_mem>>) src(%arg8 : memref<8x1024xbf16, #tpu.memory_space<vmem>>) dst(%dma_wait3A_863 : memref<8x1024xbf16, #tpu.memory_space<vmem_shared>>)
      tpu.yield
    }) : () -> ()
    %mul3A_23 = arith.constant 64 : i32
    %mul3A_24 = arith.muli %arg1, %mul3A_23 : i32
    %add3A_25 = arith.constant 32 : i32
    %add3A_26 = arith.addi %mul3A_24, %add3A_25 : i32
    "tpu.region"() ({
      %run_scoped3A = tpu.sem_alloc : memref<!tpu.dma_semaphore, #tpu.memory_space<semaphore_mem>>
      %dma_start3A_856 = arith.constant 0 : i32
      %dma_start3A_857 = tpu.memref_slice %arg9[%add3A_26, %dma_start3A_856] : memref<1024x1024xbf16, #tpu.memory_space<vmem_shared>> -> memref<8x1024xbf16, #tpu.memory_space<vmem_shared>>
      %dma_start3A_858 = arith.constant 0 : i32
      %dma_start3A_859 = tpu.memref_slice %arg9[%add3A_26, %dma_start3A_858] : memref<1024x1024xbf16, #tpu.memory_space<vmem_shared>> -> memref<8x1024xbf16, #tpu.memory_space<vmem_shared>>
      tpu.enqueue_dma source(%arg8 : memref<8x1024xbf16, #tpu.memory_space<vmem>>) target(%dma_start3A_859 : memref<8x1024xbf16, #tpu.memory_space<vmem_shared>>) target_semaphore(%run_scoped3A : memref<!tpu.dma_semaphore, #tpu.memory_space<semaphore_mem>>)
      %dma_wait3A_860 = arith.constant 0 : i32
      %dma_wait3A_861 = tpu.memref_slice %arg9[%add3A_26, %dma_wait3A_860] : memref<1024x1024xbf16, #tpu.memory_space<vmem_shared>> -> memref<8x1024xbf16, #tpu.memory_space<vmem_shared>>
      %dma_wait3A_862 = arith.constant 0 : i32
      %dma_wait3A_863 = tpu.memref_slice %arg9[%add3A_26, %dma_wait3A_862] : memref<1024x1024xbf16, #tpu.memory_space<vmem_shared>> -> memref<8x1024xbf16, #tpu.memory_space<vmem_shared>>
      tpu.wait_dma2 semaphore(%run_scoped3A : memref<!tpu.dma_semaphore, #tpu.memory_space<semaphore_mem>>) src(%arg8 : memref<8x1024xbf16, #tpu.memory_space<vmem>>) dst(%dma_wait3A_863 : memref<8x1024xbf16, #tpu.memory_space<vmem_shared>>)
      tpu.yield
    }) : () -> ()
    %mul3A_27 = arith.constant 64 : i32
    %mul3A_28 = arith.muli %arg1, %mul3A_27 : i32
    %add3A_29 = arith.constant 40 : i32
    %add3A_30 = arith.addi %mul3A_28, %add3A_29 : i32
    "tpu.region"() ({
      %run_scoped3A = tpu.sem_alloc : memref<!tpu.dma_semaphore, #tpu.memory_space<semaphore_mem>>
      %dma_start3A_856 = arith.constant 0 : i32
      %dma_start3A_857 = tpu.memref_slice %arg9[%add3A_30, %dma_start3A_856] : memref<1024x1024xbf16, #tpu.memory_space<vmem_shared>> -> memref<8x1024xbf16, #tpu.memory_space<vmem_shared>>
      %dma_start3A_858 = arith.constant 0 : i32
      %dma_start3A_859 = tpu.memref_slice %arg9[%add3A_30, %dma_start3A_858] : memref<1024x1024xbf16, #tpu.memory_space<vmem_shared>> -> memref<8x1024xbf16, #tpu.memory_space<vmem_shared>>
      tpu.enqueue_dma source(%arg8 : memref<8x1024xbf16, #tpu.memory_space<vmem>>) target(%dma_start3A_859 : memref<8x1024xbf16, #tpu.memory_space<vmem_shared>>) target_semaphore(%run_scoped3A : memref<!tpu.dma_semaphore, #tpu.memory_space<semaphore_mem>>)
      %dma_wait3A_860 = arith.constant 0 : i32
      %dma_wait3A_861 = tpu.memref_slice %arg9[%add3A_30, %dma_wait3A_860] : memref<1024x1024xbf16, #tpu.memory_space<vmem_shared>> -> memref<8x1024xbf16, #tpu.memory_space<vmem_shared>>
      %dma_wait3A_862 = arith.constant 0 : i32
      %dma_wait3A_863 = tpu.memref_slice %arg9[%add3A_30, %dma_wait3A_862] : memref<1024x1024xbf16, #tpu.memory_space<vmem_shared>> -> memref<8x1024xbf16, #tpu.memory_space<vmem_shared>>
      tpu.wait_dma2 semaphore(%run_scoped3A : memref<!tpu.dma_semaphore, #tpu.memory_space<semaphore_mem>>) src(%arg8 : memref<8x1024xbf16, #tpu.memory_space<vmem>>) dst(%dma_wait3A_863 : memref<8x1024xbf16, #tpu.memory_space<vmem_shared>>)
      tpu.yield
    }) : () -> ()
    %mul3A_31 = arith.constant 64 : i32
    %mul3A_32 = arith.muli %arg1, %mul3A_31 : i32
    %add3A_33 = arith.constant 48 : i32
    %add3A_34 = arith.addi %mul3A_32, %add3A_33 : i32
    "tpu.region"() ({
      %run_scoped3A = tpu.sem_alloc : memref<!tpu.dma_semaphore, #tpu.memory_space<semaphore_mem>>
      %dma_start3A_856 = arith.constant 0 : i32
      %dma_start3A_857 = tpu.memref_slice %arg9[%add3A_34, %dma_start3A_856] : memref<1024x1024xbf16, #tpu.memory_space<vmem_shared>> -> memref<8x1024xbf16, #tpu.memory_space<vmem_shared>>
      %dma_start3A_858 = arith.constant 0 : i32
      %dma_start3A_859 = tpu.memref_slice %arg9[%add3A_34, %dma_start3A_858] : memref<1024x1024xbf16, #tpu.memory_space<vmem_shared>> -> memref<8x1024xbf16, #tpu.memory_space<vmem_shared>>
      tpu.enqueue_dma source(%arg8 : memref<8x1024xbf16, #tpu.memory_space<vmem>>) target(%dma_start3A_859 : memref<8x1024xbf16, #tpu.memory_space<vmem_shared>>) target_semaphore(%run_scoped3A : memref<!tpu.dma_semaphore, #tpu.memory_space<semaphore_mem>>)
      %dma_wait3A_860 = arith.constant 0 : i32
      %dma_wait3A_861 = tpu.memref_slice %arg9[%add3A_34, %dma_wait3A_860] : memref<1024x1024xbf16, #tpu.memory_space<vmem_shared>> -> memref<8x1024xbf16, #tpu.memory_space<vmem_shared>>
      %dma_wait3A_862 = arith.constant 0 : i32
      %dma_wait3A_863 = tpu.memref_slice %arg9[%add3A_34, %dma_wait3A_862] : memref<1024x1024xbf16, #tpu.memory_space<vmem_shared>> -> memref<8x1024xbf16, #tpu.memory_space<vmem_shared>>
      tpu.wait_dma2 semaphore(%run_scoped3A : memref<!tpu.dma_semaphore, #tpu.memory_space<semaphore_mem>>) src(%arg8 : memref<8x1024xbf16, #tpu.memory_space<vmem>>) dst(%dma_wait3A_863 : memref<8x1024xbf16, #tpu.memory_space<vmem_shared>>)
      tpu.yield
    }) : () -> ()
    %mul3A_35 = arith.constant 64 : i32
    %mul3A_36 = arith.muli %arg1, %mul3A_35 : i32
    %add3A_37 = arith.constant 56 : i32
    %add3A_38 = arith.addi %mul3A_36, %add3A_37 : i32
    "tpu.region"() ({
      %run_scoped3A = tpu.sem_alloc : memref<!tpu.dma_semaphore, #tpu.memory_space<semaphore_mem>>
      %dma_start3A_856 = arith.constant 0 : i32
      %dma_start3A_857 = tpu.memref_slice %arg9[%add3A_38, %dma_start3A_856] : memref<1024x1024xbf16, #tpu.memory_space<vmem_shared>> -> memref<8x1024xbf16, #tpu.memory_space<vmem_shared>>
      %dma_start3A_858 = arith.constant 0 : i32
      %dma_start3A_859 = tpu.memref_slice %arg9[%add3A_38, %dma_start3A_858] : memref<1024x1024xbf16, #tpu.memory_space<vmem_shared>> -> memref<8x1024xbf16, #tpu.memory_space<vmem_shared>>
      tpu.enqueue_dma source(%arg8 : memref<8x1024xbf16, #tpu.memory_space<vmem>>) target(%dma_start3A_859 : memref<8x1024xbf16, #tpu.memory_space<vmem_shared>>) target_semaphore(%run_scoped3A : memref<!tpu.dma_semaphore, #tpu.memory_space<semaphore_mem>>)
      %dma_wait3A_860 = arith.constant 0 : i32
      %dma_wait3A_861 = tpu.memref_slice %arg9[%add3A_38, %dma_wait3A_860] : memref<1024x1024xbf16, #tpu.memory_space<vmem_shared>> -> memref<8x1024xbf16, #tpu.memory_space<vmem_shared>>
      %dma_wait3A_862 = arith.constant 0 : i32
      %dma_wait3A_863 = tpu.memref_slice %arg9[%add3A_38, %dma_wait3A_862] : memref<1024x1024xbf16, #tpu.memory_space<vmem_shared>> -> memref<8x1024xbf16, #tpu.memory_space<vmem_shared>>
      tpu.wait_dma2 semaphore(%run_scoped3A : memref<!tpu.dma_semaphore, #tpu.memory_space<semaphore_mem>>) src(%arg8 : memref<8x1024xbf16, #tpu.memory_space<vmem>>) dst(%dma_wait3A_863 : memref<8x1024xbf16, #tpu.memory_space<vmem_shared>>)
      tpu.yield
    }) : () -> ()
    %barrier3A = arith.constant 0 : index
    tpu.barrier barrier_id(%barrier3A)
    %mul3A_39 = arith.constant 512 : i32
    %mul3A_40 = arith.muli %add3A, %mul3A_39 : i32
    %add3A_41 = arith.constant 0 : i32
    %add3A_42 = arith.addi %mul3A_40, %add3A_41 : i32
    %dma_start3A = tpu.memref_slice %arg3[%add3A_42] : memref<16384xi32, #tpu.memory_space<hbm>> -> memref<32xi32, #tpu.memory_space<hbm>>
    %dma_start3A_43 = tpu.memref_slice %arg3[%add3A_42] : memref<16384xi32, #tpu.memory_space<hbm>> -> memref<32xi32, #tpu.memory_space<hbm>>
    tpu.enqueue_dma source(%dma_start3A_43 : memref<32xi32, #tpu.memory_space<hbm>>) target(%arg5 : memref<32xi32, #tpu.memory_space<vmem>>) target_semaphore(%arg12 : memref<!tpu.dma_semaphore, #tpu.memory_space<semaphore_mem>>)
    %add3A_44 = arith.constant 0 : i32
    %add3A_45 = arith.addi %mul3A_40, %add3A_44 : i32
    %dma_start3A_46 = arith.constant 0 : i32
    %dma_start3A_47 = arith.constant 0 : i32
    %dma_start3A_48 = arith.constant 0 : i32
    %dma_start3A_49 = tpu.memref_slice %arg7[%dma_start3A_46, %dma_start3A_47, %dma_start3A_48] : memref<2x32x1024xbf16, #tpu.memory_space<vmem>> -> memref<1x32x1024xbf16, #tpu.memory_space<vmem>>
    %dma_start3A_50 = tpu.memref_squeeze %dma_start3A_49 : memref<1x32x1024xbf16, #tpu.memory_space<vmem>> -> memref<32x1024xbf16, #tpu.memory_space<vmem>>
    %dma_start3A_51 = arith.constant 0 : i32
    %dma_start3A_52 = tpu.memref_slice %arg2[%add3A_45, %dma_start3A_51] : memref<16384x1024xbf16, #tpu.memory_space<hbm>> -> memref<32x1024xbf16, #tpu.memory_space<hbm>>
    %dma_start3A_53 = arith.constant 0 : i32
    %dma_start3A_54 = arith.constant 0 : i32
    %dma_start3A_55 = tpu.memref_slice %arg7[%dma_start3A_46, %dma_start3A_53, %dma_start3A_54] : memref<2x32x1024xbf16, #tpu.memory_space<vmem>> -> memref<1x32x1024xbf16, #tpu.memory_space<vmem>>
    %dma_start3A_56 = tpu.memref_squeeze %dma_start3A_55 : memref<1x32x1024xbf16, #tpu.memory_space<vmem>> -> memref<32x1024xbf16, #tpu.memory_space<vmem>>
    %dma_start3A_57 = arith.constant 0 : i32
    %dma_start3A_58 = tpu.memref_slice %arg2[%add3A_45, %dma_start3A_57] : memref<16384x1024xbf16, #tpu.memory_space<hbm>> -> memref<32x1024xbf16, #tpu.memory_space<hbm>>
    tpu.enqueue_dma source(%dma_start3A_58 : memref<32x1024xbf16, #tpu.memory_space<hbm>>) target(%dma_start3A_56 : memref<32x1024xbf16, #tpu.memory_space<vmem>>) target_semaphore(%arg10 : memref<!tpu.dma_semaphore, #tpu.memory_space<semaphore_mem>>)
    %add3A_59 = arith.constant 32 : i32
    %add3A_60 = arith.addi %mul3A_40, %add3A_59 : i32
    %dma_start3A_61 = tpu.memref_slice %arg3[%add3A_60] : memref<16384xi32, #tpu.memory_space<hbm>> -> memref<32xi32, #tpu.memory_space<hbm>>
    %dma_start3A_62 = tpu.memref_slice %arg3[%add3A_60] : memref<16384xi32, #tpu.memory_space<hbm>> -> memref<32xi32, #tpu.memory_space<hbm>>
    tpu.enqueue_dma source(%dma_start3A_62 : memref<32xi32, #tpu.memory_space<hbm>>) target(%arg6 : memref<32xi32, #tpu.memory_space<vmem>>) target_semaphore(%arg13 : memref<!tpu.dma_semaphore, #tpu.memory_space<semaphore_mem>>)
    %add3A_63 = arith.constant 32 : i32
    %add3A_64 = arith.addi %mul3A_40, %add3A_63 : i32
    %dma_start3A_65 = arith.constant 1 : i32
    %dma_start3A_66 = arith.constant 0 : i32
    %dma_start3A_67 = arith.constant 0 : i32
    %dma_start3A_68 = tpu.memref_slice %arg7[%dma_start3A_65, %dma_start3A_66, %dma_start3A_67] : memref<2x32x1024xbf16, #tpu.memory_space<vmem>> -> memref<1x32x1024xbf16, #tpu.memory_space<vmem>>
    %dma_start3A_69 = tpu.memref_squeeze %dma_start3A_68 : memref<1x32x1024xbf16, #tpu.memory_space<vmem>> -> memref<32x1024xbf16, #tpu.memory_space<vmem>>
    %dma_start3A_70 = arith.constant 0 : i32
    %dma_start3A_71 = tpu.memref_slice %arg2[%add3A_64, %dma_start3A_70] : memref<16384x1024xbf16, #tpu.memory_space<hbm>> -> memref<32x1024xbf16, #tpu.memory_space<hbm>>
    %dma_start3A_72 = arith.constant 0 : i32
    %dma_start3A_73 = arith.constant 0 : i32
    %dma_start3A_74 = tpu.memref_slice %arg7[%dma_start3A_65, %dma_start3A_72, %dma_start3A_73] : memref<2x32x1024xbf16, #tpu.memory_space<vmem>> -> memref<1x32x1024xbf16, #tpu.memory_space<vmem>>
    %dma_start3A_75 = tpu.memref_squeeze %dma_start3A_74 : memref<1x32x1024xbf16, #tpu.memory_space<vmem>> -> memref<32x1024xbf16, #tpu.memory_space<vmem>>
    %dma_start3A_76 = arith.constant 0 : i32
    %dma_start3A_77 = tpu.memref_slice %arg2[%add3A_64, %dma_start3A_76] : memref<16384x1024xbf16, #tpu.memory_space<hbm>> -> memref<32x1024xbf16, #tpu.memory_space<hbm>>
    tpu.enqueue_dma source(%dma_start3A_77 : memref<32x1024xbf16, #tpu.memory_space<hbm>>) target(%dma_start3A_75 : memref<32x1024xbf16, #tpu.memory_space<vmem>>) target_semaphore(%arg11 : memref<!tpu.dma_semaphore, #tpu.memory_space<semaphore_mem>>)
    %dma_wait3A = tpu.memref_slice %arg3[%add3A_42] : memref<16384xi32, #tpu.memory_space<hbm>> -> memref<32xi32, #tpu.memory_space<hbm>>
    %dma_wait3A_78 = tpu.memref_slice %arg3[%add3A_42] : memref<16384xi32, #tpu.memory_space<hbm>> -> memref<32xi32, #tpu.memory_space<hbm>>
    tpu.wait_dma2 semaphore(%arg12 : memref<!tpu.dma_semaphore, #tpu.memory_space<semaphore_mem>>) src(%dma_wait3A_78 : memref<32xi32, #tpu.memory_space<hbm>>) dst(%arg5 : memref<32xi32, #tpu.memory_space<vmem>>)
    %dma_wait3A_79 = arith.constant 0 : i32
    %dma_wait3A_80 = arith.constant 0 : i32
    %dma_wait3A_81 = arith.constant 0 : i32
    %dma_wait3A_82 = tpu.memref_slice %arg7[%dma_wait3A_79, %dma_wait3A_80, %dma_wait3A_81] : memref<2x32x1024xbf16, #tpu.memory_space<vmem>> -> memref<1x32x1024xbf16, #tpu.memory_space<vmem>>
    %dma_wait3A_83 = tpu.memref_squeeze %dma_wait3A_82 : memref<1x32x1024xbf16, #tpu.memory_space<vmem>> -> memref<32x1024xbf16, #tpu.memory_space<vmem>>
    %dma_wait3A_84 = arith.constant 0 : i32
    %dma_wait3A_85 = tpu.memref_slice %arg2[%add3A_45, %dma_wait3A_84] : memref<16384x1024xbf16, #tpu.memory_space<hbm>> -> memref<32x1024xbf16, #tpu.memory_space<hbm>>
    %dma_wait3A_86 = arith.constant 0 : i32
    %dma_wait3A_87 = arith.constant 0 : i32
    %dma_wait3A_88 = tpu.memref_slice %arg7[%dma_wait3A_79, %dma_wait3A_86, %dma_wait3A_87] : memref<2x32x1024xbf16, #tpu.memory_space<vmem>> -> memref<1x32x1024xbf16, #tpu.memory_space<vmem>>
    %dma_wait3A_89 = tpu.memref_squeeze %dma_wait3A_88 : memref<1x32x1024xbf16, #tpu.memory_space<vmem>> -> memref<32x1024xbf16, #tpu.memory_space<vmem>>
    %dma_wait3A_90 = arith.constant 0 : i32
    %dma_wait3A_91 = tpu.memref_slice %arg2[%add3A_45, %dma_wait3A_90] : memref<16384x1024xbf16, #tpu.memory_space<hbm>> -> memref<32x1024xbf16, #tpu.memory_space<hbm>>
    tpu.wait_dma2 semaphore(%arg10 : memref<!tpu.dma_semaphore, #tpu.memory_space<semaphore_mem>>) src(%dma_wait3A_91 : memref<32x1024xbf16, #tpu.memory_space<hbm>>) dst(%dma_wait3A_89 : memref<32x1024xbf16, #tpu.memory_space<vmem>>)
    %dma_start3A_92 = arith.constant 0 : i32
    %dma_start3A_93 = arith.constant 0 : i32
    %dma_start3A_94 = arith.constant 0 : i32
    %dma_start3A_95 = tpu.memref_slice %arg7[%dma_start3A_92, %dma_start3A_93, %dma_start3A_94] : memref<2x32x1024xbf16, #tpu.memory_space<vmem>> -> memref<1x32x1024xbf16, #tpu.memory_space<vmem>>
    %dma_start3A_96 = tpu.memref_squeeze %dma_start3A_95 : memref<1x32x1024xbf16, #tpu.memory_space<vmem>> -> memref<32x1024xbf16, #tpu.memory_space<vmem>>
    %dma_start3A_97 = arith.constant 0 : i32
    %dma_start3A_98 = arith.constant 0 : i32
    %dma_start3A_99 = tpu.memref_slice %arg9[%dma_start3A_97, %dma_start3A_98] : memref<1024x1024xbf16, #tpu.memory_space<vmem_shared>> -> memref<1024x1024xbf16, #tpu.memory_space<vmem_shared>>
    tpu.enqueue_indirect_dma source(%dma_start3A_96 : memref<32x1024xbf16, #tpu.memory_space<vmem>>) target(%dma_start3A_99 : memref<1024x1024xbf16, #tpu.memory_space<vmem_shared>>) offsets(%arg5 : memref<32xi32, #tpu.memory_space<vmem>>) semaphore(%arg14 : memref<!tpu.dma_semaphore, #tpu.memory_space<semaphore_mem>>) {add = true}
    %dma_wait3A_100 = arith.constant 0 : i32
    %dma_wait3A_101 = arith.constant 0 : i32
    %dma_wait3A_102 = arith.constant 0 : i32
    %dma_wait3A_103 = tpu.memref_slice %arg7[%dma_wait3A_100, %dma_wait3A_101, %dma_wait3A_102] : memref<2x32x1024xbf16, #tpu.memory_space<vmem>> -> memref<1x32x1024xbf16, #tpu.memory_space<vmem>>
    %dma_wait3A_104 = tpu.memref_squeeze %dma_wait3A_103 : memref<1x32x1024xbf16, #tpu.memory_space<vmem>> -> memref<32x1024xbf16, #tpu.memory_space<vmem>>
    %dma_wait3A_105 = arith.constant 0 : i32
    %dma_wait3A_106 = arith.constant 0 : i32
    %dma_wait3A_107 = tpu.memref_slice %arg9[%dma_wait3A_105, %dma_wait3A_106] : memref<1024x1024xbf16, #tpu.memory_space<vmem_shared>> -> memref<1024x1024xbf16, #tpu.memory_space<vmem_shared>>
    tpu.wait_indirect_dma semaphore(%arg14 : memref<!tpu.dma_semaphore, #tpu.memory_space<semaphore_mem>>) src(%dma_wait3A_104 : memref<32x1024xbf16, #tpu.memory_space<vmem>>) dst(%dma_wait3A_107 : memref<1024x1024xbf16, #tpu.memory_space<vmem_shared>>)
    %add3A_108 = arith.constant 64 : i32
    %add3A_109 = arith.addi %mul3A_40, %add3A_108 : i32
    %dma_start3A_110 = tpu.memref_slice %arg3[%add3A_109] : memref<16384xi32, #tpu.memory_space<hbm>> -> memref<32xi32, #tpu.memory_space<hbm>>
    %dma_start3A_111 = tpu.memref_slice %arg3[%add3A_109] : memref<16384xi32, #tpu.memory_space<hbm>> -> memref<32xi32, #tpu.memory_space<hbm>>
    tpu.enqueue_dma source(%dma_start3A_111 : memref<32xi32, #tpu.memory_space<hbm>>) target(%arg5 : memref<32xi32, #tpu.memory_space<vmem>>) target_semaphore(%arg12 : memref<!tpu.dma_semaphore, #tpu.memory_space<semaphore_mem>>)
    %add3A_112 = arith.constant 64 : i32
    %add3A_113 = arith.addi %mul3A_40, %add3A_112 : i32
    %dma_start3A_114 = arith.constant 0 : i32
    %dma_start3A_115 = arith.constant 0 : i32
    %dma_start3A_116 = arith.constant 0 : i32
    %dma_start3A_117 = tpu.memref_slice %arg7[%dma_start3A_114, %dma_start3A_115, %dma_start3A_116] : memref<2x32x1024xbf16, #tpu.memory_space<vmem>> -> memref<1x32x1024xbf16, #tpu.memory_space<vmem>>
    %dma_start3A_118 = tpu.memref_squeeze %dma_start3A_117 : memref<1x32x1024xbf16, #tpu.memory_space<vmem>> -> memref<32x1024xbf16, #tpu.memory_space<vmem>>
    %dma_start3A_119 = arith.constant 0 : i32
    %dma_start3A_120 = tpu.memref_slice %arg2[%add3A_113, %dma_start3A_119] : memref<16384x1024xbf16, #tpu.memory_space<hbm>> -> memref<32x1024xbf16, #tpu.memory_space<hbm>>
    %dma_start3A_121 = arith.constant 0 : i32
    %dma_start3A_122 = arith.constant 0 : i32
    %dma_start3A_123 = tpu.memref_slice %arg7[%dma_start3A_114, %dma_start3A_121, %dma_start3A_122] : memref<2x32x1024xbf16, #tpu.memory_space<vmem>> -> memref<1x32x1024xbf16, #tpu.memory_space<vmem>>
    %dma_start3A_124 = tpu.memref_squeeze %dma_start3A_123 : memref<1x32x1024xbf16, #tpu.memory_space<vmem>> -> memref<32x1024xbf16, #tpu.memory_space<vmem>>
    %dma_start3A_125 = arith.constant 0 : i32
    %dma_start3A_126 = tpu.memref_slice %arg2[%add3A_113, %dma_start3A_125] : memref<16384x1024xbf16, #tpu.memory_space<hbm>> -> memref<32x1024xbf16, #tpu.memory_space<hbm>>
    tpu.enqueue_dma source(%dma_start3A_126 : memref<32x1024xbf16, #tpu.memory_space<hbm>>) target(%dma_start3A_124 : memref<32x1024xbf16, #tpu.memory_space<vmem>>) target_semaphore(%arg10 : memref<!tpu.dma_semaphore, #tpu.memory_space<semaphore_mem>>)
    %dma_wait3A_127 = tpu.memref_slice %arg3[%add3A_60] : memref<16384xi32, #tpu.memory_space<hbm>> -> memref<32xi32, #tpu.memory_space<hbm>>
    %dma_wait3A_128 = tpu.memref_slice %arg3[%add3A_60] : memref<16384xi32, #tpu.memory_space<hbm>> -> memref<32xi32, #tpu.memory_space<hbm>>
    tpu.wait_dma2 semaphore(%arg13 : memref<!tpu.dma_semaphore, #tpu.memory_space<semaphore_mem>>) src(%dma_wait3A_128 : memref<32xi32, #tpu.memory_space<hbm>>) dst(%arg6 : memref<32xi32, #tpu.memory_space<vmem>>)
    %dma_wait3A_129 = arith.constant 1 : i32
    %dma_wait3A_130 = arith.constant 0 : i32
    %dma_wait3A_131 = arith.constant 0 : i32
    %dma_wait3A_132 = tpu.memref_slice %arg7[%dma_wait3A_129, %dma_wait3A_130, %dma_wait3A_131] : memref<2x32x1024xbf16, #tpu.memory_space<vmem>> -> memref<1x32x1024xbf16, #tpu.memory_space<vmem>>
    %dma_wait3A_133 = tpu.memref_squeeze %dma_wait3A_132 : memref<1x32x1024xbf16, #tpu.memory_space<vmem>> -> memref<32x1024xbf16, #tpu.memory_space<vmem>>
    %dma_wait3A_134 = arith.constant 0 : i32
    %dma_wait3A_135 = tpu.memref_slice %arg2[%add3A_64, %dma_wait3A_134] : memref<16384x1024xbf16, #tpu.memory_space<hbm>> -> memref<32x1024xbf16, #tpu.memory_space<hbm>>
    %dma_wait3A_136 = arith.constant 0 : i32
    %dma_wait3A_137 = arith.constant 0 : i32
    %dma_wait3A_138 = tpu.memref_slice %arg7[%dma_wait3A_129, %dma_wait3A_136, %dma_wait3A_137] : memref<2x32x1024xbf16, #tpu.memory_space<vmem>> -> memref<1x32x1024xbf16, #tpu.memory_space<vmem>>
    %dma_wait3A_139 = tpu.memref_squeeze %dma_wait3A_138 : memref<1x32x1024xbf16, #tpu.memory_space<vmem>> -> memref<32x1024xbf16, #tpu.memory_space<vmem>>
    %dma_wait3A_140 = arith.constant 0 : i32
    %dma_wait3A_141 = tpu.memref_slice %arg2[%add3A_64, %dma_wait3A_140] : memref<16384x1024xbf16, #tpu.memory_space<hbm>> -> memref<32x1024xbf16, #tpu.memory_space<hbm>>
    tpu.wait_dma2 semaphore(%arg11 : memref<!tpu.dma_semaphore, #tpu.memory_space<semaphore_mem>>) src(%dma_wait3A_141 : memref<32x1024xbf16, #tpu.memory_space<hbm>>) dst(%dma_wait3A_139 : memref<32x1024xbf16, #tpu.memory_space<vmem>>)
    %dma_start3A_142 = arith.constant 1 : i32
    %dma_start3A_143 = arith.constant 0 : i32
    %dma_start3A_144 = arith.constant 0 : i32
    %dma_start3A_145 = tpu.memref_slice %arg7[%dma_start3A_142, %dma_start3A_143, %dma_start3A_144] : memref<2x32x1024xbf16, #tpu.memory_space<vmem>> -> memref<1x32x1024xbf16, #tpu.memory_space<vmem>>
    %dma_start3A_146 = tpu.memref_squeeze %dma_start3A_145 : memref<1x32x1024xbf16, #tpu.memory_space<vmem>> -> memref<32x1024xbf16, #tpu.memory_space<vmem>>
    %dma_start3A_147 = arith.constant 0 : i32
    %dma_start3A_148 = arith.constant 0 : i32
    %dma_start3A_149 = tpu.memref_slice %arg9[%dma_start3A_147, %dma_start3A_148] : memref<1024x1024xbf16, #tpu.memory_space<vmem_shared>> -> memref<1024x1024xbf16, #tpu.memory_space<vmem_shared>>
    tpu.enqueue_indirect_dma source(%dma_start3A_146 : memref<32x1024xbf16, #tpu.memory_space<vmem>>) target(%dma_start3A_149 : memref<1024x1024xbf16, #tpu.memory_space<vmem_shared>>) offsets(%arg6 : memref<32xi32, #tpu.memory_space<vmem>>) semaphore(%arg15 : memref<!tpu.dma_semaphore, #tpu.memory_space<semaphore_mem>>) {add = true}
    %dma_wait3A_150 = arith.constant 1 : i32
    %dma_wait3A_151 = arith.constant 0 : i32
    %dma_wait3A_152 = arith.constant 0 : i32
    %dma_wait3A_153 = tpu.memref_slice %arg7[%dma_wait3A_150, %dma_wait3A_151, %dma_wait3A_152] : memref<2x32x1024xbf16, #tpu.memory_space<vmem>> -> memref<1x32x1024xbf16, #tpu.memory_space<vmem>>
    %dma_wait3A_154 = tpu.memref_squeeze %dma_wait3A_153 : memref<1x32x1024xbf16, #tpu.memory_space<vmem>> -> memref<32x1024xbf16, #tpu.memory_space<vmem>>
    %dma_wait3A_155 = arith.constant 0 : i32
    %dma_wait3A_156 = arith.constant 0 : i32
    %dma_wait3A_157 = tpu.memref_slice %arg9[%dma_wait3A_155, %dma_wait3A_156] : memref<1024x1024xbf16, #tpu.memory_space<vmem_shared>> -> memref<1024x1024xbf16, #tpu.memory_space<vmem_shared>>
    tpu.wait_indirect_dma semaphore(%arg15 : memref<!tpu.dma_semaphore, #tpu.memory_space<semaphore_mem>>) src(%dma_wait3A_154 : memref<32x1024xbf16, #tpu.memory_space<vmem>>) dst(%dma_wait3A_157 : memref<1024x1024xbf16, #tpu.memory_space<vmem_shared>>)
    %add3A_158 = arith.constant 96 : i32
    %add3A_159 = arith.addi %mul3A_40, %add3A_158 : i32
    %dma_start3A_160 = tpu.memref_slice %arg3[%add3A_159] : memref<16384xi32, #tpu.memory_space<hbm>> -> memref<32xi32, #tpu.memory_space<hbm>>
    %dma_start3A_161 = tpu.memref_slice %arg3[%add3A_159] : memref<16384xi32, #tpu.memory_space<hbm>> -> memref<32xi32, #tpu.memory_space<hbm>>
    tpu.enqueue_dma source(%dma_start3A_161 : memref<32xi32, #tpu.memory_space<hbm>>) target(%arg6 : memref<32xi32, #tpu.memory_space<vmem>>) target_semaphore(%arg13 : memref<!tpu.dma_semaphore, #tpu.memory_space<semaphore_mem>>)
    %add3A_162 = arith.constant 96 : i32
    %add3A_163 = arith.addi %mul3A_40, %add3A_162 : i32
    %dma_start3A_164 = arith.constant 1 : i32
    %dma_start3A_165 = arith.constant 0 : i32
    %dma_start3A_166 = arith.constant 0 : i32
    %dma_start3A_167 = tpu.memref_slice %arg7[%dma_start3A_164, %dma_start3A_165, %dma_start3A_166] : memref<2x32x1024xbf16, #tpu.memory_space<vmem>> -> memref<1x32x1024xbf16, #tpu.memory_space<vmem>>
    %dma_start3A_168 = tpu.memref_squeeze %dma_start3A_167 : memref<1x32x1024xbf16, #tpu.memory_space<vmem>> -> memref<32x1024xbf16, #tpu.memory_space<vmem>>
    %dma_start3A_169 = arith.constant 0 : i32
    %dma_start3A_170 = tpu.memref_slice %arg2[%add3A_163, %dma_start3A_169] : memref<16384x1024xbf16, #tpu.memory_space<hbm>> -> memref<32x1024xbf16, #tpu.memory_space<hbm>>
    %dma_start3A_171 = arith.constant 0 : i32
    %dma_start3A_172 = arith.constant 0 : i32
    %dma_start3A_173 = tpu.memref_slice %arg7[%dma_start3A_164, %dma_start3A_171, %dma_start3A_172] : memref<2x32x1024xbf16, #tpu.memory_space<vmem>> -> memref<1x32x1024xbf16, #tpu.memory_space<vmem>>
    %dma_start3A_174 = tpu.memref_squeeze %dma_start3A_173 : memref<1x32x1024xbf16, #tpu.memory_space<vmem>> -> memref<32x1024xbf16, #tpu.memory_space<vmem>>
    %dma_start3A_175 = arith.constant 0 : i32
    %dma_start3A_176 = tpu.memref_slice %arg2[%add3A_163, %dma_start3A_175] : memref<16384x1024xbf16, #tpu.memory_space<hbm>> -> memref<32x1024xbf16, #tpu.memory_space<hbm>>
    tpu.enqueue_dma source(%dma_start3A_176 : memref<32x1024xbf16, #tpu.memory_space<hbm>>) target(%dma_start3A_174 : memref<32x1024xbf16, #tpu.memory_space<vmem>>) target_semaphore(%arg11 : memref<!tpu.dma_semaphore, #tpu.memory_space<semaphore_mem>>)
    %dma_wait3A_177 = tpu.memref_slice %arg3[%add3A_109] : memref<16384xi32, #tpu.memory_space<hbm>> -> memref<32xi32, #tpu.memory_space<hbm>>
    %dma_wait3A_178 = tpu.memref_slice %arg3[%add3A_109] : memref<16384xi32, #tpu.memory_space<hbm>> -> memref<32xi32, #tpu.memory_space<hbm>>
    tpu.wait_dma2 semaphore(%arg12 : memref<!tpu.dma_semaphore, #tpu.memory_space<semaphore_mem>>) src(%dma_wait3A_178 : memref<32xi32, #tpu.memory_space<hbm>>) dst(%arg5 : memref<32xi32, #tpu.memory_space<vmem>>)
    %dma_wait3A_179 = arith.constant 0 : i32
    %dma_wait3A_180 = arith.constant 0 : i32
    %dma_wait3A_181 = arith.constant 0 : i32
    %dma_wait3A_182 = tpu.memref_slice %arg7[%dma_wait3A_179, %dma_wait3A_180, %dma_wait3A_181] : memref<2x32x1024xbf16, #tpu.memory_space<vmem>> -> memref<1x32x1024xbf16, #tpu.memory_space<vmem>>
    %dma_wait3A_183 = tpu.memref_squeeze %dma_wait3A_182 : memref<1x32x1024xbf16, #tpu.memory_space<vmem>> -> memref<32x1024xbf16, #tpu.memory_space<vmem>>
    %dma_wait3A_184 = arith.constant 0 : i32
    %dma_wait3A_185 = tpu.memref_slice %arg2[%add3A_113, %dma_wait3A_184] : memref<16384x1024xbf16, #tpu.memory_space<hbm>> -> memref<32x1024xbf16, #tpu.memory_space<hbm>>
    %dma_wait3A_186 = arith.constant 0 : i32
    %dma_wait3A_187 = arith.constant 0 : i32
    %dma_wait3A_188 = tpu.memref_slice %arg7[%dma_wait3A_179, %dma_wait3A_186, %dma_wait3A_187] : memref<2x32x1024xbf16, #tpu.memory_space<vmem>> -> memref<1x32x1024xbf16, #tpu.memory_space<vmem>>
    %dma_wait3A_189 = tpu.memref_squeeze %dma_wait3A_188 : memref<1x32x1024xbf16, #tpu.memory_space<vmem>> -> memref<32x1024xbf16, #tpu.memory_space<vmem>>
    %dma_wait3A_190 = arith.constant 0 : i32
    %dma_wait3A_191 = tpu.memref_slice %arg2[%add3A_113, %dma_wait3A_190] : memref<16384x1024xbf16, #tpu.memory_space<hbm>> -> memref<32x1024xbf16, #tpu.memory_space<hbm>>
    tpu.wait_dma2 semaphore(%arg10 : memref<!tpu.dma_semaphore, #tpu.memory_space<semaphore_mem>>) src(%dma_wait3A_191 : memref<32x1024xbf16, #tpu.memory_space<hbm>>) dst(%dma_wait3A_189 : memref<32x1024xbf16, #tpu.memory_space<vmem>>)
    %dma_start3A_192 = arith.constant 0 : i32
    %dma_start3A_193 = arith.constant 0 : i32
    %dma_start3A_194 = arith.constant 0 : i32
    %dma_start3A_195 = tpu.memref_slice %arg7[%dma_start3A_192, %dma_start3A_193, %dma_start3A_194] : memref<2x32x1024xbf16, #tpu.memory_space<vmem>> -> memref<1x32x1024xbf16, #tpu.memory_space<vmem>>
    %dma_start3A_196 = tpu.memref_squeeze %dma_start3A_195 : memref<1x32x1024xbf16, #tpu.memory_space<vmem>> -> memref<32x1024xbf16, #tpu.memory_space<vmem>>
    %dma_start3A_197 = arith.constant 0 : i32
    %dma_start3A_198 = arith.constant 0 : i32
    %dma_start3A_199 = tpu.memref_slice %arg9[%dma_start3A_197, %dma_start3A_198] : memref<1024x1024xbf16, #tpu.memory_space<vmem_shared>> -> memref<1024x1024xbf16, #tpu.memory_space<vmem_shared>>
    tpu.enqueue_indirect_dma source(%dma_start3A_196 : memref<32x1024xbf16, #tpu.memory_space<vmem>>) target(%dma_start3A_199 : memref<1024x1024xbf16, #tpu.memory_space<vmem_shared>>) offsets(%arg5 : memref<32xi32, #tpu.memory_space<vmem>>) semaphore(%arg14 : memref<!tpu.dma_semaphore, #tpu.memory_space<semaphore_mem>>) {add = true}
    %dma_wait3A_200 = arith.constant 0 : i32
    %dma_wait3A_201 = arith.constant 0 : i32
    %dma_wait3A_202 = arith.constant 0 : i32
    %dma_wait3A_203 = tpu.memref_slice %arg7[%dma_wait3A_200, %dma_wait3A_201, %dma_wait3A_202] : memref<2x32x1024xbf16, #tpu.memory_space<vmem>> -> memref<1x32x1024xbf16, #tpu.memory_space<vmem>>
    %dma_wait3A_204 = tpu.memref_squeeze %dma_wait3A_203 : memref<1x32x1024xbf16, #tpu.memory_space<vmem>> -> memref<32x1024xbf16, #tpu.memory_space<vmem>>
    %dma_wait3A_205 = arith.constant 0 : i32
    %dma_wait3A_206 = arith.constant 0 : i32
    %dma_wait3A_207 = tpu.memref_slice %arg9[%dma_wait3A_205, %dma_wait3A_206] : memref<1024x1024xbf16, #tpu.memory_space<vmem_shared>> -> memref<1024x1024xbf16, #tpu.memory_space<vmem_shared>>
    tpu.wait_indirect_dma semaphore(%arg14 : memref<!tpu.dma_semaphore, #tpu.memory_space<semaphore_mem>>) src(%dma_wait3A_204 : memref<32x1024xbf16, #tpu.memory_space<vmem>>) dst(%dma_wait3A_207 : memref<1024x1024xbf16, #tpu.memory_space<vmem_shared>>)
    %add3A_208 = arith.constant 128 : i32
    %add3A_209 = arith.addi %mul3A_40, %add3A_208 : i32
    %dma_start3A_210 = tpu.memref_slice %arg3[%add3A_209] : memref<16384xi32, #tpu.memory_space<hbm>> -> memref<32xi32, #tpu.memory_space<hbm>>
    %dma_start3A_211 = tpu.memref_slice %arg3[%add3A_209] : memref<16384xi32, #tpu.memory_space<hbm>> -> memref<32xi32, #tpu.memory_space<hbm>>
    tpu.enqueue_dma source(%dma_start3A_211 : memref<32xi32, #tpu.memory_space<hbm>>) target(%arg5 : memref<32xi32, #tpu.memory_space<vmem>>) target_semaphore(%arg12 : memref<!tpu.dma_semaphore, #tpu.memory_space<semaphore_mem>>)
    %add3A_212 = arith.constant 128 : i32
    %add3A_213 = arith.addi %mul3A_40, %add3A_212 : i32
    %dma_start3A_214 = arith.constant 0 : i32
    %dma_start3A_215 = arith.constant 0 : i32
    %dma_start3A_216 = arith.constant 0 : i32
    %dma_start3A_217 = tpu.memref_slice %arg7[%dma_start3A_214, %dma_start3A_215, %dma_start3A_216] : memref<2x32x1024xbf16, #tpu.memory_space<vmem>> -> memref<1x32x1024xbf16, #tpu.memory_space<vmem>>
    %dma_start3A_218 = tpu.memref_squeeze %dma_start3A_217 : memref<1x32x1024xbf16, #tpu.memory_space<vmem>> -> memref<32x1024xbf16, #tpu.memory_space<vmem>>
    %dma_start3A_219 = arith.constant 0 : i32
    %dma_start3A_220 = tpu.memref_slice %arg2[%add3A_213, %dma_start3A_219] : memref<16384x1024xbf16, #tpu.memory_space<hbm>> -> memref<32x1024xbf16, #tpu.memory_space<hbm>>
    %dma_start3A_221 = arith.constant 0 : i32
    %dma_start3A_222 = arith.constant 0 : i32
    %dma_start3A_223 = tpu.memref_slice %arg7[%dma_start3A_214, %dma_start3A_221, %dma_start3A_222] : memref<2x32x1024xbf16, #tpu.memory_space<vmem>> -> memref<1x32x1024xbf16, #tpu.memory_space<vmem>>
    %dma_start3A_224 = tpu.memref_squeeze %dma_start3A_223 : memref<1x32x1024xbf16, #tpu.memory_space<vmem>> -> memref<32x1024xbf16, #tpu.memory_space<vmem>>
    %dma_start3A_225 = arith.constant 0 : i32
    %dma_start3A_226 = tpu.memref_slice %arg2[%add3A_213, %dma_start3A_225] : memref<16384x1024xbf16, #tpu.memory_space<hbm>> -> memref<32x1024xbf16, #tpu.memory_space<hbm>>
    tpu.enqueue_dma source(%dma_start3A_226 : memref<32x1024xbf16, #tpu.memory_space<hbm>>) target(%dma_start3A_224 : memref<32x1024xbf16, #tpu.memory_space<vmem>>) target_semaphore(%arg10 : memref<!tpu.dma_semaphore, #tpu.memory_space<semaphore_mem>>)
    %dma_wait3A_227 = tpu.memref_slice %arg3[%add3A_159] : memref<16384xi32, #tpu.memory_space<hbm>> -> memref<32xi32, #tpu.memory_space<hbm>>
    %dma_wait3A_228 = tpu.memref_slice %arg3[%add3A_159] : memref<16384xi32, #tpu.memory_space<hbm>> -> memref<32xi32, #tpu.memory_space<hbm>>
    tpu.wait_dma2 semaphore(%arg13 : memref<!tpu.dma_semaphore, #tpu.memory_space<semaphore_mem>>) src(%dma_wait3A_228 : memref<32xi32, #tpu.memory_space<hbm>>) dst(%arg6 : memref<32xi32, #tpu.memory_space<vmem>>)
    %dma_wait3A_229 = arith.constant 1 : i32
    %dma_wait3A_230 = arith.constant 0 : i32
    %dma_wait3A_231 = arith.constant 0 : i32
    %dma_wait3A_232 = tpu.memref_slice %arg7[%dma_wait3A_229, %dma_wait3A_230, %dma_wait3A_231] : memref<2x32x1024xbf16, #tpu.memory_space<vmem>> -> memref<1x32x1024xbf16, #tpu.memory_space<vmem>>
    %dma_wait3A_233 = tpu.memref_squeeze %dma_wait3A_232 : memref<1x32x1024xbf16, #tpu.memory_space<vmem>> -> memref<32x1024xbf16, #tpu.memory_space<vmem>>
    %dma_wait3A_234 = arith.constant 0 : i32
    %dma_wait3A_235 = tpu.memref_slice %arg2[%add3A_163, %dma_wait3A_234] : memref<16384x1024xbf16, #tpu.memory_space<hbm>> -> memref<32x1024xbf16, #tpu.memory_space<hbm>>
    %dma_wait3A_236 = arith.constant 0 : i32
    %dma_wait3A_237 = arith.constant 0 : i32
    %dma_wait3A_238 = tpu.memref_slice %arg7[%dma_wait3A_229, %dma_wait3A_236, %dma_wait3A_237] : memref<2x32x1024xbf16, #tpu.memory_space<vmem>> -> memref<1x32x1024xbf16, #tpu.memory_space<vmem>>
    %dma_wait3A_239 = tpu.memref_squeeze %dma_wait3A_238 : memref<1x32x1024xbf16, #tpu.memory_space<vmem>> -> memref<32x1024xbf16, #tpu.memory_space<vmem>>
    %dma_wait3A_240 = arith.constant 0 : i32
    %dma_wait3A_241 = tpu.memref_slice %arg2[%add3A_163, %dma_wait3A_240] : memref<16384x1024xbf16, #tpu.memory_space<hbm>> -> memref<32x1024xbf16, #tpu.memory_space<hbm>>
    tpu.wait_dma2 semaphore(%arg11 : memref<!tpu.dma_semaphore, #tpu.memory_space<semaphore_mem>>) src(%dma_wait3A_241 : memref<32x1024xbf16, #tpu.memory_space<hbm>>) dst(%dma_wait3A_239 : memref<32x1024xbf16, #tpu.memory_space<vmem>>)
    %dma_start3A_242 = arith.constant 1 : i32
    %dma_start3A_243 = arith.constant 0 : i32
    %dma_start3A_244 = arith.constant 0 : i32
    %dma_start3A_245 = tpu.memref_slice %arg7[%dma_start3A_242, %dma_start3A_243, %dma_start3A_244] : memref<2x32x1024xbf16, #tpu.memory_space<vmem>> -> memref<1x32x1024xbf16, #tpu.memory_space<vmem>>
    %dma_start3A_246 = tpu.memref_squeeze %dma_start3A_245 : memref<1x32x1024xbf16, #tpu.memory_space<vmem>> -> memref<32x1024xbf16, #tpu.memory_space<vmem>>
    %dma_start3A_247 = arith.constant 0 : i32
    %dma_start3A_248 = arith.constant 0 : i32
    %dma_start3A_249 = tpu.memref_slice %arg9[%dma_start3A_247, %dma_start3A_248] : memref<1024x1024xbf16, #tpu.memory_space<vmem_shared>> -> memref<1024x1024xbf16, #tpu.memory_space<vmem_shared>>
    tpu.enqueue_indirect_dma source(%dma_start3A_246 : memref<32x1024xbf16, #tpu.memory_space<vmem>>) target(%dma_start3A_249 : memref<1024x1024xbf16, #tpu.memory_space<vmem_shared>>) offsets(%arg6 : memref<32xi32, #tpu.memory_space<vmem>>) semaphore(%arg15 : memref<!tpu.dma_semaphore, #tpu.memory_space<semaphore_mem>>) {add = true}
    %dma_wait3A_250 = arith.constant 1 : i32
    %dma_wait3A_251 = arith.constant 0 : i32
    %dma_wait3A_252 = arith.constant 0 : i32
    %dma_wait3A_253 = tpu.memref_slice %arg7[%dma_wait3A_250, %dma_wait3A_251, %dma_wait3A_252] : memref<2x32x1024xbf16, #tpu.memory_space<vmem>> -> memref<1x32x1024xbf16, #tpu.memory_space<vmem>>
    %dma_wait3A_254 = tpu.memref_squeeze %dma_wait3A_253 : memref<1x32x1024xbf16, #tpu.memory_space<vmem>> -> memref<32x1024xbf16, #tpu.memory_space<vmem>>
    %dma_wait3A_255 = arith.constant 0 : i32
    %dma_wait3A_256 = arith.constant 0 : i32
    %dma_wait3A_257 = tpu.memref_slice %arg9[%dma_wait3A_255, %dma_wait3A_256] : memref<1024x1024xbf16, #tpu.memory_space<vmem_shared>> -> memref<1024x1024xbf16, #tpu.memory_space<vmem_shared>>
    tpu.wait_indirect_dma semaphore(%arg15 : memref<!tpu.dma_semaphore, #tpu.memory_space<semaphore_mem>>) src(%dma_wait3A_254 : memref<32x1024xbf16, #tpu.memory_space<vmem>>) dst(%dma_wait3A_257 : memref<1024x1024xbf16, #tpu.memory_space<vmem_shared>>)
    %add3A_258 = arith.constant 160 : i32
    %add3A_259 = arith.addi %mul3A_40, %add3A_258 : i32
    %dma_start3A_260 = tpu.memref_slice %arg3[%add3A_259] : memref<16384xi32, #tpu.memory_space<hbm>> -> memref<32xi32, #tpu.memory_space<hbm>>
    %dma_start3A_261 = tpu.memref_slice %arg3[%add3A_259] : memref<16384xi32, #tpu.memory_space<hbm>> -> memref<32xi32, #tpu.memory_space<hbm>>
    tpu.enqueue_dma source(%dma_start3A_261 : memref<32xi32, #tpu.memory_space<hbm>>) target(%arg6 : memref<32xi32, #tpu.memory_space<vmem>>) target_semaphore(%arg13 : memref<!tpu.dma_semaphore, #tpu.memory_space<semaphore_mem>>)
    %add3A_262 = arith.constant 160 : i32
    %add3A_263 = arith.addi %mul3A_40, %add3A_262 : i32
    %dma_start3A_264 = arith.constant 1 : i32
    %dma_start3A_265 = arith.constant 0 : i32
    %dma_start3A_266 = arith.constant 0 : i32
    %dma_start3A_267 = tpu.memref_slice %arg7[%dma_start3A_264, %dma_start3A_265, %dma_start3A_266] : memref<2x32x1024xbf16, #tpu.memory_space<vmem>> -> memref<1x32x1024xbf16, #tpu.memory_space<vmem>>
    %dma_start3A_268 = tpu.memref_squeeze %dma_start3A_267 : memref<1x32x1024xbf16, #tpu.memory_space<vmem>> -> memref<32x1024xbf16, #tpu.memory_space<vmem>>
    %dma_start3A_269 = arith.constant 0 : i32
    %dma_start3A_270 = tpu.memref_slice %arg2[%add3A_263, %dma_start3A_269] : memref<16384x1024xbf16, #tpu.memory_space<hbm>> -> memref<32x1024xbf16, #tpu.memory_space<hbm>>
    %dma_start3A_271 = arith.constant 0 : i32
    %dma_start3A_272 = arith.constant 0 : i32
    %dma_start3A_273 = tpu.memref_slice %arg7[%dma_start3A_264, %dma_start3A_271, %dma_start3A_272] : memref<2x32x1024xbf16, #tpu.memory_space<vmem>> -> memref<1x32x1024xbf16, #tpu.memory_space<vmem>>
    %dma_start3A_274 = tpu.memref_squeeze %dma_start3A_273 : memref<1x32x1024xbf16, #tpu.memory_space<vmem>> -> memref<32x1024xbf16, #tpu.memory_space<vmem>>
    %dma_start3A_275 = arith.constant 0 : i32
    %dma_start3A_276 = tpu.memref_slice %arg2[%add3A_263, %dma_start3A_275] : memref<16384x1024xbf16, #tpu.memory_space<hbm>> -> memref<32x1024xbf16, #tpu.memory_space<hbm>>
    tpu.enqueue_dma source(%dma_start3A_276 : memref<32x1024xbf16, #tpu.memory_space<hbm>>) target(%dma_start3A_274 : memref<32x1024xbf16, #tpu.memory_space<vmem>>) target_semaphore(%arg11 : memref<!tpu.dma_semaphore, #tpu.memory_space<semaphore_mem>>)
    %dma_wait3A_277 = tpu.memref_slice %arg3[%add3A_209] : memref<16384xi32, #tpu.memory_space<hbm>> -> memref<32xi32, #tpu.memory_space<hbm>>
    %dma_wait3A_278 = tpu.memref_slice %arg3[%add3A_209] : memref<16384xi32, #tpu.memory_space<hbm>> -> memref<32xi32, #tpu.memory_space<hbm>>
    tpu.wait_dma2 semaphore(%arg12 : memref<!tpu.dma_semaphore, #tpu.memory_space<semaphore_mem>>) src(%dma_wait3A_278 : memref<32xi32, #tpu.memory_space<hbm>>) dst(%arg5 : memref<32xi32, #tpu.memory_space<vmem>>)
    %dma_wait3A_279 = arith.constant 0 : i32
    %dma_wait3A_280 = arith.constant 0 : i32
    %dma_wait3A_281 = arith.constant 0 : i32
    %dma_wait3A_282 = tpu.memref_slice %arg7[%dma_wait3A_279, %dma_wait3A_280, %dma_wait3A_281] : memref<2x32x1024xbf16, #tpu.memory_space<vmem>> -> memref<1x32x1024xbf16, #tpu.memory_space<vmem>>
    %dma_wait3A_283 = tpu.memref_squeeze %dma_wait3A_282 : memref<1x32x1024xbf16, #tpu.memory_space<vmem>> -> memref<32x1024xbf16, #tpu.memory_space<vmem>>
    %dma_wait3A_284 = arith.constant 0 : i32
    %dma_wait3A_285 = tpu.memref_slice %arg2[%add3A_213, %dma_wait3A_284] : memref<16384x1024xbf16, #tpu.memory_space<hbm>> -> memref<32x1024xbf16, #tpu.memory_space<hbm>>
    %dma_wait3A_286 = arith.constant 0 : i32
    %dma_wait3A_287 = arith.constant 0 : i32
    %dma_wait3A_288 = tpu.memref_slice %arg7[%dma_wait3A_279, %dma_wait3A_286, %dma_wait3A_287] : memref<2x32x1024xbf16, #tpu.memory_space<vmem>> -> memref<1x32x1024xbf16, #tpu.memory_space<vmem>>
    %dma_wait3A_289 = tpu.memref_squeeze %dma_wait3A_288 : memref<1x32x1024xbf16, #tpu.memory_space<vmem>> -> memref<32x1024xbf16, #tpu.memory_space<vmem>>
    %dma_wait3A_290 = arith.constant 0 : i32
    %dma_wait3A_291 = tpu.memref_slice %arg2[%add3A_213, %dma_wait3A_290] : memref<16384x1024xbf16, #tpu.memory_space<hbm>> -> memref<32x1024xbf16, #tpu.memory_space<hbm>>
    tpu.wait_dma2 semaphore(%arg10 : memref<!tpu.dma_semaphore, #tpu.memory_space<semaphore_mem>>) src(%dma_wait3A_291 : memref<32x1024xbf16, #tpu.memory_space<hbm>>) dst(%dma_wait3A_289 : memref<32x1024xbf16, #tpu.memory_space<vmem>>)
    %dma_start3A_292 = arith.constant 0 : i32
    %dma_start3A_293 = arith.constant 0 : i32
    %dma_start3A_294 = arith.constant 0 : i32
    %dma_start3A_295 = tpu.memref_slice %arg7[%dma_start3A_292, %dma_start3A_293, %dma_start3A_294] : memref<2x32x1024xbf16, #tpu.memory_space<vmem>> -> memref<1x32x1024xbf16, #tpu.memory_space<vmem>>
    %dma_start3A_296 = tpu.memref_squeeze %dma_start3A_295 : memref<1x32x1024xbf16, #tpu.memory_space<vmem>> -> memref<32x1024xbf16, #tpu.memory_space<vmem>>
    %dma_start3A_297 = arith.constant 0 : i32
    %dma_start3A_298 = arith.constant 0 : i32
    %dma_start3A_299 = tpu.memref_slice %arg9[%dma_start3A_297, %dma_start3A_298] : memref<1024x1024xbf16, #tpu.memory_space<vmem_shared>> -> memref<1024x1024xbf16, #tpu.memory_space<vmem_shared>>
    tpu.enqueue_indirect_dma source(%dma_start3A_296 : memref<32x1024xbf16, #tpu.memory_space<vmem>>) target(%dma_start3A_299 : memref<1024x1024xbf16, #tpu.memory_space<vmem_shared>>) offsets(%arg5 : memref<32xi32, #tpu.memory_space<vmem>>) semaphore(%arg14 : memref<!tpu.dma_semaphore, #tpu.memory_space<semaphore_mem>>) {add = true}
    %dma_wait3A_300 = arith.constant 0 : i32
    %dma_wait3A_301 = arith.constant 0 : i32
    %dma_wait3A_302 = arith.constant 0 : i32
    %dma_wait3A_303 = tpu.memref_slice %arg7[%dma_wait3A_300, %dma_wait3A_301, %dma_wait3A_302] : memref<2x32x1024xbf16, #tpu.memory_space<vmem>> -> memref<1x32x1024xbf16, #tpu.memory_space<vmem>>
    %dma_wait3A_304 = tpu.memref_squeeze %dma_wait3A_303 : memref<1x32x1024xbf16, #tpu.memory_space<vmem>> -> memref<32x1024xbf16, #tpu.memory_space<vmem>>
    %dma_wait3A_305 = arith.constant 0 : i32
    %dma_wait3A_306 = arith.constant 0 : i32
    %dma_wait3A_307 = tpu.memref_slice %arg9[%dma_wait3A_305, %dma_wait3A_306] : memref<1024x1024xbf16, #tpu.memory_space<vmem_shared>> -> memref<1024x1024xbf16, #tpu.memory_space<vmem_shared>>
    tpu.wait_indirect_dma semaphore(%arg14 : memref<!tpu.dma_semaphore, #tpu.memory_space<semaphore_mem>>) src(%dma_wait3A_304 : memref<32x1024xbf16, #tpu.memory_space<vmem>>) dst(%dma_wait3A_307 : memref<1024x1024xbf16, #tpu.memory_space<vmem_shared>>)
    %add3A_308 = arith.constant 192 : i32
    %add3A_309 = arith.addi %mul3A_40, %add3A_308 : i32
    %dma_start3A_310 = tpu.memref_slice %arg3[%add3A_309] : memref<16384xi32, #tpu.memory_space<hbm>> -> memref<32xi32, #tpu.memory_space<hbm>>
    %dma_start3A_311 = tpu.memref_slice %arg3[%add3A_309] : memref<16384xi32, #tpu.memory_space<hbm>> -> memref<32xi32, #tpu.memory_space<hbm>>
    tpu.enqueue_dma source(%dma_start3A_311 : memref<32xi32, #tpu.memory_space<hbm>>) target(%arg5 : memref<32xi32, #tpu.memory_space<vmem>>) target_semaphore(%arg12 : memref<!tpu.dma_semaphore, #tpu.memory_space<semaphore_mem>>)
    %add3A_312 = arith.constant 192 : i32
    %add3A_313 = arith.addi %mul3A_40, %add3A_312 : i32
    %dma_start3A_314 = arith.constant 0 : i32
    %dma_start3A_315 = arith.constant 0 : i32
    %dma_start3A_316 = arith.constant 0 : i32
    %dma_start3A_317 = tpu.memref_slice %arg7[%dma_start3A_314, %dma_start3A_315, %dma_start3A_316] : memref<2x32x1024xbf16, #tpu.memory_space<vmem>> -> memref<1x32x1024xbf16, #tpu.memory_space<vmem>>
    %dma_start3A_318 = tpu.memref_squeeze %dma_start3A_317 : memref<1x32x1024xbf16, #tpu.memory_space<vmem>> -> memref<32x1024xbf16, #tpu.memory_space<vmem>>
    %dma_start3A_319 = arith.constant 0 : i32
    %dma_start3A_320 = tpu.memref_slice %arg2[%add3A_313, %dma_start3A_319] : memref<16384x1024xbf16, #tpu.memory_space<hbm>> -> memref<32x1024xbf16, #tpu.memory_space<hbm>>
    %dma_start3A_321 = arith.constant 0 : i32
    %dma_start3A_322 = arith.constant 0 : i32
    %dma_start3A_323 = tpu.memref_slice %arg7[%dma_start3A_314, %dma_start3A_321, %dma_start3A_322] : memref<2x32x1024xbf16, #tpu.memory_space<vmem>> -> memref<1x32x1024xbf16, #tpu.memory_space<vmem>>
    %dma_start3A_324 = tpu.memref_squeeze %dma_start3A_323 : memref<1x32x1024xbf16, #tpu.memory_space<vmem>> -> memref<32x1024xbf16, #tpu.memory_space<vmem>>
    %dma_start3A_325 = arith.constant 0 : i32
    %dma_start3A_326 = tpu.memref_slice %arg2[%add3A_313, %dma_start3A_325] : memref<16384x1024xbf16, #tpu.memory_space<hbm>> -> memref<32x1024xbf16, #tpu.memory_space<hbm>>
    tpu.enqueue_dma source(%dma_start3A_326 : memref<32x1024xbf16, #tpu.memory_space<hbm>>) target(%dma_start3A_324 : memref<32x1024xbf16, #tpu.memory_space<vmem>>) target_semaphore(%arg10 : memref<!tpu.dma_semaphore, #tpu.memory_space<semaphore_mem>>)
    %dma_wait3A_327 = tpu.memref_slice %arg3[%add3A_259] : memref<16384xi32, #tpu.memory_space<hbm>> -> memref<32xi32, #tpu.memory_space<hbm>>
    %dma_wait3A_328 = tpu.memref_slice %arg3[%add3A_259] : memref<16384xi32, #tpu.memory_space<hbm>> -> memref<32xi32, #tpu.memory_space<hbm>>
    tpu.wait_dma2 semaphore(%arg13 : memref<!tpu.dma_semaphore, #tpu.memory_space<semaphore_mem>>) src(%dma_wait3A_328 : memref<32xi32, #tpu.memory_space<hbm>>) dst(%arg6 : memref<32xi32, #tpu.memory_space<vmem>>)
    %dma_wait3A_329 = arith.constant 1 : i32
    %dma_wait3A_330 = arith.constant 0 : i32
    %dma_wait3A_331 = arith.constant 0 : i32
    %dma_wait3A_332 = tpu.memref_slice %arg7[%dma_wait3A_329, %dma_wait3A_330, %dma_wait3A_331] : memref<2x32x1024xbf16, #tpu.memory_space<vmem>> -> memref<1x32x1024xbf16, #tpu.memory_space<vmem>>
    %dma_wait3A_333 = tpu.memref_squeeze %dma_wait3A_332 : memref<1x32x1024xbf16, #tpu.memory_space<vmem>> -> memref<32x1024xbf16, #tpu.memory_space<vmem>>
    %dma_wait3A_334 = arith.constant 0 : i32
    %dma_wait3A_335 = tpu.memref_slice %arg2[%add3A_263, %dma_wait3A_334] : memref<16384x1024xbf16, #tpu.memory_space<hbm>> -> memref<32x1024xbf16, #tpu.memory_space<hbm>>
    %dma_wait3A_336 = arith.constant 0 : i32
    %dma_wait3A_337 = arith.constant 0 : i32
    %dma_wait3A_338 = tpu.memref_slice %arg7[%dma_wait3A_329, %dma_wait3A_336, %dma_wait3A_337] : memref<2x32x1024xbf16, #tpu.memory_space<vmem>> -> memref<1x32x1024xbf16, #tpu.memory_space<vmem>>
    %dma_wait3A_339 = tpu.memref_squeeze %dma_wait3A_338 : memref<1x32x1024xbf16, #tpu.memory_space<vmem>> -> memref<32x1024xbf16, #tpu.memory_space<vmem>>
    %dma_wait3A_340 = arith.constant 0 : i32
    %dma_wait3A_341 = tpu.memref_slice %arg2[%add3A_263, %dma_wait3A_340] : memref<16384x1024xbf16, #tpu.memory_space<hbm>> -> memref<32x1024xbf16, #tpu.memory_space<hbm>>
    tpu.wait_dma2 semaphore(%arg11 : memref<!tpu.dma_semaphore, #tpu.memory_space<semaphore_mem>>) src(%dma_wait3A_341 : memref<32x1024xbf16, #tpu.memory_space<hbm>>) dst(%dma_wait3A_339 : memref<32x1024xbf16, #tpu.memory_space<vmem>>)
    %dma_start3A_342 = arith.constant 1 : i32
    %dma_start3A_343 = arith.constant 0 : i32
    %dma_start3A_344 = arith.constant 0 : i32
    %dma_start3A_345 = tpu.memref_slice %arg7[%dma_start3A_342, %dma_start3A_343, %dma_start3A_344] : memref<2x32x1024xbf16, #tpu.memory_space<vmem>> -> memref<1x32x1024xbf16, #tpu.memory_space<vmem>>
    %dma_start3A_346 = tpu.memref_squeeze %dma_start3A_345 : memref<1x32x1024xbf16, #tpu.memory_space<vmem>> -> memref<32x1024xbf16, #tpu.memory_space<vmem>>
    %dma_start3A_347 = arith.constant 0 : i32
    %dma_start3A_348 = arith.constant 0 : i32
    %dma_start3A_349 = tpu.memref_slice %arg9[%dma_start3A_347, %dma_start3A_348] : memref<1024x1024xbf16, #tpu.memory_space<vmem_shared>> -> memref<1024x1024xbf16, #tpu.memory_space<vmem_shared>>
    tpu.enqueue_indirect_dma source(%dma_start3A_346 : memref<32x1024xbf16, #tpu.memory_space<vmem>>) target(%dma_start3A_349 : memref<1024x1024xbf16, #tpu.memory_space<vmem_shared>>) offsets(%arg6 : memref<32xi32, #tpu.memory_space<vmem>>) semaphore(%arg15 : memref<!tpu.dma_semaphore, #tpu.memory_space<semaphore_mem>>) {add = true}
    %dma_wait3A_350 = arith.constant 1 : i32
    %dma_wait3A_351 = arith.constant 0 : i32
    %dma_wait3A_352 = arith.constant 0 : i32
    %dma_wait3A_353 = tpu.memref_slice %arg7[%dma_wait3A_350, %dma_wait3A_351, %dma_wait3A_352] : memref<2x32x1024xbf16, #tpu.memory_space<vmem>> -> memref<1x32x1024xbf16, #tpu.memory_space<vmem>>
    %dma_wait3A_354 = tpu.memref_squeeze %dma_wait3A_353 : memref<1x32x1024xbf16, #tpu.memory_space<vmem>> -> memref<32x1024xbf16, #tpu.memory_space<vmem>>
    %dma_wait3A_355 = arith.constant 0 : i32
    %dma_wait3A_356 = arith.constant 0 : i32
    %dma_wait3A_357 = tpu.memref_slice %arg9[%dma_wait3A_355, %dma_wait3A_356] : memref<1024x1024xbf16, #tpu.memory_space<vmem_shared>> -> memref<1024x1024xbf16, #tpu.memory_space<vmem_shared>>
    tpu.wait_indirect_dma semaphore(%arg15 : memref<!tpu.dma_semaphore, #tpu.memory_space<semaphore_mem>>) src(%dma_wait3A_354 : memref<32x1024xbf16, #tpu.memory_space<vmem>>) dst(%dma_wait3A_357 : memref<1024x1024xbf16, #tpu.memory_space<vmem_shared>>)
    %add3A_358 = arith.constant 224 : i32
    %add3A_359 = arith.addi %mul3A_40, %add3A_358 : i32
    %dma_start3A_360 = tpu.memref_slice %arg3[%add3A_359] : memref<16384xi32, #tpu.memory_space<hbm>> -> memref<32xi32, #tpu.memory_space<hbm>>
    %dma_start3A_361 = tpu.memref_slice %arg3[%add3A_359] : memref<16384xi32, #tpu.memory_space<hbm>> -> memref<32xi32, #tpu.memory_space<hbm>>
    tpu.enqueue_dma source(%dma_start3A_361 : memref<32xi32, #tpu.memory_space<hbm>>) target(%arg6 : memref<32xi32, #tpu.memory_space<vmem>>) target_semaphore(%arg13 : memref<!tpu.dma_semaphore, #tpu.memory_space<semaphore_mem>>)
    %add3A_362 = arith.constant 224 : i32
    %add3A_363 = arith.addi %mul3A_40, %add3A_362 : i32
    %dma_start3A_364 = arith.constant 1 : i32
    %dma_start3A_365 = arith.constant 0 : i32
    %dma_start3A_366 = arith.constant 0 : i32
    %dma_start3A_367 = tpu.memref_slice %arg7[%dma_start3A_364, %dma_start3A_365, %dma_start3A_366] : memref<2x32x1024xbf16, #tpu.memory_space<vmem>> -> memref<1x32x1024xbf16, #tpu.memory_space<vmem>>
    %dma_start3A_368 = tpu.memref_squeeze %dma_start3A_367 : memref<1x32x1024xbf16, #tpu.memory_space<vmem>> -> memref<32x1024xbf16, #tpu.memory_space<vmem>>
    %dma_start3A_369 = arith.constant 0 : i32
    %dma_start3A_370 = tpu.memref_slice %arg2[%add3A_363, %dma_start3A_369] : memref<16384x1024xbf16, #tpu.memory_space<hbm>> -> memref<32x1024xbf16, #tpu.memory_space<hbm>>
    %dma_start3A_371 = arith.constant 0 : i32
    %dma_start3A_372 = arith.constant 0 : i32
    %dma_start3A_373 = tpu.memref_slice %arg7[%dma_start3A_364, %dma_start3A_371, %dma_start3A_372] : memref<2x32x1024xbf16, #tpu.memory_space<vmem>> -> memref<1x32x1024xbf16, #tpu.memory_space<vmem>>
    %dma_start3A_374 = tpu.memref_squeeze %dma_start3A_373 : memref<1x32x1024xbf16, #tpu.memory_space<vmem>> -> memref<32x1024xbf16, #tpu.memory_space<vmem>>
    %dma_start3A_375 = arith.constant 0 : i32
    %dma_start3A_376 = tpu.memref_slice %arg2[%add3A_363, %dma_start3A_375] : memref<16384x1024xbf16, #tpu.memory_space<hbm>> -> memref<32x1024xbf16, #tpu.memory_space<hbm>>
    tpu.enqueue_dma source(%dma_start3A_376 : memref<32x1024xbf16, #tpu.memory_space<hbm>>) target(%dma_start3A_374 : memref<32x1024xbf16, #tpu.memory_space<vmem>>) target_semaphore(%arg11 : memref<!tpu.dma_semaphore, #tpu.memory_space<semaphore_mem>>)
    %dma_wait3A_377 = tpu.memref_slice %arg3[%add3A_309] : memref<16384xi32, #tpu.memory_space<hbm>> -> memref<32xi32, #tpu.memory_space<hbm>>
    %dma_wait3A_378 = tpu.memref_slice %arg3[%add3A_309] : memref<16384xi32, #tpu.memory_space<hbm>> -> memref<32xi32, #tpu.memory_space<hbm>>
    tpu.wait_dma2 semaphore(%arg12 : memref<!tpu.dma_semaphore, #tpu.memory_space<semaphore_mem>>) src(%dma_wait3A_378 : memref<32xi32, #tpu.memory_space<hbm>>) dst(%arg5 : memref<32xi32, #tpu.memory_space<vmem>>)
    %dma_wait3A_379 = arith.constant 0 : i32
    %dma_wait3A_380 = arith.constant 0 : i32
    %dma_wait3A_381 = arith.constant 0 : i32
    %dma_wait3A_382 = tpu.memref_slice %arg7[%dma_wait3A_379, %dma_wait3A_380, %dma_wait3A_381] : memref<2x32x1024xbf16, #tpu.memory_space<vmem>> -> memref<1x32x1024xbf16, #tpu.memory_space<vmem>>
    %dma_wait3A_383 = tpu.memref_squeeze %dma_wait3A_382 : memref<1x32x1024xbf16, #tpu.memory_space<vmem>> -> memref<32x1024xbf16, #tpu.memory_space<vmem>>
    %dma_wait3A_384 = arith.constant 0 : i32
    %dma_wait3A_385 = tpu.memref_slice %arg2[%add3A_313, %dma_wait3A_384] : memref<16384x1024xbf16, #tpu.memory_space<hbm>> -> memref<32x1024xbf16, #tpu.memory_space<hbm>>
    %dma_wait3A_386 = arith.constant 0 : i32
    %dma_wait3A_387 = arith.constant 0 : i32
    %dma_wait3A_388 = tpu.memref_slice %arg7[%dma_wait3A_379, %dma_wait3A_386, %dma_wait3A_387] : memref<2x32x1024xbf16, #tpu.memory_space<vmem>> -> memref<1x32x1024xbf16, #tpu.memory_space<vmem>>
    %dma_wait3A_389 = tpu.memref_squeeze %dma_wait3A_388 : memref<1x32x1024xbf16, #tpu.memory_space<vmem>> -> memref<32x1024xbf16, #tpu.memory_space<vmem>>
    %dma_wait3A_390 = arith.constant 0 : i32
    %dma_wait3A_391 = tpu.memref_slice %arg2[%add3A_313, %dma_wait3A_390] : memref<16384x1024xbf16, #tpu.memory_space<hbm>> -> memref<32x1024xbf16, #tpu.memory_space<hbm>>
    tpu.wait_dma2 semaphore(%arg10 : memref<!tpu.dma_semaphore, #tpu.memory_space<semaphore_mem>>) src(%dma_wait3A_391 : memref<32x1024xbf16, #tpu.memory_space<hbm>>) dst(%dma_wait3A_389 : memref<32x1024xbf16, #tpu.memory_space<vmem>>)
    %dma_start3A_392 = arith.constant 0 : i32
    %dma_start3A_393 = arith.constant 0 : i32
    %dma_start3A_394 = arith.constant 0 : i32
    %dma_start3A_395 = tpu.memref_slice %arg7[%dma_start3A_392, %dma_start3A_393, %dma_start3A_394] : memref<2x32x1024xbf16, #tpu.memory_space<vmem>> -> memref<1x32x1024xbf16, #tpu.memory_space<vmem>>
    %dma_start3A_396 = tpu.memref_squeeze %dma_start3A_395 : memref<1x32x1024xbf16, #tpu.memory_space<vmem>> -> memref<32x1024xbf16, #tpu.memory_space<vmem>>
    %dma_start3A_397 = arith.constant 0 : i32
    %dma_start3A_398 = arith.constant 0 : i32
    %dma_start3A_399 = tpu.memref_slice %arg9[%dma_start3A_397, %dma_start3A_398] : memref<1024x1024xbf16, #tpu.memory_space<vmem_shared>> -> memref<1024x1024xbf16, #tpu.memory_space<vmem_shared>>
    tpu.enqueue_indirect_dma source(%dma_start3A_396 : memref<32x1024xbf16, #tpu.memory_space<vmem>>) target(%dma_start3A_399 : memref<1024x1024xbf16, #tpu.memory_space<vmem_shared>>) offsets(%arg5 : memref<32xi32, #tpu.memory_space<vmem>>) semaphore(%arg14 : memref<!tpu.dma_semaphore, #tpu.memory_space<semaphore_mem>>) {add = true}
    %dma_wait3A_400 = arith.constant 0 : i32
    %dma_wait3A_401 = arith.constant 0 : i32
    %dma_wait3A_402 = arith.constant 0 : i32
    %dma_wait3A_403 = tpu.memref_slice %arg7[%dma_wait3A_400, %dma_wait3A_401, %dma_wait3A_402] : memref<2x32x1024xbf16, #tpu.memory_space<vmem>> -> memref<1x32x1024xbf16, #tpu.memory_space<vmem>>
    %dma_wait3A_404 = tpu.memref_squeeze %dma_wait3A_403 : memref<1x32x1024xbf16, #tpu.memory_space<vmem>> -> memref<32x1024xbf16, #tpu.memory_space<vmem>>
    %dma_wait3A_405 = arith.constant 0 : i32
    %dma_wait3A_406 = arith.constant 0 : i32
    %dma_wait3A_407 = tpu.memref_slice %arg9[%dma_wait3A_405, %dma_wait3A_406] : memref<1024x1024xbf16, #tpu.memory_space<vmem_shared>> -> memref<1024x1024xbf16, #tpu.memory_space<vmem_shared>>
    tpu.wait_indirect_dma semaphore(%arg14 : memref<!tpu.dma_semaphore, #tpu.memory_space<semaphore_mem>>) src(%dma_wait3A_404 : memref<32x1024xbf16, #tpu.memory_space<vmem>>) dst(%dma_wait3A_407 : memref<1024x1024xbf16, #tpu.memory_space<vmem_shared>>)
    %add3A_408 = arith.constant 256 : i32
    %add3A_409 = arith.addi %mul3A_40, %add3A_408 : i32
    %dma_start3A_410 = tpu.memref_slice %arg3[%add3A_409] : memref<16384xi32, #tpu.memory_space<hbm>> -> memref<32xi32, #tpu.memory_space<hbm>>
    %dma_start3A_411 = tpu.memref_slice %arg3[%add3A_409] : memref<16384xi32, #tpu.memory_space<hbm>> -> memref<32xi32, #tpu.memory_space<hbm>>
    tpu.enqueue_dma source(%dma_start3A_411 : memref<32xi32, #tpu.memory_space<hbm>>) target(%arg5 : memref<32xi32, #tpu.memory_space<vmem>>) target_semaphore(%arg12 : memref<!tpu.dma_semaphore, #tpu.memory_space<semaphore_mem>>)
    %add3A_412 = arith.constant 256 : i32
    %add3A_413 = arith.addi %mul3A_40, %add3A_412 : i32
    %dma_start3A_414 = arith.constant 0 : i32
    %dma_start3A_415 = arith.constant 0 : i32
    %dma_start3A_416 = arith.constant 0 : i32
    %dma_start3A_417 = tpu.memref_slice %arg7[%dma_start3A_414, %dma_start3A_415, %dma_start3A_416] : memref<2x32x1024xbf16, #tpu.memory_space<vmem>> -> memref<1x32x1024xbf16, #tpu.memory_space<vmem>>
    %dma_start3A_418 = tpu.memref_squeeze %dma_start3A_417 : memref<1x32x1024xbf16, #tpu.memory_space<vmem>> -> memref<32x1024xbf16, #tpu.memory_space<vmem>>
    %dma_start3A_419 = arith.constant 0 : i32
    %dma_start3A_420 = tpu.memref_slice %arg2[%add3A_413, %dma_start3A_419] : memref<16384x1024xbf16, #tpu.memory_space<hbm>> -> memref<32x1024xbf16, #tpu.memory_space<hbm>>
    %dma_start3A_421 = arith.constant 0 : i32
    %dma_start3A_422 = arith.constant 0 : i32
    %dma_start3A_423 = tpu.memref_slice %arg7[%dma_start3A_414, %dma_start3A_421, %dma_start3A_422] : memref<2x32x1024xbf16, #tpu.memory_space<vmem>> -> memref<1x32x1024xbf16, #tpu.memory_space<vmem>>
    %dma_start3A_424 = tpu.memref_squeeze %dma_start3A_423 : memref<1x32x1024xbf16, #tpu.memory_space<vmem>> -> memref<32x1024xbf16, #tpu.memory_space<vmem>>
    %dma_start3A_425 = arith.constant 0 : i32
    %dma_start3A_426 = tpu.memref_slice %arg2[%add3A_413, %dma_start3A_425] : memref<16384x1024xbf16, #tpu.memory_space<hbm>> -> memref<32x1024xbf16, #tpu.memory_space<hbm>>
    tpu.enqueue_dma source(%dma_start3A_426 : memref<32x1024xbf16, #tpu.memory_space<hbm>>) target(%dma_start3A_424 : memref<32x1024xbf16, #tpu.memory_space<vmem>>) target_semaphore(%arg10 : memref<!tpu.dma_semaphore, #tpu.memory_space<semaphore_mem>>)
    %dma_wait3A_427 = tpu.memref_slice %arg3[%add3A_359] : memref<16384xi32, #tpu.memory_space<hbm>> -> memref<32xi32, #tpu.memory_space<hbm>>
    %dma_wait3A_428 = tpu.memref_slice %arg3[%add3A_359] : memref<16384xi32, #tpu.memory_space<hbm>> -> memref<32xi32, #tpu.memory_space<hbm>>
    tpu.wait_dma2 semaphore(%arg13 : memref<!tpu.dma_semaphore, #tpu.memory_space<semaphore_mem>>) src(%dma_wait3A_428 : memref<32xi32, #tpu.memory_space<hbm>>) dst(%arg6 : memref<32xi32, #tpu.memory_space<vmem>>)
    %dma_wait3A_429 = arith.constant 1 : i32
    %dma_wait3A_430 = arith.constant 0 : i32
    %dma_wait3A_431 = arith.constant 0 : i32
    %dma_wait3A_432 = tpu.memref_slice %arg7[%dma_wait3A_429, %dma_wait3A_430, %dma_wait3A_431] : memref<2x32x1024xbf16, #tpu.memory_space<vmem>> -> memref<1x32x1024xbf16, #tpu.memory_space<vmem>>
    %dma_wait3A_433 = tpu.memref_squeeze %dma_wait3A_432 : memref<1x32x1024xbf16, #tpu.memory_space<vmem>> -> memref<32x1024xbf16, #tpu.memory_space<vmem>>
    %dma_wait3A_434 = arith.constant 0 : i32
    %dma_wait3A_435 = tpu.memref_slice %arg2[%add3A_363, %dma_wait3A_434] : memref<16384x1024xbf16, #tpu.memory_space<hbm>> -> memref<32x1024xbf16, #tpu.memory_space<hbm>>
    %dma_wait3A_436 = arith.constant 0 : i32
    %dma_wait3A_437 = arith.constant 0 : i32
    %dma_wait3A_438 = tpu.memref_slice %arg7[%dma_wait3A_429, %dma_wait3A_436, %dma_wait3A_437] : memref<2x32x1024xbf16, #tpu.memory_space<vmem>> -> memref<1x32x1024xbf16, #tpu.memory_space<vmem>>
    %dma_wait3A_439 = tpu.memref_squeeze %dma_wait3A_438 : memref<1x32x1024xbf16, #tpu.memory_space<vmem>> -> memref<32x1024xbf16, #tpu.memory_space<vmem>>
    %dma_wait3A_440 = arith.constant 0 : i32
    %dma_wait3A_441 = tpu.memref_slice %arg2[%add3A_363, %dma_wait3A_440] : memref<16384x1024xbf16, #tpu.memory_space<hbm>> -> memref<32x1024xbf16, #tpu.memory_space<hbm>>
    tpu.wait_dma2 semaphore(%arg11 : memref<!tpu.dma_semaphore, #tpu.memory_space<semaphore_mem>>) src(%dma_wait3A_441 : memref<32x1024xbf16, #tpu.memory_space<hbm>>) dst(%dma_wait3A_439 : memref<32x1024xbf16, #tpu.memory_space<vmem>>)
    %dma_start3A_442 = arith.constant 1 : i32
    %dma_start3A_443 = arith.constant 0 : i32
    %dma_start3A_444 = arith.constant 0 : i32
    %dma_start3A_445 = tpu.memref_slice %arg7[%dma_start3A_442, %dma_start3A_443, %dma_start3A_444] : memref<2x32x1024xbf16, #tpu.memory_space<vmem>> -> memref<1x32x1024xbf16, #tpu.memory_space<vmem>>
    %dma_start3A_446 = tpu.memref_squeeze %dma_start3A_445 : memref<1x32x1024xbf16, #tpu.memory_space<vmem>> -> memref<32x1024xbf16, #tpu.memory_space<vmem>>
    %dma_start3A_447 = arith.constant 0 : i32
    %dma_start3A_448 = arith.constant 0 : i32
    %dma_start3A_449 = tpu.memref_slice %arg9[%dma_start3A_447, %dma_start3A_448] : memref<1024x1024xbf16, #tpu.memory_space<vmem_shared>> -> memref<1024x1024xbf16, #tpu.memory_space<vmem_shared>>
    tpu.enqueue_indirect_dma source(%dma_start3A_446 : memref<32x1024xbf16, #tpu.memory_space<vmem>>) target(%dma_start3A_449 : memref<1024x1024xbf16, #tpu.memory_space<vmem_shared>>) offsets(%arg6 : memref<32xi32, #tpu.memory_space<vmem>>) semaphore(%arg15 : memref<!tpu.dma_semaphore, #tpu.memory_space<semaphore_mem>>) {add = true}
    %dma_wait3A_450 = arith.constant 1 : i32
    %dma_wait3A_451 = arith.constant 0 : i32
    %dma_wait3A_452 = arith.constant 0 : i32
    %dma_wait3A_453 = tpu.memref_slice %arg7[%dma_wait3A_450, %dma_wait3A_451, %dma_wait3A_452] : memref<2x32x1024xbf16, #tpu.memory_space<vmem>> -> memref<1x32x1024xbf16, #tpu.memory_space<vmem>>
    %dma_wait3A_454 = tpu.memref_squeeze %dma_wait3A_453 : memref<1x32x1024xbf16, #tpu.memory_space<vmem>> -> memref<32x1024xbf16, #tpu.memory_space<vmem>>
    %dma_wait3A_455 = arith.constant 0 : i32
    %dma_wait3A_456 = arith.constant 0 : i32
    %dma_wait3A_457 = tpu.memref_slice %arg9[%dma_wait3A_455, %dma_wait3A_456] : memref<1024x1024xbf16, #tpu.memory_space<vmem_shared>> -> memref<1024x1024xbf16, #tpu.memory_space<vmem_shared>>
    tpu.wait_indirect_dma semaphore(%arg15 : memref<!tpu.dma_semaphore, #tpu.memory_space<semaphore_mem>>) src(%dma_wait3A_454 : memref<32x1024xbf16, #tpu.memory_space<vmem>>) dst(%dma_wait3A_457 : memref<1024x1024xbf16, #tpu.memory_space<vmem_shared>>)
    %add3A_458 = arith.constant 288 : i32
    %add3A_459 = arith.addi %mul3A_40, %add3A_458 : i32
    %dma_start3A_460 = tpu.memref_slice %arg3[%add3A_459] : memref<16384xi32, #tpu.memory_space<hbm>> -> memref<32xi32, #tpu.memory_space<hbm>>
    %dma_start3A_461 = tpu.memref_slice %arg3[%add3A_459] : memref<16384xi32, #tpu.memory_space<hbm>> -> memref<32xi32, #tpu.memory_space<hbm>>
    tpu.enqueue_dma source(%dma_start3A_461 : memref<32xi32, #tpu.memory_space<hbm>>) target(%arg6 : memref<32xi32, #tpu.memory_space<vmem>>) target_semaphore(%arg13 : memref<!tpu.dma_semaphore, #tpu.memory_space<semaphore_mem>>)
    %add3A_462 = arith.constant 288 : i32
    %add3A_463 = arith.addi %mul3A_40, %add3A_462 : i32
    %dma_start3A_464 = arith.constant 1 : i32
    %dma_start3A_465 = arith.constant 0 : i32
    %dma_start3A_466 = arith.constant 0 : i32
    %dma_start3A_467 = tpu.memref_slice %arg7[%dma_start3A_464, %dma_start3A_465, %dma_start3A_466] : memref<2x32x1024xbf16, #tpu.memory_space<vmem>> -> memref<1x32x1024xbf16, #tpu.memory_space<vmem>>
    %dma_start3A_468 = tpu.memref_squeeze %dma_start3A_467 : memref<1x32x1024xbf16, #tpu.memory_space<vmem>> -> memref<32x1024xbf16, #tpu.memory_space<vmem>>
    %dma_start3A_469 = arith.constant 0 : i32
    %dma_start3A_470 = tpu.memref_slice %arg2[%add3A_463, %dma_start3A_469] : memref<16384x1024xbf16, #tpu.memory_space<hbm>> -> memref<32x1024xbf16, #tpu.memory_space<hbm>>
    %dma_start3A_471 = arith.constant 0 : i32
    %dma_start3A_472 = arith.constant 0 : i32
    %dma_start3A_473 = tpu.memref_slice %arg7[%dma_start3A_464, %dma_start3A_471, %dma_start3A_472] : memref<2x32x1024xbf16, #tpu.memory_space<vmem>> -> memref<1x32x1024xbf16, #tpu.memory_space<vmem>>
    %dma_start3A_474 = tpu.memref_squeeze %dma_start3A_473 : memref<1x32x1024xbf16, #tpu.memory_space<vmem>> -> memref<32x1024xbf16, #tpu.memory_space<vmem>>
    %dma_start3A_475 = arith.constant 0 : i32
    %dma_start3A_476 = tpu.memref_slice %arg2[%add3A_463, %dma_start3A_475] : memref<16384x1024xbf16, #tpu.memory_space<hbm>> -> memref<32x1024xbf16, #tpu.memory_space<hbm>>
    tpu.enqueue_dma source(%dma_start3A_476 : memref<32x1024xbf16, #tpu.memory_space<hbm>>) target(%dma_start3A_474 : memref<32x1024xbf16, #tpu.memory_space<vmem>>) target_semaphore(%arg11 : memref<!tpu.dma_semaphore, #tpu.memory_space<semaphore_mem>>)
    %dma_wait3A_477 = tpu.memref_slice %arg3[%add3A_409] : memref<16384xi32, #tpu.memory_space<hbm>> -> memref<32xi32, #tpu.memory_space<hbm>>
    %dma_wait3A_478 = tpu.memref_slice %arg3[%add3A_409] : memref<16384xi32, #tpu.memory_space<hbm>> -> memref<32xi32, #tpu.memory_space<hbm>>
    tpu.wait_dma2 semaphore(%arg12 : memref<!tpu.dma_semaphore, #tpu.memory_space<semaphore_mem>>) src(%dma_wait3A_478 : memref<32xi32, #tpu.memory_space<hbm>>) dst(%arg5 : memref<32xi32, #tpu.memory_space<vmem>>)
    %dma_wait3A_479 = arith.constant 0 : i32
    %dma_wait3A_480 = arith.constant 0 : i32
    %dma_wait3A_481 = arith.constant 0 : i32
    %dma_wait3A_482 = tpu.memref_slice %arg7[%dma_wait3A_479, %dma_wait3A_480, %dma_wait3A_481] : memref<2x32x1024xbf16, #tpu.memory_space<vmem>> -> memref<1x32x1024xbf16, #tpu.memory_space<vmem>>
    %dma_wait3A_483 = tpu.memref_squeeze %dma_wait3A_482 : memref<1x32x1024xbf16, #tpu.memory_space<vmem>> -> memref<32x1024xbf16, #tpu.memory_space<vmem>>
    %dma_wait3A_484 = arith.constant 0 : i32
    %dma_wait3A_485 = tpu.memref_slice %arg2[%add3A_413, %dma_wait3A_484] : memref<16384x1024xbf16, #tpu.memory_space<hbm>> -> memref<32x1024xbf16, #tpu.memory_space<hbm>>
    %dma_wait3A_486 = arith.constant 0 : i32
    %dma_wait3A_487 = arith.constant 0 : i32
    %dma_wait3A_488 = tpu.memref_slice %arg7[%dma_wait3A_479, %dma_wait3A_486, %dma_wait3A_487] : memref<2x32x1024xbf16, #tpu.memory_space<vmem>> -> memref<1x32x1024xbf16, #tpu.memory_space<vmem>>
    %dma_wait3A_489 = tpu.memref_squeeze %dma_wait3A_488 : memref<1x32x1024xbf16, #tpu.memory_space<vmem>> -> memref<32x1024xbf16, #tpu.memory_space<vmem>>
    %dma_wait3A_490 = arith.constant 0 : i32
    %dma_wait3A_491 = tpu.memref_slice %arg2[%add3A_413, %dma_wait3A_490] : memref<16384x1024xbf16, #tpu.memory_space<hbm>> -> memref<32x1024xbf16, #tpu.memory_space<hbm>>
    tpu.wait_dma2 semaphore(%arg10 : memref<!tpu.dma_semaphore, #tpu.memory_space<semaphore_mem>>) src(%dma_wait3A_491 : memref<32x1024xbf16, #tpu.memory_space<hbm>>) dst(%dma_wait3A_489 : memref<32x1024xbf16, #tpu.memory_space<vmem>>)
    %dma_start3A_492 = arith.constant 0 : i32
    %dma_start3A_493 = arith.constant 0 : i32
    %dma_start3A_494 = arith.constant 0 : i32
    %dma_start3A_495 = tpu.memref_slice %arg7[%dma_start3A_492, %dma_start3A_493, %dma_start3A_494] : memref<2x32x1024xbf16, #tpu.memory_space<vmem>> -> memref<1x32x1024xbf16, #tpu.memory_space<vmem>>
    %dma_start3A_496 = tpu.memref_squeeze %dma_start3A_495 : memref<1x32x1024xbf16, #tpu.memory_space<vmem>> -> memref<32x1024xbf16, #tpu.memory_space<vmem>>
    %dma_start3A_497 = arith.constant 0 : i32
    %dma_start3A_498 = arith.constant 0 : i32
    %dma_start3A_499 = tpu.memref_slice %arg9[%dma_start3A_497, %dma_start3A_498] : memref<1024x1024xbf16, #tpu.memory_space<vmem_shared>> -> memref<1024x1024xbf16, #tpu.memory_space<vmem_shared>>
    tpu.enqueue_indirect_dma source(%dma_start3A_496 : memref<32x1024xbf16, #tpu.memory_space<vmem>>) target(%dma_start3A_499 : memref<1024x1024xbf16, #tpu.memory_space<vmem_shared>>) offsets(%arg5 : memref<32xi32, #tpu.memory_space<vmem>>) semaphore(%arg14 : memref<!tpu.dma_semaphore, #tpu.memory_space<semaphore_mem>>) {add = true}
    %dma_wait3A_500 = arith.constant 0 : i32
    %dma_wait3A_501 = arith.constant 0 : i32
    %dma_wait3A_502 = arith.constant 0 : i32
    %dma_wait3A_503 = tpu.memref_slice %arg7[%dma_wait3A_500, %dma_wait3A_501, %dma_wait3A_502] : memref<2x32x1024xbf16, #tpu.memory_space<vmem>> -> memref<1x32x1024xbf16, #tpu.memory_space<vmem>>
    %dma_wait3A_504 = tpu.memref_squeeze %dma_wait3A_503 : memref<1x32x1024xbf16, #tpu.memory_space<vmem>> -> memref<32x1024xbf16, #tpu.memory_space<vmem>>
    %dma_wait3A_505 = arith.constant 0 : i32
    %dma_wait3A_506 = arith.constant 0 : i32
    %dma_wait3A_507 = tpu.memref_slice %arg9[%dma_wait3A_505, %dma_wait3A_506] : memref<1024x1024xbf16, #tpu.memory_space<vmem_shared>> -> memref<1024x1024xbf16, #tpu.memory_space<vmem_shared>>
    tpu.wait_indirect_dma semaphore(%arg14 : memref<!tpu.dma_semaphore, #tpu.memory_space<semaphore_mem>>) src(%dma_wait3A_504 : memref<32x1024xbf16, #tpu.memory_space<vmem>>) dst(%dma_wait3A_507 : memref<1024x1024xbf16, #tpu.memory_space<vmem_shared>>)
    %add3A_508 = arith.constant 320 : i32
    %add3A_509 = arith.addi %mul3A_40, %add3A_508 : i32
    %dma_start3A_510 = tpu.memref_slice %arg3[%add3A_509] : memref<16384xi32, #tpu.memory_space<hbm>> -> memref<32xi32, #tpu.memory_space<hbm>>
    %dma_start3A_511 = tpu.memref_slice %arg3[%add3A_509] : memref<16384xi32, #tpu.memory_space<hbm>> -> memref<32xi32, #tpu.memory_space<hbm>>
    tpu.enqueue_dma source(%dma_start3A_511 : memref<32xi32, #tpu.memory_space<hbm>>) target(%arg5 : memref<32xi32, #tpu.memory_space<vmem>>) target_semaphore(%arg12 : memref<!tpu.dma_semaphore, #tpu.memory_space<semaphore_mem>>)
    %add3A_512 = arith.constant 320 : i32
    %add3A_513 = arith.addi %mul3A_40, %add3A_512 : i32
    %dma_start3A_514 = arith.constant 0 : i32
    %dma_start3A_515 = arith.constant 0 : i32
    %dma_start3A_516 = arith.constant 0 : i32
    %dma_start3A_517 = tpu.memref_slice %arg7[%dma_start3A_514, %dma_start3A_515, %dma_start3A_516] : memref<2x32x1024xbf16, #tpu.memory_space<vmem>> -> memref<1x32x1024xbf16, #tpu.memory_space<vmem>>
    %dma_start3A_518 = tpu.memref_squeeze %dma_start3A_517 : memref<1x32x1024xbf16, #tpu.memory_space<vmem>> -> memref<32x1024xbf16, #tpu.memory_space<vmem>>
    %dma_start3A_519 = arith.constant 0 : i32
    %dma_start3A_520 = tpu.memref_slice %arg2[%add3A_513, %dma_start3A_519] : memref<16384x1024xbf16, #tpu.memory_space<hbm>> -> memref<32x1024xbf16, #tpu.memory_space<hbm>>
    %dma_start3A_521 = arith.constant 0 : i32
    %dma_start3A_522 = arith.constant 0 : i32
    %dma_start3A_523 = tpu.memref_slice %arg7[%dma_start3A_514, %dma_start3A_521, %dma_start3A_522] : memref<2x32x1024xbf16, #tpu.memory_space<vmem>> -> memref<1x32x1024xbf16, #tpu.memory_space<vmem>>
    %dma_start3A_524 = tpu.memref_squeeze %dma_start3A_523 : memref<1x32x1024xbf16, #tpu.memory_space<vmem>> -> memref<32x1024xbf16, #tpu.memory_space<vmem>>
    %dma_start3A_525 = arith.constant 0 : i32
    %dma_start3A_526 = tpu.memref_slice %arg2[%add3A_513, %dma_start3A_525] : memref<16384x1024xbf16, #tpu.memory_space<hbm>> -> memref<32x1024xbf16, #tpu.memory_space<hbm>>
    tpu.enqueue_dma source(%dma_start3A_526 : memref<32x1024xbf16, #tpu.memory_space<hbm>>) target(%dma_start3A_524 : memref<32x1024xbf16, #tpu.memory_space<vmem>>) target_semaphore(%arg10 : memref<!tpu.dma_semaphore, #tpu.memory_space<semaphore_mem>>)
    %dma_wait3A_527 = tpu.memref_slice %arg3[%add3A_459] : memref<16384xi32, #tpu.memory_space<hbm>> -> memref<32xi32, #tpu.memory_space<hbm>>
    %dma_wait3A_528 = tpu.memref_slice %arg3[%add3A_459] : memref<16384xi32, #tpu.memory_space<hbm>> -> memref<32xi32, #tpu.memory_space<hbm>>
    tpu.wait_dma2 semaphore(%arg13 : memref<!tpu.dma_semaphore, #tpu.memory_space<semaphore_mem>>) src(%dma_wait3A_528 : memref<32xi32, #tpu.memory_space<hbm>>) dst(%arg6 : memref<32xi32, #tpu.memory_space<vmem>>)
    %dma_wait3A_529 = arith.constant 1 : i32
    %dma_wait3A_530 = arith.constant 0 : i32
    %dma_wait3A_531 = arith.constant 0 : i32
    %dma_wait3A_532 = tpu.memref_slice %arg7[%dma_wait3A_529, %dma_wait3A_530, %dma_wait3A_531] : memref<2x32x1024xbf16, #tpu.memory_space<vmem>> -> memref<1x32x1024xbf16, #tpu.memory_space<vmem>>
    %dma_wait3A_533 = tpu.memref_squeeze %dma_wait3A_532 : memref<1x32x1024xbf16, #tpu.memory_space<vmem>> -> memref<32x1024xbf16, #tpu.memory_space<vmem>>
    %dma_wait3A_534 = arith.constant 0 : i32
    %dma_wait3A_535 = tpu.memref_slice %arg2[%add3A_463, %dma_wait3A_534] : memref<16384x1024xbf16, #tpu.memory_space<hbm>> -> memref<32x1024xbf16, #tpu.memory_space<hbm>>
    %dma_wait3A_536 = arith.constant 0 : i32
    %dma_wait3A_537 = arith.constant 0 : i32
    %dma_wait3A_538 = tpu.memref_slice %arg7[%dma_wait3A_529, %dma_wait3A_536, %dma_wait3A_537] : memref<2x32x1024xbf16, #tpu.memory_space<vmem>> -> memref<1x32x1024xbf16, #tpu.memory_space<vmem>>
    %dma_wait3A_539 = tpu.memref_squeeze %dma_wait3A_538 : memref<1x32x1024xbf16, #tpu.memory_space<vmem>> -> memref<32x1024xbf16, #tpu.memory_space<vmem>>
    %dma_wait3A_540 = arith.constant 0 : i32
    %dma_wait3A_541 = tpu.memref_slice %arg2[%add3A_463, %dma_wait3A_540] : memref<16384x1024xbf16, #tpu.memory_space<hbm>> -> memref<32x1024xbf16, #tpu.memory_space<hbm>>
    tpu.wait_dma2 semaphore(%arg11 : memref<!tpu.dma_semaphore, #tpu.memory_space<semaphore_mem>>) src(%dma_wait3A_541 : memref<32x1024xbf16, #tpu.memory_space<hbm>>) dst(%dma_wait3A_539 : memref<32x1024xbf16, #tpu.memory_space<vmem>>)
    %dma_start3A_542 = arith.constant 1 : i32
    %dma_start3A_543 = arith.constant 0 : i32
    %dma_start3A_544 = arith.constant 0 : i32
    %dma_start3A_545 = tpu.memref_slice %arg7[%dma_start3A_542, %dma_start3A_543, %dma_start3A_544] : memref<2x32x1024xbf16, #tpu.memory_space<vmem>> -> memref<1x32x1024xbf16, #tpu.memory_space<vmem>>
    %dma_start3A_546 = tpu.memref_squeeze %dma_start3A_545 : memref<1x32x1024xbf16, #tpu.memory_space<vmem>> -> memref<32x1024xbf16, #tpu.memory_space<vmem>>
    %dma_start3A_547 = arith.constant 0 : i32
    %dma_start3A_548 = arith.constant 0 : i32
    %dma_start3A_549 = tpu.memref_slice %arg9[%dma_start3A_547, %dma_start3A_548] : memref<1024x1024xbf16, #tpu.memory_space<vmem_shared>> -> memref<1024x1024xbf16, #tpu.memory_space<vmem_shared>>
    tpu.enqueue_indirect_dma source(%dma_start3A_546 : memref<32x1024xbf16, #tpu.memory_space<vmem>>) target(%dma_start3A_549 : memref<1024x1024xbf16, #tpu.memory_space<vmem_shared>>) offsets(%arg6 : memref<32xi32, #tpu.memory_space<vmem>>) semaphore(%arg15 : memref<!tpu.dma_semaphore, #tpu.memory_space<semaphore_mem>>) {add = true}
    %dma_wait3A_550 = arith.constant 1 : i32
    %dma_wait3A_551 = arith.constant 0 : i32
    %dma_wait3A_552 = arith.constant 0 : i32
    %dma_wait3A_553 = tpu.memref_slice %arg7[%dma_wait3A_550, %dma_wait3A_551, %dma_wait3A_552] : memref<2x32x1024xbf16, #tpu.memory_space<vmem>> -> memref<1x32x1024xbf16, #tpu.memory_space<vmem>>
    %dma_wait3A_554 = tpu.memref_squeeze %dma_wait3A_553 : memref<1x32x1024xbf16, #tpu.memory_space<vmem>> -> memref<32x1024xbf16, #tpu.memory_space<vmem>>
    %dma_wait3A_555 = arith.constant 0 : i32
    %dma_wait3A_556 = arith.constant 0 : i32
    %dma_wait3A_557 = tpu.memref_slice %arg9[%dma_wait3A_555, %dma_wait3A_556] : memref<1024x1024xbf16, #tpu.memory_space<vmem_shared>> -> memref<1024x1024xbf16, #tpu.memory_space<vmem_shared>>
    tpu.wait_indirect_dma semaphore(%arg15 : memref<!tpu.dma_semaphore, #tpu.memory_space<semaphore_mem>>) src(%dma_wait3A_554 : memref<32x1024xbf16, #tpu.memory_space<vmem>>) dst(%dma_wait3A_557 : memref<1024x1024xbf16, #tpu.memory_space<vmem_shared>>)
    %add3A_558 = arith.constant 352 : i32
    %add3A_559 = arith.addi %mul3A_40, %add3A_558 : i32
    %dma_start3A_560 = tpu.memref_slice %arg3[%add3A_559] : memref<16384xi32, #tpu.memory_space<hbm>> -> memref<32xi32, #tpu.memory_space<hbm>>
    %dma_start3A_561 = tpu.memref_slice %arg3[%add3A_559] : memref<16384xi32, #tpu.memory_space<hbm>> -> memref<32xi32, #tpu.memory_space<hbm>>
    tpu.enqueue_dma source(%dma_start3A_561 : memref<32xi32, #tpu.memory_space<hbm>>) target(%arg6 : memref<32xi32, #tpu.memory_space<vmem>>) target_semaphore(%arg13 : memref<!tpu.dma_semaphore, #tpu.memory_space<semaphore_mem>>)
    %add3A_562 = arith.constant 352 : i32
    %add3A_563 = arith.addi %mul3A_40, %add3A_562 : i32
    %dma_start3A_564 = arith.constant 1 : i32
    %dma_start3A_565 = arith.constant 0 : i32
    %dma_start3A_566 = arith.constant 0 : i32
    %dma_start3A_567 = tpu.memref_slice %arg7[%dma_start3A_564, %dma_start3A_565, %dma_start3A_566] : memref<2x32x1024xbf16, #tpu.memory_space<vmem>> -> memref<1x32x1024xbf16, #tpu.memory_space<vmem>>
    %dma_start3A_568 = tpu.memref_squeeze %dma_start3A_567 : memref<1x32x1024xbf16, #tpu.memory_space<vmem>> -> memref<32x1024xbf16, #tpu.memory_space<vmem>>
    %dma_start3A_569 = arith.constant 0 : i32
    %dma_start3A_570 = tpu.memref_slice %arg2[%add3A_563, %dma_start3A_569] : memref<16384x1024xbf16, #tpu.memory_space<hbm>> -> memref<32x1024xbf16, #tpu.memory_space<hbm>>
    %dma_start3A_571 = arith.constant 0 : i32
    %dma_start3A_572 = arith.constant 0 : i32
    %dma_start3A_573 = tpu.memref_slice %arg7[%dma_start3A_564, %dma_start3A_571, %dma_start3A_572] : memref<2x32x1024xbf16, #tpu.memory_space<vmem>> -> memref<1x32x1024xbf16, #tpu.memory_space<vmem>>
    %dma_start3A_574 = tpu.memref_squeeze %dma_start3A_573 : memref<1x32x1024xbf16, #tpu.memory_space<vmem>> -> memref<32x1024xbf16, #tpu.memory_space<vmem>>
    %dma_start3A_575 = arith.constant 0 : i32
    %dma_start3A_576 = tpu.memref_slice %arg2[%add3A_563, %dma_start3A_575] : memref<16384x1024xbf16, #tpu.memory_space<hbm>> -> memref<32x1024xbf16, #tpu.memory_space<hbm>>
    tpu.enqueue_dma source(%dma_start3A_576 : memref<32x1024xbf16, #tpu.memory_space<hbm>>) target(%dma_start3A_574 : memref<32x1024xbf16, #tpu.memory_space<vmem>>) target_semaphore(%arg11 : memref<!tpu.dma_semaphore, #tpu.memory_space<semaphore_mem>>)
    %dma_wait3A_577 = tpu.memref_slice %arg3[%add3A_509] : memref<16384xi32, #tpu.memory_space<hbm>> -> memref<32xi32, #tpu.memory_space<hbm>>
    %dma_wait3A_578 = tpu.memref_slice %arg3[%add3A_509] : memref<16384xi32, #tpu.memory_space<hbm>> -> memref<32xi32, #tpu.memory_space<hbm>>
    tpu.wait_dma2 semaphore(%arg12 : memref<!tpu.dma_semaphore, #tpu.memory_space<semaphore_mem>>) src(%dma_wait3A_578 : memref<32xi32, #tpu.memory_space<hbm>>) dst(%arg5 : memref<32xi32, #tpu.memory_space<vmem>>)
    %dma_wait3A_579 = arith.constant 0 : i32
    %dma_wait3A_580 = arith.constant 0 : i32
    %dma_wait3A_581 = arith.constant 0 : i32
    %dma_wait3A_582 = tpu.memref_slice %arg7[%dma_wait3A_579, %dma_wait3A_580, %dma_wait3A_581] : memref<2x32x1024xbf16, #tpu.memory_space<vmem>> -> memref<1x32x1024xbf16, #tpu.memory_space<vmem>>
    %dma_wait3A_583 = tpu.memref_squeeze %dma_wait3A_582 : memref<1x32x1024xbf16, #tpu.memory_space<vmem>> -> memref<32x1024xbf16, #tpu.memory_space<vmem>>
    %dma_wait3A_584 = arith.constant 0 : i32
    %dma_wait3A_585 = tpu.memref_slice %arg2[%add3A_513, %dma_wait3A_584] : memref<16384x1024xbf16, #tpu.memory_space<hbm>> -> memref<32x1024xbf16, #tpu.memory_space<hbm>>
    %dma_wait3A_586 = arith.constant 0 : i32
    %dma_wait3A_587 = arith.constant 0 : i32
    %dma_wait3A_588 = tpu.memref_slice %arg7[%dma_wait3A_579, %dma_wait3A_586, %dma_wait3A_587] : memref<2x32x1024xbf16, #tpu.memory_space<vmem>> -> memref<1x32x1024xbf16, #tpu.memory_space<vmem>>
    %dma_wait3A_589 = tpu.memref_squeeze %dma_wait3A_588 : memref<1x32x1024xbf16, #tpu.memory_space<vmem>> -> memref<32x1024xbf16, #tpu.memory_space<vmem>>
    %dma_wait3A_590 = arith.constant 0 : i32
    %dma_wait3A_591 = tpu.memref_slice %arg2[%add3A_513, %dma_wait3A_590] : memref<16384x1024xbf16, #tpu.memory_space<hbm>> -> memref<32x1024xbf16, #tpu.memory_space<hbm>>
    tpu.wait_dma2 semaphore(%arg10 : memref<!tpu.dma_semaphore, #tpu.memory_space<semaphore_mem>>) src(%dma_wait3A_591 : memref<32x1024xbf16, #tpu.memory_space<hbm>>) dst(%dma_wait3A_589 : memref<32x1024xbf16, #tpu.memory_space<vmem>>)
    %dma_start3A_592 = arith.constant 0 : i32
    %dma_start3A_593 = arith.constant 0 : i32
    %dma_start3A_594 = arith.constant 0 : i32
    %dma_start3A_595 = tpu.memref_slice %arg7[%dma_start3A_592, %dma_start3A_593, %dma_start3A_594] : memref<2x32x1024xbf16, #tpu.memory_space<vmem>> -> memref<1x32x1024xbf16, #tpu.memory_space<vmem>>
    %dma_start3A_596 = tpu.memref_squeeze %dma_start3A_595 : memref<1x32x1024xbf16, #tpu.memory_space<vmem>> -> memref<32x1024xbf16, #tpu.memory_space<vmem>>
    %dma_start3A_597 = arith.constant 0 : i32
    %dma_start3A_598 = arith.constant 0 : i32
    %dma_start3A_599 = tpu.memref_slice %arg9[%dma_start3A_597, %dma_start3A_598] : memref<1024x1024xbf16, #tpu.memory_space<vmem_shared>> -> memref<1024x1024xbf16, #tpu.memory_space<vmem_shared>>
    tpu.enqueue_indirect_dma source(%dma_start3A_596 : memref<32x1024xbf16, #tpu.memory_space<vmem>>) target(%dma_start3A_599 : memref<1024x1024xbf16, #tpu.memory_space<vmem_shared>>) offsets(%arg5 : memref<32xi32, #tpu.memory_space<vmem>>) semaphore(%arg14 : memref<!tpu.dma_semaphore, #tpu.memory_space<semaphore_mem>>) {add = true}
    %dma_wait3A_600 = arith.constant 0 : i32
    %dma_wait3A_601 = arith.constant 0 : i32
    %dma_wait3A_602 = arith.constant 0 : i32
    %dma_wait3A_603 = tpu.memref_slice %arg7[%dma_wait3A_600, %dma_wait3A_601, %dma_wait3A_602] : memref<2x32x1024xbf16, #tpu.memory_space<vmem>> -> memref<1x32x1024xbf16, #tpu.memory_space<vmem>>
    %dma_wait3A_604 = tpu.memref_squeeze %dma_wait3A_603 : memref<1x32x1024xbf16, #tpu.memory_space<vmem>> -> memref<32x1024xbf16, #tpu.memory_space<vmem>>
    %dma_wait3A_605 = arith.constant 0 : i32
    %dma_wait3A_606 = arith.constant 0 : i32
    %dma_wait3A_607 = tpu.memref_slice %arg9[%dma_wait3A_605, %dma_wait3A_606] : memref<1024x1024xbf16, #tpu.memory_space<vmem_shared>> -> memref<1024x1024xbf16, #tpu.memory_space<vmem_shared>>
    tpu.wait_indirect_dma semaphore(%arg14 : memref<!tpu.dma_semaphore, #tpu.memory_space<semaphore_mem>>) src(%dma_wait3A_604 : memref<32x1024xbf16, #tpu.memory_space<vmem>>) dst(%dma_wait3A_607 : memref<1024x1024xbf16, #tpu.memory_space<vmem_shared>>)
    %add3A_608 = arith.constant 384 : i32
    %add3A_609 = arith.addi %mul3A_40, %add3A_608 : i32
    %dma_start3A_610 = tpu.memref_slice %arg3[%add3A_609] : memref<16384xi32, #tpu.memory_space<hbm>> -> memref<32xi32, #tpu.memory_space<hbm>>
    %dma_start3A_611 = tpu.memref_slice %arg3[%add3A_609] : memref<16384xi32, #tpu.memory_space<hbm>> -> memref<32xi32, #tpu.memory_space<hbm>>
    tpu.enqueue_dma source(%dma_start3A_611 : memref<32xi32, #tpu.memory_space<hbm>>) target(%arg5 : memref<32xi32, #tpu.memory_space<vmem>>) target_semaphore(%arg12 : memref<!tpu.dma_semaphore, #tpu.memory_space<semaphore_mem>>)
    %add3A_612 = arith.constant 384 : i32
    %add3A_613 = arith.addi %mul3A_40, %add3A_612 : i32
    %dma_start3A_614 = arith.constant 0 : i32
    %dma_start3A_615 = arith.constant 0 : i32
    %dma_start3A_616 = arith.constant 0 : i32
    %dma_start3A_617 = tpu.memref_slice %arg7[%dma_start3A_614, %dma_start3A_615, %dma_start3A_616] : memref<2x32x1024xbf16, #tpu.memory_space<vmem>> -> memref<1x32x1024xbf16, #tpu.memory_space<vmem>>
    %dma_start3A_618 = tpu.memref_squeeze %dma_start3A_617 : memref<1x32x1024xbf16, #tpu.memory_space<vmem>> -> memref<32x1024xbf16, #tpu.memory_space<vmem>>
    %dma_start3A_619 = arith.constant 0 : i32
    %dma_start3A_620 = tpu.memref_slice %arg2[%add3A_613, %dma_start3A_619] : memref<16384x1024xbf16, #tpu.memory_space<hbm>> -> memref<32x1024xbf16, #tpu.memory_space<hbm>>
    %dma_start3A_621 = arith.constant 0 : i32
    %dma_start3A_622 = arith.constant 0 : i32
    %dma_start3A_623 = tpu.memref_slice %arg7[%dma_start3A_614, %dma_start3A_621, %dma_start3A_622] : memref<2x32x1024xbf16, #tpu.memory_space<vmem>> -> memref<1x32x1024xbf16, #tpu.memory_space<vmem>>
    %dma_start3A_624 = tpu.memref_squeeze %dma_start3A_623 : memref<1x32x1024xbf16, #tpu.memory_space<vmem>> -> memref<32x1024xbf16, #tpu.memory_space<vmem>>
    %dma_start3A_625 = arith.constant 0 : i32
    %dma_start3A_626 = tpu.memref_slice %arg2[%add3A_613, %dma_start3A_625] : memref<16384x1024xbf16, #tpu.memory_space<hbm>> -> memref<32x1024xbf16, #tpu.memory_space<hbm>>
    tpu.enqueue_dma source(%dma_start3A_626 : memref<32x1024xbf16, #tpu.memory_space<hbm>>) target(%dma_start3A_624 : memref<32x1024xbf16, #tpu.memory_space<vmem>>) target_semaphore(%arg10 : memref<!tpu.dma_semaphore, #tpu.memory_space<semaphore_mem>>)
    %dma_wait3A_627 = tpu.memref_slice %arg3[%add3A_559] : memref<16384xi32, #tpu.memory_space<hbm>> -> memref<32xi32, #tpu.memory_space<hbm>>
    %dma_wait3A_628 = tpu.memref_slice %arg3[%add3A_559] : memref<16384xi32, #tpu.memory_space<hbm>> -> memref<32xi32, #tpu.memory_space<hbm>>
    tpu.wait_dma2 semaphore(%arg13 : memref<!tpu.dma_semaphore, #tpu.memory_space<semaphore_mem>>) src(%dma_wait3A_628 : memref<32xi32, #tpu.memory_space<hbm>>) dst(%arg6 : memref<32xi32, #tpu.memory_space<vmem>>)
    %dma_wait3A_629 = arith.constant 1 : i32
    %dma_wait3A_630 = arith.constant 0 : i32
    %dma_wait3A_631 = arith.constant 0 : i32
    %dma_wait3A_632 = tpu.memref_slice %arg7[%dma_wait3A_629, %dma_wait3A_630, %dma_wait3A_631] : memref<2x32x1024xbf16, #tpu.memory_space<vmem>> -> memref<1x32x1024xbf16, #tpu.memory_space<vmem>>
    %dma_wait3A_633 = tpu.memref_squeeze %dma_wait3A_632 : memref<1x32x1024xbf16, #tpu.memory_space<vmem>> -> memref<32x1024xbf16, #tpu.memory_space<vmem>>
    %dma_wait3A_634 = arith.constant 0 : i32
    %dma_wait3A_635 = tpu.memref_slice %arg2[%add3A_563, %dma_wait3A_634] : memref<16384x1024xbf16, #tpu.memory_space<hbm>> -> memref<32x1024xbf16, #tpu.memory_space<hbm>>
    %dma_wait3A_636 = arith.constant 0 : i32
    %dma_wait3A_637 = arith.constant 0 : i32
    %dma_wait3A_638 = tpu.memref_slice %arg7[%dma_wait3A_629, %dma_wait3A_636, %dma_wait3A_637] : memref<2x32x1024xbf16, #tpu.memory_space<vmem>> -> memref<1x32x1024xbf16, #tpu.memory_space<vmem>>
    %dma_wait3A_639 = tpu.memref_squeeze %dma_wait3A_638 : memref<1x32x1024xbf16, #tpu.memory_space<vmem>> -> memref<32x1024xbf16, #tpu.memory_space<vmem>>
    %dma_wait3A_640 = arith.constant 0 : i32
    %dma_wait3A_641 = tpu.memref_slice %arg2[%add3A_563, %dma_wait3A_640] : memref<16384x1024xbf16, #tpu.memory_space<hbm>> -> memref<32x1024xbf16, #tpu.memory_space<hbm>>
    tpu.wait_dma2 semaphore(%arg11 : memref<!tpu.dma_semaphore, #tpu.memory_space<semaphore_mem>>) src(%dma_wait3A_641 : memref<32x1024xbf16, #tpu.memory_space<hbm>>) dst(%dma_wait3A_639 : memref<32x1024xbf16, #tpu.memory_space<vmem>>)
    %dma_start3A_642 = arith.constant 1 : i32
    %dma_start3A_643 = arith.constant 0 : i32
    %dma_start3A_644 = arith.constant 0 : i32
    %dma_start3A_645 = tpu.memref_slice %arg7[%dma_start3A_642, %dma_start3A_643, %dma_start3A_644] : memref<2x32x1024xbf16, #tpu.memory_space<vmem>> -> memref<1x32x1024xbf16, #tpu.memory_space<vmem>>
    %dma_start3A_646 = tpu.memref_squeeze %dma_start3A_645 : memref<1x32x1024xbf16, #tpu.memory_space<vmem>> -> memref<32x1024xbf16, #tpu.memory_space<vmem>>
    %dma_start3A_647 = arith.constant 0 : i32
    %dma_start3A_648 = arith.constant 0 : i32
    %dma_start3A_649 = tpu.memref_slice %arg9[%dma_start3A_647, %dma_start3A_648] : memref<1024x1024xbf16, #tpu.memory_space<vmem_shared>> -> memref<1024x1024xbf16, #tpu.memory_space<vmem_shared>>
    tpu.enqueue_indirect_dma source(%dma_start3A_646 : memref<32x1024xbf16, #tpu.memory_space<vmem>>) target(%dma_start3A_649 : memref<1024x1024xbf16, #tpu.memory_space<vmem_shared>>) offsets(%arg6 : memref<32xi32, #tpu.memory_space<vmem>>) semaphore(%arg15 : memref<!tpu.dma_semaphore, #tpu.memory_space<semaphore_mem>>) {add = true}
    %dma_wait3A_650 = arith.constant 1 : i32
    %dma_wait3A_651 = arith.constant 0 : i32
    %dma_wait3A_652 = arith.constant 0 : i32
    %dma_wait3A_653 = tpu.memref_slice %arg7[%dma_wait3A_650, %dma_wait3A_651, %dma_wait3A_652] : memref<2x32x1024xbf16, #tpu.memory_space<vmem>> -> memref<1x32x1024xbf16, #tpu.memory_space<vmem>>
    %dma_wait3A_654 = tpu.memref_squeeze %dma_wait3A_653 : memref<1x32x1024xbf16, #tpu.memory_space<vmem>> -> memref<32x1024xbf16, #tpu.memory_space<vmem>>
    %dma_wait3A_655 = arith.constant 0 : i32
    %dma_wait3A_656 = arith.constant 0 : i32
    %dma_wait3A_657 = tpu.memref_slice %arg9[%dma_wait3A_655, %dma_wait3A_656] : memref<1024x1024xbf16, #tpu.memory_space<vmem_shared>> -> memref<1024x1024xbf16, #tpu.memory_space<vmem_shared>>
    tpu.wait_indirect_dma semaphore(%arg15 : memref<!tpu.dma_semaphore, #tpu.memory_space<semaphore_mem>>) src(%dma_wait3A_654 : memref<32x1024xbf16, #tpu.memory_space<vmem>>) dst(%dma_wait3A_657 : memref<1024x1024xbf16, #tpu.memory_space<vmem_shared>>)
    %add3A_658 = arith.constant 416 : i32
    %add3A_659 = arith.addi %mul3A_40, %add3A_658 : i32
    %dma_start3A_660 = tpu.memref_slice %arg3[%add3A_659] : memref<16384xi32, #tpu.memory_space<hbm>> -> memref<32xi32, #tpu.memory_space<hbm>>
    %dma_start3A_661 = tpu.memref_slice %arg3[%add3A_659] : memref<16384xi32, #tpu.memory_space<hbm>> -> memref<32xi32, #tpu.memory_space<hbm>>
    tpu.enqueue_dma source(%dma_start3A_661 : memref<32xi32, #tpu.memory_space<hbm>>) target(%arg6 : memref<32xi32, #tpu.memory_space<vmem>>) target_semaphore(%arg13 : memref<!tpu.dma_semaphore, #tpu.memory_space<semaphore_mem>>)
    %add3A_662 = arith.constant 416 : i32
    %add3A_663 = arith.addi %mul3A_40, %add3A_662 : i32
    %dma_start3A_664 = arith.constant 1 : i32
    %dma_start3A_665 = arith.constant 0 : i32
    %dma_start3A_666 = arith.constant 0 : i32
    %dma_start3A_667 = tpu.memref_slice %arg7[%dma_start3A_664, %dma_start3A_665, %dma_start3A_666] : memref<2x32x1024xbf16, #tpu.memory_space<vmem>> -> memref<1x32x1024xbf16, #tpu.memory_space<vmem>>
    %dma_start3A_668 = tpu.memref_squeeze %dma_start3A_667 : memref<1x32x1024xbf16, #tpu.memory_space<vmem>> -> memref<32x1024xbf16, #tpu.memory_space<vmem>>
    %dma_start3A_669 = arith.constant 0 : i32
    %dma_start3A_670 = tpu.memref_slice %arg2[%add3A_663, %dma_start3A_669] : memref<16384x1024xbf16, #tpu.memory_space<hbm>> -> memref<32x1024xbf16, #tpu.memory_space<hbm>>
    %dma_start3A_671 = arith.constant 0 : i32
    %dma_start3A_672 = arith.constant 0 : i32
    %dma_start3A_673 = tpu.memref_slice %arg7[%dma_start3A_664, %dma_start3A_671, %dma_start3A_672] : memref<2x32x1024xbf16, #tpu.memory_space<vmem>> -> memref<1x32x1024xbf16, #tpu.memory_space<vmem>>
    %dma_start3A_674 = tpu.memref_squeeze %dma_start3A_673 : memref<1x32x1024xbf16, #tpu.memory_space<vmem>> -> memref<32x1024xbf16, #tpu.memory_space<vmem>>
    %dma_start3A_675 = arith.constant 0 : i32
    %dma_start3A_676 = tpu.memref_slice %arg2[%add3A_663, %dma_start3A_675] : memref<16384x1024xbf16, #tpu.memory_space<hbm>> -> memref<32x1024xbf16, #tpu.memory_space<hbm>>
    tpu.enqueue_dma source(%dma_start3A_676 : memref<32x1024xbf16, #tpu.memory_space<hbm>>) target(%dma_start3A_674 : memref<32x1024xbf16, #tpu.memory_space<vmem>>) target_semaphore(%arg11 : memref<!tpu.dma_semaphore, #tpu.memory_space<semaphore_mem>>)
    %dma_wait3A_677 = tpu.memref_slice %arg3[%add3A_609] : memref<16384xi32, #tpu.memory_space<hbm>> -> memref<32xi32, #tpu.memory_space<hbm>>
    %dma_wait3A_678 = tpu.memref_slice %arg3[%add3A_609] : memref<16384xi32, #tpu.memory_space<hbm>> -> memref<32xi32, #tpu.memory_space<hbm>>
    tpu.wait_dma2 semaphore(%arg12 : memref<!tpu.dma_semaphore, #tpu.memory_space<semaphore_mem>>) src(%dma_wait3A_678 : memref<32xi32, #tpu.memory_space<hbm>>) dst(%arg5 : memref<32xi32, #tpu.memory_space<vmem>>)
    %dma_wait3A_679 = arith.constant 0 : i32
    %dma_wait3A_680 = arith.constant 0 : i32
    %dma_wait3A_681 = arith.constant 0 : i32
    %dma_wait3A_682 = tpu.memref_slice %arg7[%dma_wait3A_679, %dma_wait3A_680, %dma_wait3A_681] : memref<2x32x1024xbf16, #tpu.memory_space<vmem>> -> memref<1x32x1024xbf16, #tpu.memory_space<vmem>>
    %dma_wait3A_683 = tpu.memref_squeeze %dma_wait3A_682 : memref<1x32x1024xbf16, #tpu.memory_space<vmem>> -> memref<32x1024xbf16, #tpu.memory_space<vmem>>
    %dma_wait3A_684 = arith.constant 0 : i32
    %dma_wait3A_685 = tpu.memref_slice %arg2[%add3A_613, %dma_wait3A_684] : memref<16384x1024xbf16, #tpu.memory_space<hbm>> -> memref<32x1024xbf16, #tpu.memory_space<hbm>>
    %dma_wait3A_686 = arith.constant 0 : i32
    %dma_wait3A_687 = arith.constant 0 : i32
    %dma_wait3A_688 = tpu.memref_slice %arg7[%dma_wait3A_679, %dma_wait3A_686, %dma_wait3A_687] : memref<2x32x1024xbf16, #tpu.memory_space<vmem>> -> memref<1x32x1024xbf16, #tpu.memory_space<vmem>>
    %dma_wait3A_689 = tpu.memref_squeeze %dma_wait3A_688 : memref<1x32x1024xbf16, #tpu.memory_space<vmem>> -> memref<32x1024xbf16, #tpu.memory_space<vmem>>
    %dma_wait3A_690 = arith.constant 0 : i32
    %dma_wait3A_691 = tpu.memref_slice %arg2[%add3A_613, %dma_wait3A_690] : memref<16384x1024xbf16, #tpu.memory_space<hbm>> -> memref<32x1024xbf16, #tpu.memory_space<hbm>>
    tpu.wait_dma2 semaphore(%arg10 : memref<!tpu.dma_semaphore, #tpu.memory_space<semaphore_mem>>) src(%dma_wait3A_691 : memref<32x1024xbf16, #tpu.memory_space<hbm>>) dst(%dma_wait3A_689 : memref<32x1024xbf16, #tpu.memory_space<vmem>>)
    %dma_start3A_692 = arith.constant 0 : i32
    %dma_start3A_693 = arith.constant 0 : i32
    %dma_start3A_694 = arith.constant 0 : i32
    %dma_start3A_695 = tpu.memref_slice %arg7[%dma_start3A_692, %dma_start3A_693, %dma_start3A_694] : memref<2x32x1024xbf16, #tpu.memory_space<vmem>> -> memref<1x32x1024xbf16, #tpu.memory_space<vmem>>
    %dma_start3A_696 = tpu.memref_squeeze %dma_start3A_695 : memref<1x32x1024xbf16, #tpu.memory_space<vmem>> -> memref<32x1024xbf16, #tpu.memory_space<vmem>>
    %dma_start3A_697 = arith.constant 0 : i32
    %dma_start3A_698 = arith.constant 0 : i32
    %dma_start3A_699 = tpu.memref_slice %arg9[%dma_start3A_697, %dma_start3A_698] : memref<1024x1024xbf16, #tpu.memory_space<vmem_shared>> -> memref<1024x1024xbf16, #tpu.memory_space<vmem_shared>>
    tpu.enqueue_indirect_dma source(%dma_start3A_696 : memref<32x1024xbf16, #tpu.memory_space<vmem>>) target(%dma_start3A_699 : memref<1024x1024xbf16, #tpu.memory_space<vmem_shared>>) offsets(%arg5 : memref<32xi32, #tpu.memory_space<vmem>>) semaphore(%arg14 : memref<!tpu.dma_semaphore, #tpu.memory_space<semaphore_mem>>) {add = true}
    %dma_wait3A_700 = arith.constant 0 : i32
    %dma_wait3A_701 = arith.constant 0 : i32
    %dma_wait3A_702 = arith.constant 0 : i32
    %dma_wait3A_703 = tpu.memref_slice %arg7[%dma_wait3A_700, %dma_wait3A_701, %dma_wait3A_702] : memref<2x32x1024xbf16, #tpu.memory_space<vmem>> -> memref<1x32x1024xbf16, #tpu.memory_space<vmem>>
    %dma_wait3A_704 = tpu.memref_squeeze %dma_wait3A_703 : memref<1x32x1024xbf16, #tpu.memory_space<vmem>> -> memref<32x1024xbf16, #tpu.memory_space<vmem>>
    %dma_wait3A_705 = arith.constant 0 : i32
    %dma_wait3A_706 = arith.constant 0 : i32
    %dma_wait3A_707 = tpu.memref_slice %arg9[%dma_wait3A_705, %dma_wait3A_706] : memref<1024x1024xbf16, #tpu.memory_space<vmem_shared>> -> memref<1024x1024xbf16, #tpu.memory_space<vmem_shared>>
    tpu.wait_indirect_dma semaphore(%arg14 : memref<!tpu.dma_semaphore, #tpu.memory_space<semaphore_mem>>) src(%dma_wait3A_704 : memref<32x1024xbf16, #tpu.memory_space<vmem>>) dst(%dma_wait3A_707 : memref<1024x1024xbf16, #tpu.memory_space<vmem_shared>>)
    %add3A_708 = arith.constant 448 : i32
    %add3A_709 = arith.addi %mul3A_40, %add3A_708 : i32
    %dma_start3A_710 = tpu.memref_slice %arg3[%add3A_709] : memref<16384xi32, #tpu.memory_space<hbm>> -> memref<32xi32, #tpu.memory_space<hbm>>
    %dma_start3A_711 = tpu.memref_slice %arg3[%add3A_709] : memref<16384xi32, #tpu.memory_space<hbm>> -> memref<32xi32, #tpu.memory_space<hbm>>
    tpu.enqueue_dma source(%dma_start3A_711 : memref<32xi32, #tpu.memory_space<hbm>>) target(%arg5 : memref<32xi32, #tpu.memory_space<vmem>>) target_semaphore(%arg12 : memref<!tpu.dma_semaphore, #tpu.memory_space<semaphore_mem>>)
    %add3A_712 = arith.constant 448 : i32
    %add3A_713 = arith.addi %mul3A_40, %add3A_712 : i32
    %dma_start3A_714 = arith.constant 0 : i32
    %dma_start3A_715 = arith.constant 0 : i32
    %dma_start3A_716 = arith.constant 0 : i32
    %dma_start3A_717 = tpu.memref_slice %arg7[%dma_start3A_714, %dma_start3A_715, %dma_start3A_716] : memref<2x32x1024xbf16, #tpu.memory_space<vmem>> -> memref<1x32x1024xbf16, #tpu.memory_space<vmem>>
    %dma_start3A_718 = tpu.memref_squeeze %dma_start3A_717 : memref<1x32x1024xbf16, #tpu.memory_space<vmem>> -> memref<32x1024xbf16, #tpu.memory_space<vmem>>
    %dma_start3A_719 = arith.constant 0 : i32
    %dma_start3A_720 = tpu.memref_slice %arg2[%add3A_713, %dma_start3A_719] : memref<16384x1024xbf16, #tpu.memory_space<hbm>> -> memref<32x1024xbf16, #tpu.memory_space<hbm>>
    %dma_start3A_721 = arith.constant 0 : i32
    %dma_start3A_722 = arith.constant 0 : i32
    %dma_start3A_723 = tpu.memref_slice %arg7[%dma_start3A_714, %dma_start3A_721, %dma_start3A_722] : memref<2x32x1024xbf16, #tpu.memory_space<vmem>> -> memref<1x32x1024xbf16, #tpu.memory_space<vmem>>
    %dma_start3A_724 = tpu.memref_squeeze %dma_start3A_723 : memref<1x32x1024xbf16, #tpu.memory_space<vmem>> -> memref<32x1024xbf16, #tpu.memory_space<vmem>>
    %dma_start3A_725 = arith.constant 0 : i32
    %dma_start3A_726 = tpu.memref_slice %arg2[%add3A_713, %dma_start3A_725] : memref<16384x1024xbf16, #tpu.memory_space<hbm>> -> memref<32x1024xbf16, #tpu.memory_space<hbm>>
    tpu.enqueue_dma source(%dma_start3A_726 : memref<32x1024xbf16, #tpu.memory_space<hbm>>) target(%dma_start3A_724 : memref<32x1024xbf16, #tpu.memory_space<vmem>>) target_semaphore(%arg10 : memref<!tpu.dma_semaphore, #tpu.memory_space<semaphore_mem>>)
    %dma_wait3A_727 = tpu.memref_slice %arg3[%add3A_659] : memref<16384xi32, #tpu.memory_space<hbm>> -> memref<32xi32, #tpu.memory_space<hbm>>
    %dma_wait3A_728 = tpu.memref_slice %arg3[%add3A_659] : memref<16384xi32, #tpu.memory_space<hbm>> -> memref<32xi32, #tpu.memory_space<hbm>>
    tpu.wait_dma2 semaphore(%arg13 : memref<!tpu.dma_semaphore, #tpu.memory_space<semaphore_mem>>) src(%dma_wait3A_728 : memref<32xi32, #tpu.memory_space<hbm>>) dst(%arg6 : memref<32xi32, #tpu.memory_space<vmem>>)
    %dma_wait3A_729 = arith.constant 1 : i32
    %dma_wait3A_730 = arith.constant 0 : i32
    %dma_wait3A_731 = arith.constant 0 : i32
    %dma_wait3A_732 = tpu.memref_slice %arg7[%dma_wait3A_729, %dma_wait3A_730, %dma_wait3A_731] : memref<2x32x1024xbf16, #tpu.memory_space<vmem>> -> memref<1x32x1024xbf16, #tpu.memory_space<vmem>>
    %dma_wait3A_733 = tpu.memref_squeeze %dma_wait3A_732 : memref<1x32x1024xbf16, #tpu.memory_space<vmem>> -> memref<32x1024xbf16, #tpu.memory_space<vmem>>
    %dma_wait3A_734 = arith.constant 0 : i32
    %dma_wait3A_735 = tpu.memref_slice %arg2[%add3A_663, %dma_wait3A_734] : memref<16384x1024xbf16, #tpu.memory_space<hbm>> -> memref<32x1024xbf16, #tpu.memory_space<hbm>>
    %dma_wait3A_736 = arith.constant 0 : i32
    %dma_wait3A_737 = arith.constant 0 : i32
    %dma_wait3A_738 = tpu.memref_slice %arg7[%dma_wait3A_729, %dma_wait3A_736, %dma_wait3A_737] : memref<2x32x1024xbf16, #tpu.memory_space<vmem>> -> memref<1x32x1024xbf16, #tpu.memory_space<vmem>>
    %dma_wait3A_739 = tpu.memref_squeeze %dma_wait3A_738 : memref<1x32x1024xbf16, #tpu.memory_space<vmem>> -> memref<32x1024xbf16, #tpu.memory_space<vmem>>
    %dma_wait3A_740 = arith.constant 0 : i32
    %dma_wait3A_741 = tpu.memref_slice %arg2[%add3A_663, %dma_wait3A_740] : memref<16384x1024xbf16, #tpu.memory_space<hbm>> -> memref<32x1024xbf16, #tpu.memory_space<hbm>>
    tpu.wait_dma2 semaphore(%arg11 : memref<!tpu.dma_semaphore, #tpu.memory_space<semaphore_mem>>) src(%dma_wait3A_741 : memref<32x1024xbf16, #tpu.memory_space<hbm>>) dst(%dma_wait3A_739 : memref<32x1024xbf16, #tpu.memory_space<vmem>>)
    %dma_start3A_742 = arith.constant 1 : i32
    %dma_start3A_743 = arith.constant 0 : i32
    %dma_start3A_744 = arith.constant 0 : i32
    %dma_start3A_745 = tpu.memref_slice %arg7[%dma_start3A_742, %dma_start3A_743, %dma_start3A_744] : memref<2x32x1024xbf16, #tpu.memory_space<vmem>> -> memref<1x32x1024xbf16, #tpu.memory_space<vmem>>
    %dma_start3A_746 = tpu.memref_squeeze %dma_start3A_745 : memref<1x32x1024xbf16, #tpu.memory_space<vmem>> -> memref<32x1024xbf16, #tpu.memory_space<vmem>>
    %dma_start3A_747 = arith.constant 0 : i32
    %dma_start3A_748 = arith.constant 0 : i32
    %dma_start3A_749 = tpu.memref_slice %arg9[%dma_start3A_747, %dma_start3A_748] : memref<1024x1024xbf16, #tpu.memory_space<vmem_shared>> -> memref<1024x1024xbf16, #tpu.memory_space<vmem_shared>>
    tpu.enqueue_indirect_dma source(%dma_start3A_746 : memref<32x1024xbf16, #tpu.memory_space<vmem>>) target(%dma_start3A_749 : memref<1024x1024xbf16, #tpu.memory_space<vmem_shared>>) offsets(%arg6 : memref<32xi32, #tpu.memory_space<vmem>>) semaphore(%arg15 : memref<!tpu.dma_semaphore, #tpu.memory_space<semaphore_mem>>) {add = true}
    %dma_wait3A_750 = arith.constant 1 : i32
    %dma_wait3A_751 = arith.constant 0 : i32
    %dma_wait3A_752 = arith.constant 0 : i32
    %dma_wait3A_753 = tpu.memref_slice %arg7[%dma_wait3A_750, %dma_wait3A_751, %dma_wait3A_752] : memref<2x32x1024xbf16, #tpu.memory_space<vmem>> -> memref<1x32x1024xbf16, #tpu.memory_space<vmem>>
    %dma_wait3A_754 = tpu.memref_squeeze %dma_wait3A_753 : memref<1x32x1024xbf16, #tpu.memory_space<vmem>> -> memref<32x1024xbf16, #tpu.memory_space<vmem>>
    %dma_wait3A_755 = arith.constant 0 : i32
    %dma_wait3A_756 = arith.constant 0 : i32
    %dma_wait3A_757 = tpu.memref_slice %arg9[%dma_wait3A_755, %dma_wait3A_756] : memref<1024x1024xbf16, #tpu.memory_space<vmem_shared>> -> memref<1024x1024xbf16, #tpu.memory_space<vmem_shared>>
    tpu.wait_indirect_dma semaphore(%arg15 : memref<!tpu.dma_semaphore, #tpu.memory_space<semaphore_mem>>) src(%dma_wait3A_754 : memref<32x1024xbf16, #tpu.memory_space<vmem>>) dst(%dma_wait3A_757 : memref<1024x1024xbf16, #tpu.memory_space<vmem_shared>>)
    %add3A_758 = arith.constant 480 : i32
    %add3A_759 = arith.addi %mul3A_40, %add3A_758 : i32
    %dma_start3A_760 = tpu.memref_slice %arg3[%add3A_759] : memref<16384xi32, #tpu.memory_space<hbm>> -> memref<32xi32, #tpu.memory_space<hbm>>
    %dma_start3A_761 = tpu.memref_slice %arg3[%add3A_759] : memref<16384xi32, #tpu.memory_space<hbm>> -> memref<32xi32, #tpu.memory_space<hbm>>
    tpu.enqueue_dma source(%dma_start3A_761 : memref<32xi32, #tpu.memory_space<hbm>>) target(%arg6 : memref<32xi32, #tpu.memory_space<vmem>>) target_semaphore(%arg13 : memref<!tpu.dma_semaphore, #tpu.memory_space<semaphore_mem>>)
    %add3A_762 = arith.constant 480 : i32
    %add3A_763 = arith.addi %mul3A_40, %add3A_762 : i32
    %dma_start3A_764 = arith.constant 1 : i32
    %dma_start3A_765 = arith.constant 0 : i32
    %dma_start3A_766 = arith.constant 0 : i32
    %dma_start3A_767 = tpu.memref_slice %arg7[%dma_start3A_764, %dma_start3A_765, %dma_start3A_766] : memref<2x32x1024xbf16, #tpu.memory_space<vmem>> -> memref<1x32x1024xbf16, #tpu.memory_space<vmem>>
    %dma_start3A_768 = tpu.memref_squeeze %dma_start3A_767 : memref<1x32x1024xbf16, #tpu.memory_space<vmem>> -> memref<32x1024xbf16, #tpu.memory_space<vmem>>
    %dma_start3A_769 = arith.constant 0 : i32
    %dma_start3A_770 = tpu.memref_slice %arg2[%add3A_763, %dma_start3A_769] : memref<16384x1024xbf16, #tpu.memory_space<hbm>> -> memref<32x1024xbf16, #tpu.memory_space<hbm>>
    %dma_start3A_771 = arith.constant 0 : i32
    %dma_start3A_772 = arith.constant 0 : i32
    %dma_start3A_773 = tpu.memref_slice %arg7[%dma_start3A_764, %dma_start3A_771, %dma_start3A_772] : memref<2x32x1024xbf16, #tpu.memory_space<vmem>> -> memref<1x32x1024xbf16, #tpu.memory_space<vmem>>
    %dma_start3A_774 = tpu.memref_squeeze %dma_start3A_773 : memref<1x32x1024xbf16, #tpu.memory_space<vmem>> -> memref<32x1024xbf16, #tpu.memory_space<vmem>>
    %dma_start3A_775 = arith.constant 0 : i32
    %dma_start3A_776 = tpu.memref_slice %arg2[%add3A_763, %dma_start3A_775] : memref<16384x1024xbf16, #tpu.memory_space<hbm>> -> memref<32x1024xbf16, #tpu.memory_space<hbm>>
    tpu.enqueue_dma source(%dma_start3A_776 : memref<32x1024xbf16, #tpu.memory_space<hbm>>) target(%dma_start3A_774 : memref<32x1024xbf16, #tpu.memory_space<vmem>>) target_semaphore(%arg11 : memref<!tpu.dma_semaphore, #tpu.memory_space<semaphore_mem>>)
    %dma_wait3A_777 = tpu.memref_slice %arg3[%add3A_709] : memref<16384xi32, #tpu.memory_space<hbm>> -> memref<32xi32, #tpu.memory_space<hbm>>
    %dma_wait3A_778 = tpu.memref_slice %arg3[%add3A_709] : memref<16384xi32, #tpu.memory_space<hbm>> -> memref<32xi32, #tpu.memory_space<hbm>>
    tpu.wait_dma2 semaphore(%arg12 : memref<!tpu.dma_semaphore, #tpu.memory_space<semaphore_mem>>) src(%dma_wait3A_778 : memref<32xi32, #tpu.memory_space<hbm>>) dst(%arg5 : memref<32xi32, #tpu.memory_space<vmem>>)
    %dma_wait3A_779 = arith.constant 0 : i32
    %dma_wait3A_780 = arith.constant 0 : i32
    %dma_wait3A_781 = arith.constant 0 : i32
    %dma_wait3A_782 = tpu.memref_slice %arg7[%dma_wait3A_779, %dma_wait3A_780, %dma_wait3A_781] : memref<2x32x1024xbf16, #tpu.memory_space<vmem>> -> memref<1x32x1024xbf16, #tpu.memory_space<vmem>>
    %dma_wait3A_783 = tpu.memref_squeeze %dma_wait3A_782 : memref<1x32x1024xbf16, #tpu.memory_space<vmem>> -> memref<32x1024xbf16, #tpu.memory_space<vmem>>
    %dma_wait3A_784 = arith.constant 0 : i32
    %dma_wait3A_785 = tpu.memref_slice %arg2[%add3A_713, %dma_wait3A_784] : memref<16384x1024xbf16, #tpu.memory_space<hbm>> -> memref<32x1024xbf16, #tpu.memory_space<hbm>>
    %dma_wait3A_786 = arith.constant 0 : i32
    %dma_wait3A_787 = arith.constant 0 : i32
    %dma_wait3A_788 = tpu.memref_slice %arg7[%dma_wait3A_779, %dma_wait3A_786, %dma_wait3A_787] : memref<2x32x1024xbf16, #tpu.memory_space<vmem>> -> memref<1x32x1024xbf16, #tpu.memory_space<vmem>>
    %dma_wait3A_789 = tpu.memref_squeeze %dma_wait3A_788 : memref<1x32x1024xbf16, #tpu.memory_space<vmem>> -> memref<32x1024xbf16, #tpu.memory_space<vmem>>
    %dma_wait3A_790 = arith.constant 0 : i32
    %dma_wait3A_791 = tpu.memref_slice %arg2[%add3A_713, %dma_wait3A_790] : memref<16384x1024xbf16, #tpu.memory_space<hbm>> -> memref<32x1024xbf16, #tpu.memory_space<hbm>>
    tpu.wait_dma2 semaphore(%arg10 : memref<!tpu.dma_semaphore, #tpu.memory_space<semaphore_mem>>) src(%dma_wait3A_791 : memref<32x1024xbf16, #tpu.memory_space<hbm>>) dst(%dma_wait3A_789 : memref<32x1024xbf16, #tpu.memory_space<vmem>>)
    %dma_start3A_792 = arith.constant 0 : i32
    %dma_start3A_793 = arith.constant 0 : i32
    %dma_start3A_794 = arith.constant 0 : i32
    %dma_start3A_795 = tpu.memref_slice %arg7[%dma_start3A_792, %dma_start3A_793, %dma_start3A_794] : memref<2x32x1024xbf16, #tpu.memory_space<vmem>> -> memref<1x32x1024xbf16, #tpu.memory_space<vmem>>
    %dma_start3A_796 = tpu.memref_squeeze %dma_start3A_795 : memref<1x32x1024xbf16, #tpu.memory_space<vmem>> -> memref<32x1024xbf16, #tpu.memory_space<vmem>>
    %dma_start3A_797 = arith.constant 0 : i32
    %dma_start3A_798 = arith.constant 0 : i32
    %dma_start3A_799 = tpu.memref_slice %arg9[%dma_start3A_797, %dma_start3A_798] : memref<1024x1024xbf16, #tpu.memory_space<vmem_shared>> -> memref<1024x1024xbf16, #tpu.memory_space<vmem_shared>>
    tpu.enqueue_indirect_dma source(%dma_start3A_796 : memref<32x1024xbf16, #tpu.memory_space<vmem>>) target(%dma_start3A_799 : memref<1024x1024xbf16, #tpu.memory_space<vmem_shared>>) offsets(%arg5 : memref<32xi32, #tpu.memory_space<vmem>>) semaphore(%arg14 : memref<!tpu.dma_semaphore, #tpu.memory_space<semaphore_mem>>) {add = true}
    %dma_wait3A_800 = tpu.memref_slice %arg3[%add3A_759] : memref<16384xi32, #tpu.memory_space<hbm>> -> memref<32xi32, #tpu.memory_space<hbm>>
    %dma_wait3A_801 = tpu.memref_slice %arg3[%add3A_759] : memref<16384xi32, #tpu.memory_space<hbm>> -> memref<32xi32, #tpu.memory_space<hbm>>
    tpu.wait_dma2 semaphore(%arg13 : memref<!tpu.dma_semaphore, #tpu.memory_space<semaphore_mem>>) src(%dma_wait3A_801 : memref<32xi32, #tpu.memory_space<hbm>>) dst(%arg6 : memref<32xi32, #tpu.memory_space<vmem>>)
    %dma_wait3A_802 = arith.constant 1 : i32
    %dma_wait3A_803 = arith.constant 0 : i32
    %dma_wait3A_804 = arith.constant 0 : i32
    %dma_wait3A_805 = tpu.memref_slice %arg7[%dma_wait3A_802, %dma_wait3A_803, %dma_wait3A_804] : memref<2x32x1024xbf16, #tpu.memory_space<vmem>> -> memref<1x32x1024xbf16, #tpu.memory_space<vmem>>
    %dma_wait3A_806 = tpu.memref_squeeze %dma_wait3A_805 : memref<1x32x1024xbf16, #tpu.memory_space<vmem>> -> memref<32x1024xbf16, #tpu.memory_space<vmem>>
    %dma_wait3A_807 = arith.constant 0 : i32
    %dma_wait3A_808 = tpu.memref_slice %arg2[%add3A_763, %dma_wait3A_807] : memref<16384x1024xbf16, #tpu.memory_space<hbm>> -> memref<32x1024xbf16, #tpu.memory_space<hbm>>
    %dma_wait3A_809 = arith.constant 0 : i32
    %dma_wait3A_810 = arith.constant 0 : i32
    %dma_wait3A_811 = tpu.memref_slice %arg7[%dma_wait3A_802, %dma_wait3A_809, %dma_wait3A_810] : memref<2x32x1024xbf16, #tpu.memory_space<vmem>> -> memref<1x32x1024xbf16, #tpu.memory_space<vmem>>
    %dma_wait3A_812 = tpu.memref_squeeze %dma_wait3A_811 : memref<1x32x1024xbf16, #tpu.memory_space<vmem>> -> memref<32x1024xbf16, #tpu.memory_space<vmem>>
    %dma_wait3A_813 = arith.constant 0 : i32
    %dma_wait3A_814 = tpu.memref_slice %arg2[%add3A_763, %dma_wait3A_813] : memref<16384x1024xbf16, #tpu.memory_space<hbm>> -> memref<32x1024xbf16, #tpu.memory_space<hbm>>
    tpu.wait_dma2 semaphore(%arg11 : memref<!tpu.dma_semaphore, #tpu.memory_space<semaphore_mem>>) src(%dma_wait3A_814 : memref<32x1024xbf16, #tpu.memory_space<hbm>>) dst(%dma_wait3A_812 : memref<32x1024xbf16, #tpu.memory_space<vmem>>)
    %dma_start3A_815 = arith.constant 1 : i32
    %dma_start3A_816 = arith.constant 0 : i32
    %dma_start3A_817 = arith.constant 0 : i32
    %dma_start3A_818 = tpu.memref_slice %arg7[%dma_start3A_815, %dma_start3A_816, %dma_start3A_817] : memref<2x32x1024xbf16, #tpu.memory_space<vmem>> -> memref<1x32x1024xbf16, #tpu.memory_space<vmem>>
    %dma_start3A_819 = tpu.memref_squeeze %dma_start3A_818 : memref<1x32x1024xbf16, #tpu.memory_space<vmem>> -> memref<32x1024xbf16, #tpu.memory_space<vmem>>
    %dma_start3A_820 = arith.constant 0 : i32
    %dma_start3A_821 = arith.constant 0 : i32
    %dma_start3A_822 = tpu.memref_slice %arg9[%dma_start3A_820, %dma_start3A_821] : memref<1024x1024xbf16, #tpu.memory_space<vmem_shared>> -> memref<1024x1024xbf16, #tpu.memory_space<vmem_shared>>
    tpu.enqueue_indirect_dma source(%dma_start3A_819 : memref<32x1024xbf16, #tpu.memory_space<vmem>>) target(%dma_start3A_822 : memref<1024x1024xbf16, #tpu.memory_space<vmem_shared>>) offsets(%arg6 : memref<32xi32, #tpu.memory_space<vmem>>) semaphore(%arg15 : memref<!tpu.dma_semaphore, #tpu.memory_space<semaphore_mem>>) {add = true}
    %dma_wait3A_823 = arith.constant 1 : i32
    %dma_wait3A_824 = arith.constant 0 : i32
    %dma_wait3A_825 = arith.constant 0 : i32
    %dma_wait3A_826 = tpu.memref_slice %arg7[%dma_wait3A_823, %dma_wait3A_824, %dma_wait3A_825] : memref<2x32x1024xbf16, #tpu.memory_space<vmem>> -> memref<1x32x1024xbf16, #tpu.memory_space<vmem>>
    %dma_wait3A_827 = tpu.memref_squeeze %dma_wait3A_826 : memref<1x32x1024xbf16, #tpu.memory_space<vmem>> -> memref<32x1024xbf16, #tpu.memory_space<vmem>>
    %dma_wait3A_828 = arith.constant 0 : i32
    %dma_wait3A_829 = arith.constant 0 : i32
    %dma_wait3A_830 = tpu.memref_slice %arg9[%dma_wait3A_828, %dma_wait3A_829] : memref<1024x1024xbf16, #tpu.memory_space<vmem_shared>> -> memref<1024x1024xbf16, #tpu.memory_space<vmem_shared>>
    tpu.wait_indirect_dma semaphore(%arg15 : memref<!tpu.dma_semaphore, #tpu.memory_space<semaphore_mem>>) src(%dma_wait3A_827 : memref<32x1024xbf16, #tpu.memory_space<vmem>>) dst(%dma_wait3A_830 : memref<1024x1024xbf16, #tpu.memory_space<vmem_shared>>)
    %dma_wait3A_831 = arith.constant 0 : i32
    %dma_wait3A_832 = arith.constant 0 : i32
    %dma_wait3A_833 = arith.constant 0 : i32
    %dma_wait3A_834 = tpu.memref_slice %arg7[%dma_wait3A_831, %dma_wait3A_832, %dma_wait3A_833] : memref<2x32x1024xbf16, #tpu.memory_space<vmem>> -> memref<1x32x1024xbf16, #tpu.memory_space<vmem>>
    %dma_wait3A_835 = tpu.memref_squeeze %dma_wait3A_834 : memref<1x32x1024xbf16, #tpu.memory_space<vmem>> -> memref<32x1024xbf16, #tpu.memory_space<vmem>>
    %dma_wait3A_836 = arith.constant 0 : i32
    %dma_wait3A_837 = arith.constant 0 : i32
    %dma_wait3A_838 = tpu.memref_slice %arg9[%dma_wait3A_836, %dma_wait3A_837] : memref<1024x1024xbf16, #tpu.memory_space<vmem_shared>> -> memref<1024x1024xbf16, #tpu.memory_space<vmem_shared>>
    tpu.wait_indirect_dma semaphore(%arg14 : memref<!tpu.dma_semaphore, #tpu.memory_space<semaphore_mem>>) src(%dma_wait3A_835 : memref<32x1024xbf16, #tpu.memory_space<vmem>>) dst(%dma_wait3A_838 : memref<1024x1024xbf16, #tpu.memory_space<vmem_shared>>)
    %barrier3A_839 = arith.constant 0 : index
    tpu.barrier barrier_id(%barrier3A_839)
    %mul3A_840 = arith.constant 64 : i32
    %mul3A_841 = arith.muli %arg1, %mul3A_840 : i32
    %add3A_842 = arith.constant 0 : i32
    %add3A_843 = arith.addi %mul3A_841, %add3A_842 : i32
    "tpu.region"() ({
      %run_scoped3A = tpu.sem_alloc : memref<!tpu.dma_semaphore, #tpu.memory_space<semaphore_mem>>
      %dma_start3A_856 = arith.constant 0 : i32
      %dma_start3A_857 = tpu.memref_slice %arg4[%arg0, %add3A_843, %dma_start3A_856] : memref<2x1024x1024xbf16, #tpu.memory_space<hbm>> -> memref<1x16x1024xbf16, #tpu.memory_space<hbm>>
      %dma_start3A_858 = tpu.memref_squeeze %dma_start3A_857 : memref<1x16x1024xbf16, #tpu.memory_space<hbm>> -> memref<16x1024xbf16, #tpu.memory_space<hbm>>
      %dma_start3A_859 = arith.constant 0 : i32
      %dma_start3A_860 = tpu.memref_slice %arg9[%add3A_843, %dma_start3A_859] : memref<1024x1024xbf16, #tpu.memory_space<vmem_shared>> -> memref<16x1024xbf16, #tpu.memory_space<vmem_shared>>
      tpu.enqueue_dma source(%dma_start3A_860 : memref<16x1024xbf16, #tpu.memory_space<vmem_shared>>) target(%dma_start3A_858 : memref<16x1024xbf16, #tpu.memory_space<hbm>>) target_semaphore(%run_scoped3A : memref<!tpu.dma_semaphore, #tpu.memory_space<semaphore_mem>>)
      %dma_wait3A_861 = arith.constant 0 : i32
      %dma_wait3A_862 = tpu.memref_slice %arg4[%arg0, %add3A_843, %dma_wait3A_861] : memref<2x1024x1024xbf16, #tpu.memory_space<hbm>> -> memref<1x16x1024xbf16, #tpu.memory_space<hbm>>
      %dma_wait3A_863 = tpu.memref_squeeze %dma_wait3A_862 : memref<1x16x1024xbf16, #tpu.memory_space<hbm>> -> memref<16x1024xbf16, #tpu.memory_space<hbm>>
      %dma_wait3A_864 = arith.constant 0 : i32
      %dma_wait3A_865 = tpu.memref_slice %arg9[%add3A_843, %dma_wait3A_864] : memref<1024x1024xbf16, #tpu.memory_space<vmem_shared>> -> memref<16x1024xbf16, #tpu.memory_space<vmem_shared>>
      tpu.wait_dma2 semaphore(%run_scoped3A : memref<!tpu.dma_semaphore, #tpu.memory_space<semaphore_mem>>) src(%dma_wait3A_865 : memref<16x1024xbf16, #tpu.memory_space<vmem_shared>>) dst(%dma_wait3A_863 : memref<16x1024xbf16, #tpu.memory_space<hbm>>)
      tpu.yield
    }) : () -> ()
    %mul3A_844 = arith.constant 64 : i32
    %mul3A_845 = arith.muli %arg1, %mul3A_844 : i32
    %add3A_846 = arith.constant 16 : i32
    %add3A_847 = arith.addi %mul3A_845, %add3A_846 : i32
    "tpu.region"() ({
      %run_scoped3A = tpu.sem_alloc : memref<!tpu.dma_semaphore, #tpu.memory_space<semaphore_mem>>
      %dma_start3A_856 = arith.constant 0 : i32
      %dma_start3A_857 = tpu.memref_slice %arg4[%arg0, %add3A_847, %dma_start3A_856] : memref<2x1024x1024xbf16, #tpu.memory_space<hbm>> -> memref<1x16x1024xbf16, #tpu.memory_space<hbm>>
      %dma_start3A_858 = tpu.memref_squeeze %dma_start3A_857 : memref<1x16x1024xbf16, #tpu.memory_space<hbm>> -> memref<16x1024xbf16, #tpu.memory_space<hbm>>
      %dma_start3A_859 = arith.constant 0 : i32
      %dma_start3A_860 = tpu.memref_slice %arg9[%add3A_847, %dma_start3A_859] : memref<1024x1024xbf16, #tpu.memory_space<vmem_shared>> -> memref<16x1024xbf16, #tpu.memory_space<vmem_shared>>
      tpu.enqueue_dma source(%dma_start3A_860 : memref<16x1024xbf16, #tpu.memory_space<vmem_shared>>) target(%dma_start3A_858 : memref<16x1024xbf16, #tpu.memory_space<hbm>>) target_semaphore(%run_scoped3A : memref<!tpu.dma_semaphore, #tpu.memory_space<semaphore_mem>>)
      %dma_wait3A_861 = arith.constant 0 : i32
      %dma_wait3A_862 = tpu.memref_slice %arg4[%arg0, %add3A_847, %dma_wait3A_861] : memref<2x1024x1024xbf16, #tpu.memory_space<hbm>> -> memref<1x16x1024xbf16, #tpu.memory_space<hbm>>
      %dma_wait3A_863 = tpu.memref_squeeze %dma_wait3A_862 : memref<1x16x1024xbf16, #tpu.memory_space<hbm>> -> memref<16x1024xbf16, #tpu.memory_space<hbm>>
      %dma_wait3A_864 = arith.constant 0 : i32
      %dma_wait3A_865 = tpu.memref_slice %arg9[%add3A_847, %dma_wait3A_864] : memref<1024x1024xbf16, #tpu.memory_space<vmem_shared>> -> memref<16x1024xbf16, #tpu.memory_space<vmem_shared>>
      tpu.wait_dma2 semaphore(%run_scoped3A : memref<!tpu.dma_semaphore, #tpu.memory_space<semaphore_mem>>) src(%dma_wait3A_865 : memref<16x1024xbf16, #tpu.memory_space<vmem_shared>>) dst(%dma_wait3A_863 : memref<16x1024xbf16, #tpu.memory_space<hbm>>)
      tpu.yield
    }) : () -> ()
    %mul3A_848 = arith.constant 64 : i32
    %mul3A_849 = arith.muli %arg1, %mul3A_848 : i32
    %add3A_850 = arith.constant 32 : i32
    %add3A_851 = arith.addi %mul3A_849, %add3A_850 : i32
    "tpu.region"() ({
      %run_scoped3A = tpu.sem_alloc : memref<!tpu.dma_semaphore, #tpu.memory_space<semaphore_mem>>
      %dma_start3A_856 = arith.constant 0 : i32
      %dma_start3A_857 = tpu.memref_slice %arg4[%arg0, %add3A_851, %dma_start3A_856] : memref<2x1024x1024xbf16, #tpu.memory_space<hbm>> -> memref<1x16x1024xbf16, #tpu.memory_space<hbm>>
      %dma_start3A_858 = tpu.memref_squeeze %dma_start3A_857 : memref<1x16x1024xbf16, #tpu.memory_space<hbm>> -> memref<16x1024xbf16, #tpu.memory_space<hbm>>
      %dma_start3A_859 = arith.constant 0 : i32
      %dma_start3A_860 = tpu.memref_slice %arg9[%add3A_851, %dma_start3A_859] : memref<1024x1024xbf16, #tpu.memory_space<vmem_shared>> -> memref<16x1024xbf16, #tpu.memory_space<vmem_shared>>
      tpu.enqueue_dma source(%dma_start3A_860 : memref<16x1024xbf16, #tpu.memory_space<vmem_shared>>) target(%dma_start3A_858 : memref<16x1024xbf16, #tpu.memory_space<hbm>>) target_semaphore(%run_scoped3A : memref<!tpu.dma_semaphore, #tpu.memory_space<semaphore_mem>>)
      %dma_wait3A_861 = arith.constant 0 : i32
      %dma_wait3A_862 = tpu.memref_slice %arg4[%arg0, %add3A_851, %dma_wait3A_861] : memref<2x1024x1024xbf16, #tpu.memory_space<hbm>> -> memref<1x16x1024xbf16, #tpu.memory_space<hbm>>
      %dma_wait3A_863 = tpu.memref_squeeze %dma_wait3A_862 : memref<1x16x1024xbf16, #tpu.memory_space<hbm>> -> memref<16x1024xbf16, #tpu.memory_space<hbm>>
      %dma_wait3A_864 = arith.constant 0 : i32
      %dma_wait3A_865 = tpu.memref_slice %arg9[%add3A_851, %dma_wait3A_864] : memref<1024x1024xbf16, #tpu.memory_space<vmem_shared>> -> memref<16x1024xbf16, #tpu.memory_space<vmem_shared>>
      tpu.wait_dma2 semaphore(%run_scoped3A : memref<!tpu.dma_semaphore, #tpu.memory_space<semaphore_mem>>) src(%dma_wait3A_865 : memref<16x1024xbf16, #tpu.memory_space<vmem_shared>>) dst(%dma_wait3A_863 : memref<16x1024xbf16, #tpu.memory_space<hbm>>)
      tpu.yield
    }) : () -> ()
    %mul3A_852 = arith.constant 64 : i32
    %mul3A_853 = arith.muli %arg1, %mul3A_852 : i32
    %add3A_854 = arith.constant 48 : i32
    %add3A_855 = arith.addi %mul3A_853, %add3A_854 : i32
    "tpu.region"() ({
      %run_scoped3A = tpu.sem_alloc : memref<!tpu.dma_semaphore, #tpu.memory_space<semaphore_mem>>
      %dma_start3A_856 = arith.constant 0 : i32
      %dma_start3A_857 = tpu.memref_slice %arg4[%arg0, %add3A_855, %dma_start3A_856] : memref<2x1024x1024xbf16, #tpu.memory_space<hbm>> -> memref<1x16x1024xbf16, #tpu.memory_space<hbm>>
      %dma_start3A_858 = tpu.memref_squeeze %dma_start3A_857 : memref<1x16x1024xbf16, #tpu.memory_space<hbm>> -> memref<16x1024xbf16, #tpu.memory_space<hbm>>
      %dma_start3A_859 = arith.constant 0 : i32
      %dma_start3A_860 = tpu.memref_slice %arg9[%add3A_855, %dma_start3A_859] : memref<1024x1024xbf16, #tpu.memory_space<vmem_shared>> -> memref<16x1024xbf16, #tpu.memory_space<vmem_shared>>
      tpu.enqueue_dma source(%dma_start3A_860 : memref<16x1024xbf16, #tpu.memory_space<vmem_shared>>) target(%dma_start3A_858 : memref<16x1024xbf16, #tpu.memory_space<hbm>>) target_semaphore(%run_scoped3A : memref<!tpu.dma_semaphore, #tpu.memory_space<semaphore_mem>>)
      %dma_wait3A_861 = arith.constant 0 : i32
      %dma_wait3A_862 = tpu.memref_slice %arg4[%arg0, %add3A_855, %dma_wait3A_861] : memref<2x1024x1024xbf16, #tpu.memory_space<hbm>> -> memref<1x16x1024xbf16, #tpu.memory_space<hbm>>
      %dma_wait3A_863 = tpu.memref_squeeze %dma_wait3A_862 : memref<1x16x1024xbf16, #tpu.memory_space<hbm>> -> memref<16x1024xbf16, #tpu.memory_space<hbm>>
      %dma_wait3A_864 = arith.constant 0 : i32
      %dma_wait3A_865 = tpu.memref_slice %arg9[%add3A_855, %dma_wait3A_864] : memref<1024x1024xbf16, #tpu.memory_space<vmem_shared>> -> memref<16x1024xbf16, #tpu.memory_space<vmem_shared>>
      tpu.wait_dma2 semaphore(%run_scoped3A : memref<!tpu.dma_semaphore, #tpu.memory_space<semaphore_mem>>) src(%dma_wait3A_865 : memref<16x1024xbf16, #tpu.memory_space<vmem_shared>>) dst(%dma_wait3A_863 : memref<16x1024xbf16, #tpu.memory_space<hbm>>)
      tpu.yield
    }) : () -> ()
    return
  }
}

module attributes {stable_mosaic.version = 14 : i64} {
  func.func @_pass1_kernel(%arg0: i32, %arg1: memref<1x1x512xi32, #tpu.memory_space<vmem>>, %arg2: memref<512x1024xbf16, #tpu.memory_space<vmem>>, %arg3: memref<1x2xf32, #tpu.memory_space<smem>>, %arg4: memref<1x1024xf32, #tpu.memory_space<vmem>>, %arg5: memref<1x2xf32, #tpu.memory_space<smem>>) attributes {dimension_semantics = [#tpu.dimension_semantics<arbitrary>], iteration_bounds = array<i64: 32>, scalar_prefetch = 0 : i64, scratch_operands = 1 : i64, tpu.core_type = #tpu.core_type<tc>, window_params = [{transform_indices = @transform_0, window_bounds = array<i64: 1, 1, 512>}, {transform_indices = @transform_1, window_bounds = array<i64: 512, 1024>}, {transform_indices = @transform_2, window_bounds = array<i64: 1, 2>}, {pipeline_mode = #tpu.pipeline_mode<synchronous>, transform_indices = @transform_3, window_bounds = array<i64: 1, 1024>}]} {
    %eq3A = arith.constant 0 : i32
    %eq3A_0 = arith.cmpi eq, %arg0, %eq3A : i32
    %convert_element_type3A = arith.extui %eq3A_0 : i1 to i32
    %cond3A = arith.constant 0 : i32
    %cond3A_1 = arith.cmpi ne, %convert_element_type3A, %cond3A : i32
    scf.if %cond3A_1 {
      %swap3A_69 = arith.constant 0.000000e+00 : f32
      %swap3A_70 = arith.constant 0 : index
      %swap3A_71 = arith.constant 0 : index
      %swap3A_72 = memref.load %arg5[%swap3A_70, %swap3A_71] : memref<1x2xf32, #tpu.memory_space<smem>>
      memref.store %swap3A_69, %arg5[%swap3A_70, %swap3A_71] : memref<1x2xf32, #tpu.memory_space<smem>>
      %swap3A_73 = arith.constant 0.000000e+00 : f32
      %swap3A_74 = arith.constant 0 : index
      %swap3A_75 = arith.constant 1 : index
      %swap3A_76 = memref.load %arg5[%swap3A_74, %swap3A_75] : memref<1x2xf32, #tpu.memory_space<smem>>
      memref.store %swap3A_73, %arg5[%swap3A_74, %swap3A_75] : memref<1x2xf32, #tpu.memory_space<smem>>
      %broadcast_in_dim3A_77 = arith.constant 0.000000e+00 : f32
      %broadcast_in_dim3A_78 = vector.broadcast %broadcast_in_dim3A_77 : f32 to vector<1x1024xf32>
      %swap3A_79 = arith.constant 0 : index
      %swap3A_80 = arith.constant 0 : index
      %swap3A_81 = vector.load %arg4[%swap3A_79, %swap3A_80] : memref<1x1024xf32, #tpu.memory_space<vmem>>, vector<1x1024xf32>
      tpu.vector_store %arg4[%swap3A_79, %swap3A_80], %broadcast_in_dim3A_78 {strides = array<i32>} : memref<1x1024xf32, #tpu.memory_space<vmem>>, vector<1x1024xf32>,
    } else {
    }
    %get3A = arith.constant 0 : index
    %get3A_2 = arith.constant 0 : index
    %get3A_3 = vector.load %arg2[%get3A, %get3A_2] : memref<512x1024xbf16, #tpu.memory_space<vmem>>, vector<512x1024xbf16>
    %convert_element_type3A_4 = arith.extf %get3A_3 : vector<512x1024xbf16> to vector<512x1024xf32>
    %get3A_5 = arith.constant 0 : index
    %get3A_6 = arith.constant 0 : index
    %get3A_7 = arith.constant 0 : index
    %get3A_8 = vector.load %arg1[%get3A_5, %get3A_6, %get3A_7] : memref<1x1x512xi32, #tpu.memory_space<vmem>>, vector<1x1x512xi32>
    %get3A_9 = vector.shape_cast %get3A_8 : vector<1x1x512xi32> to vector<512xi32>
    %iota3A = tpu.iota {dimensions = array<i32: 1>} : vector<512x1024xi32>
    %lt3A = arith.constant 1000 : i32
    %lt3A_10 = vector.broadcast %lt3A : i32 to vector<512x1024xi32>
    %lt3A_11 = arith.cmpi slt, %iota3A, %lt3A_10 : vector<512x1024xi32>
    %jit3A = arith.constant 0xFF800000 : f32
    %broadcast_in_dim3A = vector.broadcast %jit3A : f32 to vector<512x1024xf32>
    %select_n3A = arith.select %lt3A_11, %convert_element_type3A_4, %broadcast_in_dim3A : vector<512x1024xi1>, vector<512x1024xf32>
    %reduce_max3A = arith.constant dense<0xFF800000> : vector<512xf32>
    %reduce_max3A_12 = vector.multi_reduction <maximumf>, %select_n3A, %reduce_max3A [1] : vector<512x1024xf32> to vector<512xf32>
    %broadcast_in_dim3A_13 = vector.shape_cast %reduce_max3A_12 : vector<512xf32> to vector<512x1xf32>
    %sub3A = vector.broadcast %broadcast_in_dim3A_13 : vector<512x1xf32> to vector<512x1024xf32>
    %sub3A_14 = arith.subf %select_n3A, %sub3A : vector<512x1024xf32>
    %exp3A = math.exp %sub3A_14 : vector<512x1024xf32>
    %reduce_sum3A = arith.constant dense<0.000000e+00> : vector<512xf32>
    %reduce_sum3A_15 = vector.multi_reduction <add>, %exp3A, %reduce_sum3A [1] : vector<512x1024xf32> to vector<512xf32>
    %broadcast_in_dim3A_16 = vector.shape_cast %reduce_sum3A_15 : vector<512xf32> to vector<512x1xf32>
    %log3A = math.log %broadcast_in_dim3A_16 : vector<512x1xf32>
    %add3A = arith.addf %log3A, %broadcast_in_dim3A_13 : vector<512x1xf32>
    %broadcast_in_dim3A_17 = vector.shape_cast %get3A_9 : vector<512xi32> to vector<512x1xi32>
    %eq3A_18 = vector.broadcast %broadcast_in_dim3A_17 : vector<512x1xi32> to vector<512x1024xi32>
    %eq3A_19 = arith.cmpi eq, %iota3A, %eq3A_18 : vector<512x1024xi32>
    %jit3A_20 = arith.constant 0.000000e+00 : f32
    %broadcast_in_dim3A_21 = vector.broadcast %jit3A_20 : f32 to vector<512x1024xf32>
    %select_n3A_22 = arith.select %eq3A_19, %convert_element_type3A_4, %broadcast_in_dim3A_21 : vector<512x1024xi1>, vector<512x1024xf32>
    %reduce_sum3A_23 = vector.shape_cast %select_n3A_22 : vector<512x1024xf32> to vector<1x512x1024xf32>
    %reduce_sum3A_24 = arith.constant dense<0.000000e+00> : vector<1xf32>
    %reduce_sum3A_25 = vector.multi_reduction <add>, %reduce_sum3A_23, %reduce_sum3A_24 [1, 2] : vector<1x512x1024xf32> to vector<1xf32>
    %reduce_sum3A_26 = vector.shape_cast %reduce_sum3A_25 : vector<1xf32> to vector<1x1x1xf32>
    %reduce_sum3A_27 = vector.extract %reduce_sum3A_26[0, 0, 0] : f32 from vector<1x1x1xf32>
    %get3A_28 = arith.constant 0 : index
    %get3A_29 = arith.constant 0 : index
    %get3A_30 = vector.load %arg4[%get3A_28, %get3A_29] : memref<1x1024xf32, #tpu.memory_space<vmem>>, vector<1x1024xf32>
    %convert_element_type3A_31 = arith.extui %eq3A_19 : vector<512x1024xi1> to vector<512x1024xi32>
    %convert_element_type3A_32 = arith.sitofp %convert_element_type3A_31 : vector<512x1024xi32> to vector<512x1024xf32>
    %reduce_sum3A_33 = arith.constant dense<0.000000e+00> : vector<1024xf32>
    %reduce_sum3A_34 = vector.multi_reduction <add>, %convert_element_type3A_32, %reduce_sum3A_33 [0] : vector<512x1024xf32> to vector<1024xf32>
    %broadcast_in_dim3A_35 = vector.shape_cast %reduce_sum3A_34 : vector<1024xf32> to vector<1x1024xf32>
    %add3A_36 = arith.addf %get3A_30, %broadcast_in_dim3A_35 : vector<1x1024xf32>
    %swap3A = arith.constant 0 : index
    %swap3A_37 = arith.constant 0 : index
    %swap3A_38 = vector.load %arg4[%swap3A, %swap3A_37] : memref<1x1024xf32, #tpu.memory_space<vmem>>, vector<1x1024xf32>
    tpu.vector_store %arg4[%swap3A, %swap3A_37], %add3A_36 {strides = array<i32>} : memref<1x1024xf32, #tpu.memory_space<vmem>>, vector<1x1024xf32>,
    %get3A_39 = arith.constant 0 : index
    %get3A_40 = arith.constant 0 : index
    %get3A_41 = memref.load %arg5[%get3A_39, %get3A_40] : memref<1x2xf32, #tpu.memory_space<smem>>
    %reduce_sum3A_42 = vector.shape_cast %add3A : vector<512x1xf32> to vector<1x512x1xf32>
    %reduce_sum3A_43 = arith.constant dense<0.000000e+00> : vector<1xf32>
    %reduce_sum3A_44 = vector.multi_reduction <add>, %reduce_sum3A_42, %reduce_sum3A_43 [1, 2] : vector<1x512x1xf32> to vector<1xf32>
    %reduce_sum3A_45 = vector.shape_cast %reduce_sum3A_44 : vector<1xf32> to vector<1x1x1xf32>
    %reduce_sum3A_46 = vector.extract %reduce_sum3A_45[0, 0, 0] : f32 from vector<1x1x1xf32>
    %sub3A_47 = arith.subf %reduce_sum3A_46, %reduce_sum3A_27 : f32
    %add3A_48 = arith.addf %get3A_41, %sub3A_47 : f32
    %swap3A_49 = arith.constant 0 : index
    %swap3A_50 = arith.constant 0 : index
    %swap3A_51 = memref.load %arg5[%swap3A_49, %swap3A_50] : memref<1x2xf32, #tpu.memory_space<smem>>
    memref.store %add3A_48, %arg5[%swap3A_49, %swap3A_50] : memref<1x2xf32, #tpu.memory_space<smem>>
    %get3A_52 = arith.constant 0 : index
    %get3A_53 = arith.constant 1 : index
    %get3A_54 = memref.load %arg5[%get3A_52, %get3A_53] : memref<1x2xf32, #tpu.memory_space<smem>>
    %mul3A = arith.mulf %convert_element_type3A_4, %convert_element_type3A_4 : vector<512x1024xf32>
    %reduce_sum3A_55 = vector.shape_cast %mul3A : vector<512x1024xf32> to vector<1x512x1024xf32>
    %reduce_sum3A_56 = arith.constant dense<0.000000e+00> : vector<1xf32>
    %reduce_sum3A_57 = vector.multi_reduction <add>, %reduce_sum3A_55, %reduce_sum3A_56 [1, 2] : vector<1x512x1024xf32> to vector<1xf32>
    %reduce_sum3A_58 = vector.shape_cast %reduce_sum3A_57 : vector<1xf32> to vector<1x1x1xf32>
    %reduce_sum3A_59 = vector.extract %reduce_sum3A_58[0, 0, 0] : f32 from vector<1x1x1xf32>
    %add3A_60 = arith.addf %get3A_54, %reduce_sum3A_59 : f32
    %swap3A_61 = arith.constant 0 : index
    %swap3A_62 = arith.constant 1 : index
    %swap3A_63 = memref.load %arg5[%swap3A_61, %swap3A_62] : memref<1x2xf32, #tpu.memory_space<smem>>
    memref.store %add3A_60, %arg5[%swap3A_61, %swap3A_62] : memref<1x2xf32, #tpu.memory_space<smem>>
    %eq3A_64 = arith.constant 31 : i32
    %eq3A_65 = arith.cmpi eq, %arg0, %eq3A_64 : i32
    %convert_element_type3A_66 = arith.extui %eq3A_65 : i1 to i32
    %cond3A_67 = arith.constant 0 : i32
    %cond3A_68 = arith.cmpi ne, %convert_element_type3A_66, %cond3A_67 : i32
    scf.if %cond3A_68 {
      %get3A_69 = arith.constant 0 : index
      %get3A_70 = arith.constant 0 : index
      %get3A_71 = memref.load %arg5[%get3A_69, %get3A_70] : memref<1x2xf32, #tpu.memory_space<smem>>
      %swap3A_72 = arith.constant 0 : index
      %swap3A_73 = arith.constant 0 : index
      %swap3A_74 = memref.load %arg3[%swap3A_72, %swap3A_73] : memref<1x2xf32, #tpu.memory_space<smem>>
      memref.store %get3A_71, %arg3[%swap3A_72, %swap3A_73] : memref<1x2xf32, #tpu.memory_space<smem>>
      %get3A_75 = arith.constant 0 : index
      %get3A_76 = arith.constant 1 : index
      %get3A_77 = memref.load %arg5[%get3A_75, %get3A_76] : memref<1x2xf32, #tpu.memory_space<smem>>
      %swap3A_78 = arith.constant 0 : index
      %swap3A_79 = arith.constant 1 : index
      %swap3A_80 = memref.load %arg3[%swap3A_78, %swap3A_79] : memref<1x2xf32, #tpu.memory_space<smem>>
      memref.store %get3A_77, %arg3[%swap3A_78, %swap3A_79] : memref<1x2xf32, #tpu.memory_space<smem>>
    } else {
    }
    return
  }
  func.func @transform_0(%arg0: i32) -> (i32, i32, i32) {
    %c0_i32 = arith.constant 0 : i32
    %c0_i32_0 = arith.constant 0 : i32
    %c0_i32_1 = arith.constant 0 : i32
    return %arg0, %c0_i32, %c0_i32_0 : i32, i32, i32
  }
  func.func @transform_1(%arg0: i32) -> (i32, i32) {
    %c0_i32 = arith.constant 0 : i32
    %c0_i32_0 = arith.constant 0 : i32
    return %arg0, %c0_i32 : i32, i32
  }
  func.func @transform_2(%arg0: i32) -> (i32, i32) {
    %c0_i32 = arith.constant 0 : i32
    %c0_i32_0 = arith.constant 0 : i32
    %c0_i32_1 = arith.constant 0 : i32
    return %c0_i32, %c0_i32_0 : i32, i32
  }
  func.func @transform_3(%arg0: i32) -> (i32, i32) {
    %c0_i32 = arith.constant 0 : i32
    %c0_i32_0 = arith.constant 0 : i32
    %c0_i32_1 = arith.constant 0 : i32
    return %c0_i32, %c0_i32_0 : i32, i32
  }
}

module attributes {stable_mosaic.version = 14 : i64} {
  func.func @_combine_kernel(%arg0: memref<1000x1000xf32, #tpu.memory_space<vmem>>, %arg1: memref<2x1024x1024xbf16, #tpu.memory_space<vmem>>, %arg2: memref<1x1024xf32, #tpu.memory_space<vmem>>, %arg3: memref<1x2xf32, #tpu.memory_space<smem>>, %arg4: memref<1x1xf32, #tpu.memory_space<smem>>) attributes {dimension_semantics = [], scalar_prefetch = 0 : i64, scratch_operands = 0 : i64, tpu.core_type = #tpu.core_type<tc>} {
    %get3A = arith.constant 0 : index
    %get3A_0 = arith.constant 0 : index
    %get3A_1 = vector.load %arg0[%get3A, %get3A_0] : memref<1000x1000xf32, #tpu.memory_space<vmem>>, vector<1000x1000xf32>
    %get3A_2 = arith.constant 0 : index
    %get3A_3 = arith.constant 0 : index
    %get3A_4 = arith.constant 0 : index
    %get3A_5 = vector.load %arg1[%get3A_2, %get3A_3, %get3A_4] : memref<2x1024x1024xbf16, #tpu.memory_space<vmem>>, vector<1x1024x1024xbf16>
    %get3A_6 = vector.shape_cast %get3A_5 : vector<1x1024x1024xbf16> to vector<1024x1024xbf16>
    %convert_element_type3A = arith.extf %get3A_6 : vector<1024x1024xbf16> to vector<1024x1024xf32>
    %get3A_7 = arith.constant 1 : index
    %get3A_8 = arith.constant 0 : index
    %get3A_9 = arith.constant 0 : index
    %get3A_10 = vector.load %arg1[%get3A_7, %get3A_8, %get3A_9] : memref<2x1024x1024xbf16, #tpu.memory_space<vmem>>, vector<1x1024x1024xbf16>
    %get3A_11 = vector.shape_cast %get3A_10 : vector<1x1024x1024xbf16> to vector<1024x1024xbf16>
    %convert_element_type3A_12 = arith.extf %get3A_11 : vector<1024x1024xbf16> to vector<1024x1024xf32>
    %add3A = arith.addf %convert_element_type3A, %convert_element_type3A_12 : vector<1024x1024xf32>
    %slice3A = vector.extract_strided_slice %add3A {offsets = [0, 0], sizes = [1000, 1000], strides = [1, 1]} : vector<1024x1024xf32> to vector<1000x1000xf32>
    %mul3A = arith.mulf %get3A_1, %slice3A : vector<1000x1000xf32>
    %reduce_sum3A = vector.shape_cast %mul3A : vector<1000x1000xf32> to vector<1x1000x1000xf32>
    %reduce_sum3A_13 = arith.constant dense<0.000000e+00> : vector<1xf32>
    %reduce_sum3A_14 = vector.multi_reduction <add>, %reduce_sum3A, %reduce_sum3A_13 [1, 2] : vector<1x1000x1000xf32> to vector<1xf32>
    %reduce_sum3A_15 = vector.shape_cast %reduce_sum3A_14 : vector<1xf32> to vector<1x1x1xf32>
    %reduce_sum3A_16 = vector.extract %reduce_sum3A_15[0, 0, 0] : f32 from vector<1x1x1xf32>
    %mul3A_17 = arith.mulf %get3A_1, %get3A_1 : vector<1000x1000xf32>
    %reduce_sum3A_18 = arith.constant dense<0.000000e+00> : vector<1000xf32>
    %reduce_sum3A_19 = vector.multi_reduction <add>, %mul3A_17, %reduce_sum3A_18 [1] : vector<1000x1000xf32> to vector<1000xf32>
    %broadcast_in_dim3A = vector.shape_cast %reduce_sum3A_19 : vector<1000xf32> to vector<1000x1xf32>
    %get3A_20 = arith.constant 0 : index
    %get3A_21 = arith.constant 0 : index
    %get3A_22 = vector.load %arg2[%get3A_20, %get3A_21] : memref<1x1024xf32, #tpu.memory_space<vmem>>, vector<1x1000xf32>
    %dot_general3A = arith.constant dense<0.000000e+00> : vector<1x1xf32>
    %dot_general3A_23 = tpu.matmul %get3A_22, %broadcast_in_dim3A, %dot_general3A {dimension_numbers = #tpu.dot_dimension_numbers<[1], [0], [0], [1], [0, 0, 1, 1], [], []>, precision = #tpu.contract_precision<fp32>, transpose_lhs_hint = false} : vector<1x1000xf32>, vector<1000x1xf32>, vector<1x1xf32> -> vector<1x1xf32>
    %squeeze3A = vector.extract %dot_general3A_23[0, 0] : f32 from vector<1x1xf32>
    %get3A_24 = arith.constant 0 : index
    %get3A_25 = arith.constant 0 : index
    %get3A_26 = memref.load %arg3[%get3A_24, %get3A_25] : memref<1x2xf32, #tpu.memory_space<smem>>
    %get3A_27 = arith.constant 0 : index
    %get3A_28 = arith.constant 1 : index
    %get3A_29 = memref.load %arg3[%get3A_27, %get3A_28] : memref<1x2xf32, #tpu.memory_space<smem>>
    %mul3A_30 = arith.constant 2.000000e+00 : f32
    %mul3A_31 = arith.mulf %mul3A_30, %reduce_sum3A_16 : f32
    %sub3A = arith.subf %squeeze3A, %mul3A_31 : f32
    %add3A_32 = arith.addf %sub3A, %get3A_29 : f32
    %div3A = arith.constant 1.638400e+04 : f32
    %div3A_33 = arith.divf %get3A_26, %div3A : f32
    %mul3A_34 = arith.constant 5.000000e-01 : f32
    %mul3A_35 = arith.mulf %mul3A_34, %add3A_32 : f32
    %div3A_36 = arith.constant 2.000000e+00 : f32
    %div3A_37 = arith.divf %mul3A_35, %div3A_36 : f32
    %div3A_38 = arith.constant 1.638400e+04 : f32
    %div3A_39 = arith.divf %div3A_37, %div3A_38 : f32
    %add3A_40 = arith.addf %div3A_33, %div3A_39 : f32
    %swap3A = arith.constant 0 : index
    %swap3A_41 = arith.constant 0 : index
    %swap3A_42 = memref.load %arg4[%swap3A, %swap3A_41] : memref<1x1xf32, #tpu.memory_space<smem>>
    memref.store %add3A_40, %arg4[%swap3A, %swap3A_41] : memref<1x1xf32, #tpu.memory_space<smem>>
    return
  }
}

</mosaic_0001>

<sc_bundles>
// kernel: kernel.5.cloned.1.call-start
scs
__scs_entry_jumppad:
0x0: {  	(pc) =	sbr.rel $0x88, $3  }
0x1: {  	(tag) =	ssettag $0x0;
	lr =	simm.s32 $0x1  }
0x2: {  	[smem:$0x3F9E] =	sst lr;
	_ =	strace $0xD0000000  }
0x3: {  	_ = 	snop  }
0x4: {  	_ = 	snop  }
0x5: {  	_ = 	snop  }
0x6: {  	_ = 	snop  }
0x7: {  	_ = 	snop  }
__scs_overlays_trampoline_lowered:
0x8: {  	[smem:$0x3FAD] =	sst s0  }
0x9: {  	[smem:$0x3FAE] =	sst s1  }
0xa: {  	[smem:$0x3FAF] =	sst s2  }
0xb: {  	[smem:$0x3FB0] =	sst s3  }
0xc: {  	[smem:$0x3FB1] =	sst s4  }
0xd: {  	[smem:$0x3FB2] =	sst s5  }
0xe: {  	[smem:$0x3FB3] =	sst s6  }
0xf: {  	[smem:$0x3FB4] =	sst s7  }
0x10: {  	[smem:$0x3FB5] =	sst s8  }
0x11: {  	[smem:$0x3FB6] =	sst s9;
	s0 =	simm.s32 @!p0 $0x0  }
0x12: {  	s1 =	sld [smem:$0x3F9C];
	s0 =	simm.s32 @p0 $0x1  }
0x13: {  	[smem:$0x3FB7] =	sst s0;
	s0 =	simm.s32 @!p1 $0x0  }
0x14: {  	s2 =	sld [smem:$0x3F9B];
	s0 =	simm.s32 @p1 $0x1  }
0x15: {  	[smem:$0x3FB8] =	sst s0;
	s0 =	simm.s32 @!p2 $0x0  }
0x16: {  	s3 =	sld [smem:$0x3FDB];
	s0 =	simm.s32 @p2 $0x1  }
0x17: {  	s4 =	simm.s32 $0x1BF5;
	[smem:$0x3FBA] =	sst s0  }
0x18: {  	s0 =	sld [smem:$0x3F9D];
	_ =	swait.ge [sflag:s4], $0x0  }
0x19: {  	s7 =	sld [smem:$0x3F9E]  }
0x1a: {  	s8 =	sadd.s32 $0xFFFFE003, lr  }
0x1b: {  	s9 =	sadd.s32 $0xFFFFFEF7, lr;
	s5 =	simm.s32 $0xFFFFFFFF;
	p2 =	slt.u32 s8, $0xFFFFF086  }
0x1c: {  	p1 =	slt.u32 s9, $0xF7A;
	s5 =	simm.s32 @!p2 $0x0  }
0x1d: {  	s5 =	simm.s32 @p1 $0x1;
	p0 =	seq.s32 s7, s2  }
0x1e: {  	s7 =	smul.u32 @!p0 $0xF7A, s2;
	p2 =	seq.s32 @!p0 s5, $0x0  }
0x1f: {  	s9 =	smul.u32 $0xF7A, s1;
	s8 =	simm.s32 @!p0 $0x1BF5;
	p2 =	por !p2, p0  }
0x20: {  	[sflag:s8] =	ssyncset.s32 @!p0 $0xFFFFF086;
	s6 =	sadd.s32 @!p0 s3, s7;
	s7 =	simm.s32 @!p0 $0x108  }
0x21: {  	s3 =	sadd.s32 s3, s9;
	s6 =	sadd.s32 @!p0 $0x88, s6;
	s7 =	simm.s32 @p2 $0x1082  }
0x22: {  	[simem:s7], [sflag:s8] =	dma.local @!p0 [hbm:s6], $0xF7A  }
0x23: {  	s9 =	sor.u32 $0xD0000000, s2;
	s6 =	simm.s32 $0x108;
	_ =	swait.ge @!p0 [sflag:s8], $0x0  }
0x24: {  	s3 =	sadd.s32 $0x88, s3;
	s6 =	simm.s32 @!p1 $0x1082;
	[sflag:s4] =	ssyncset.s32 $0xFFFFF086  }
0x25: {  	[simem:s6], [sflag:s4] =	dma.local [hbm:s3], $0xF7A  }
0x26: {  	[smem:$0x3F9E] =	sst s1;
	(tag) =	ssettag s2;
	_ =	strace s9  }
0x27: {  	s1 =	sld [smem:$0x3FAE]  }
0x28: {  	s2 =	sld [smem:$0x3FAF]  }
0x29: {  	s4 =	sld [smem:$0x3FB1]  }
0x2a: {  	p0 =	seq.s32 s5, $0x0;
	s5 =	sld [smem:$0x3FB2]  }
0x2b: {  	s6 =	sld [smem:$0x3FB3]  }
0x2c: {  	s7 =	sld [smem:$0x3FB4]  }
0x2d: {  	s3 =	simm.s32 $0x108;
	s8 =	sld [smem:$0x3FB5]  }
0x2e: {  	s3 =	simm.s32 @!p0 $0x1082;
	s9 =	sld [smem:$0x3FB6]  }
0x2f: {  	lr =	sadd.s32 s0, s3;
	s0 =	sld [smem:$0x3FAD]  }
0x30: {  	s3 =	sld [smem:$0x3FB0]  }
0x31: {  	[smem:$0x3FB9] =	sst s10  }
0x32: {  	s10 =	sld [smem:$0x3FB7];
	_ =	sdelay $0x3  }
0x33: {  	p0 =	seq.s32 s10, $0x1;
	s10 =	sld [smem:$0x3FB9];
	_ =	sdelay $0x3  }
0x34: {  	[smem:$0x3FB9] =	sst s10  }
0x35: {  	s10 =	sld [smem:$0x3FB8];
	_ =	sdelay $0x3  }
0x36: {  	p1 =	seq.s32 s10, $0x1;
	s10 =	sld [smem:$0x3FB9];
	_ =	sdelay $0x3  }
0x37: {  	[smem:$0x3FB9] =	sst s10  }
0x38: {  	s10 =	sld [smem:$0x3FBA]  }
0x39: {  	_ = 	snop;
	(pc) =	sbr.ind lr, $3  }
0x3a: {  	_ = 	snop  }
0x3b: {  	_ = 	snop  }
0x3c: {  	p2 =	seq.s32 s10, $0x1;
	s10 =	sld [smem:$0x3FB9]  }
0x3d: {  	_ =	shalt  }
0x3e: {  	_ =	shalt  }
0x3f: {  	_ =	shalt  }
0x40: {  	_ =	shalt  }
0x41: {  	_ =	shalt  }
0x42: {  	_ =	shalt  }
0x43: {  	_ =	shalt  }
0x44: {  	_ =	shalt  }
0x45: {  	_ =	shalt  }
0x46: {  	_ =	shalt  }
0x47: {  	_ =	shalt  }
0x48: {  	_ =	shalt  }
0x49: {  	_ =	shalt  }
0x4a: {  	_ =	shalt  }
0x4b: {  	_ =	shalt  }
0x4c: {  	_ =	shalt  }
0x4d: {  	_ =	shalt  }
0x4e: {  	_ =	shalt  }
0x4f: {  	_ =	shalt  }
0x50: {  	_ =	shalt  }
0x51: {  	_ =	shalt  }
0x52: {  	_ =	shalt  }
0x53: {  	_ =	shalt  }
0x54: {  	_ =	shalt  }
0x55: {  	_ =	shalt  }
0x56: {  	_ =	shalt  }
0x57: {  	_ =	shalt  }
0x58: {  	_ =	shalt  }
0x59: {  	_ =	shalt  }
0x5a: {  	_ =	shalt  }
0x5b: {  	_ =	shalt  }
0x5c: {  	_ =	shalt  }
0x5d: {  	_ =	shalt  }
0x5e: {  	_ =	shalt  }
0x5f: {  	_ =	shalt  }
0x60: {  	_ =	shalt  }
0x61: {  	_ =	shalt  }
0x62: {  	_ =	shalt  }
0x63: {  	_ =	shalt  }
0x64: {  	_ =	shalt  }
0x65: {  	_ =	shalt  }
0x66: {  	_ =	shalt  }
0x67: {  	_ =	shalt  }
0x68: {  	_ =	shalt  }
0x69: {  	_ =	shalt  }
0x6a: {  	_ =	shalt  }
0x6b: {  	_ =	shalt  }
0x6c: {  	_ =	shalt  }
0x6d: {  	_ =	shalt  }
0x6e: {  	_ =	shalt  }
0x6f: {  	_ =	shalt  }
0x70: {  	_ =	shalt  }
0x71: {  	_ =	shalt  }
0x72: {  	_ =	shalt  }
0x73: {  	_ =	shalt  }
0x74: {  	_ =	shalt  }
0x75: {  	_ =	shalt  }
0x76: {  	_ =	shalt  }
0x77: {  	_ =	shalt  }
0x78: {  	_ =	shalt  }
0x79: {  	_ =	shalt  }
0x7a: {  	_ =	shalt  }
0x7b: {  	_ =	shalt  }
0x7c: {  	_ =	shalt  }
0x7d: {  	_ =	shalt  }
0x7e: {  	_ =	shalt  }
0x7f: {  	_ =	shalt  }
0x80: {  	_ =	shalt  }
0x81: {  	_ =	shalt  }
0x82: {  	_ =	shalt  }
0x83: {  	_ =	shalt  }
0x84: {  	_ =	shalt  }
0x85: {  	_ =	shalt  }
0x86: {  	_ =	shalt  }
0x87: {  	_ =	shalt  }
.Lfunc_end0:
.L_simem_size_0:
called_computation.1_lowered:
.L_overlay_start_0:
0x88: {  	s2 =	sld [smem:$0x3FD9]  }
0x89: {  	s3 =	sld [smem:$0x3FFE];
	_ =	sdelay $0x1  }
0x8a: {  	s1 =	srdreg.scid  }
0x8b: {  	s0 =	sand.u32 $0x1, s1  }
0x8c: {  	s17 =	sshll.u32 s0, $0xA;
	s2 =	sadd.s32 s3, s2  }
0x8d: {  	s2 =	sadd.s32 s2, s17  }
0x8e: {  	[smem:$0x3FC5] =	sst s2  }
0x8f: {  	_ = 	snop  }
0x90: {  	s2 =	sld [smem:$0x3FC8];
	(tm) =	ssettm $0x1  }
0x91: {  	s18 =	sld [smem:$0x3FFB];
	_ =	sdelay $0x3  }
0x92: {  	_ =	strace s18  }
0x93: {  	s3 =	sld [smem:$0x3FFC];
	_ =	sdelay $0x3  }
0x94: {  	_ =	strace s3  }
0x95: {  	s3 =	sld [smem:$0x3FFD];
	_ =	sdelay $0x3  }
0x96: {  	_ =	strace s3  }
0x97: {  	_ =	strace $0x8FFFFFFF  }
0x98: {  	s19 =	sld [smem:$0x3FDB];
	_ =	sdelay $0x1  }
0x99: {  	s4 =	simm.s32 $_scs_section_size  }
0x9a: {  	s5 =	simm.s32 $_size__tile_overlayer_lowered;
	s6 =	simm.s32 $_tile_overlayer_lowered  }
0x9b: {  	s22 =	simm.s32 $0x1BFF;
	s21 =	sshll.u32 s6, $0x1;
	s3 =	sadd.s32 s4, s19  }
0x9c: {  	s7 =	simm.s32 $0x0;
	s20 =	sshll.u32 s5, $0x1;
	s5 =	sadd.s32 s21, s3  }
0x9d: {  	[timem:s7], [sflag:s22] =	dma.local [hbm:s5], s20  }
0x9e: {  	_ =	swait.ge [sflag:s22], s20  }
0x9f: {  	s4 =	ssub.s32 $0x0, s20;
	[sflag:s22] =	ssyncset.done $0x0  }
0xa0: {  	[sflag:s22] =	ssyncadd.s32 s4;
	_ =	sdelay $0x1  }
0xa1: {  	s23 =	simm.s32 $0x1B8B  }
0xa2: {  	_ =	swait.ge [sflag:s23], $0x1  }
0xa3: {  	[sflag:s23] =	ssyncset.done $0x0  }
0xa4: {  	s25 =	simm.s32 $0x1B8E;
	s24 =	sld [smem:$0x3FFE];
	[sflag:s23] =	ssyncadd.s32 $0xFFFFFFFF  }
0xa5: {  	s26 =	simm.s32 $execute0_lowered;
	[smem:$0x3FD2] =	sst s25  }
0xa6: {  	s5 =	sshll.u32 s26, $0x1;
	_ =	strace $0x80000049;
	[dreg:$0x1] =	wrdreg $0xFFFFFFFF  }
0xa7: {  	s28 =	simm.s32 $_size_execute0_lowered;
	s3 =	sadd.s32 s3, s5;
	[dreg:$0x0] =	wrdreg $0x0  }
0xa8: {  	s5 =	sshll.u32 s28, $0x1;
	[dreg:$0x2] =	wrdreg s3  }
0xa9: {  	[dreg:$0x3] =	wrdreg s5  }
0xaa: {  	[dreg:$0x4] =	wrdreg $0xC0  }
0xab: {  	_ =	task [dreg:s7], $0x5FFFF  }
0xac: {  	[dreg:$0x1] =	wrdreg $0xFFFFFFFF  }
0xad: {  	[dreg:$0x0] =	wrdreg $0x60  }
0xae: {  	[dreg:$0x2] =	wrdreg s24  }
0xaf: {  	[dreg:$0x3] =	wrdreg s2  }
0xb0: {  	[dreg:$0x4] =	wrdreg $0x90400  }
0xb1: {  	[dreg:$0x5] =	wrdreg $0x9  }
0xb2: {  	_ =	task.clear_ibuf [dreg:s7], $0x6FFFF;
	_ =	strace $0x90000049  }
0xb3: {  	s29 =	simm.s32 $0x9;
	_ =	strace $0x8000004B  }
0xb4: {  	_ =	swait.ge [sflag:s29], $0x1  }
0xb5: {  	[sflag:s29] =	ssyncadd.s32 $0xFFFFFFFF  }
0xb6: {  	_ =	strace $0x9000004B  }
0xb7: {  	_ =	sfence  }
0xb8: {  	s30 =	sld [smem:$0x0];
	_ =	sdelay $0x2  }
0xb9: {  	s31 =	sshll.u32 s1, $0xD;
	s1 =	sshrl.u32 s1, $0x2  }
0xba: {  	s3 =	sand.u32 $0x4000, s31;
	s1 =	sadd.s32 s1, s30  }
0xbb: {  	s0 =	sor.u32 s3, s0;
	s1 =	sshll.u32 s1, $0x11  }
0xbc: {  	s0 =	sor.u32 s1, s0  }
0xbd: {  	s0 =	sadd.s32 $0x8F2B, s0  }
0xbe: {  	[sflag:s0] =	ssyncadd.remote.s32 $0x1  }
0xbf: {  	_ =	sfence.sel $0xFFFF  }
0xc0: {  	[dreg:$0x0] =	wrdreg $0xFFFFFFFF;
	(pc) =	sbr.abs _section_cstart, $3  }
0xc1: {  	[dreg:$0x1] =	wrdreg $0xFFFFFFFF  }
0xc2: {  	_ =	task.clear_ibuf [dreg:s7], $0x2FFFF;
	_ =	strace $0x9FFFFFFF  }
0xc3: {  	(tm) =	ssettm $0x7FFFFFFF  }
tec
execute0_lowered:
.L_overlay_start_1:
0x0: {  	(tag) =	ssettag $0x1  }
0x1: {  	s0 =	srdreg.scid;
	s21 =	stileid.u32  }
0x2: {  	s4 =	rddreg [dreg:$0x1];
	s28 =	simm.s32 $0x6;
	s1 =	sand.u32 $0x1, s0  }
0x3: {  	s2 =	sshll.u32 s21, $0xA;
	s0 =	ssub.s32 $0x2, s1;
	s3 =	sshll.u32 s1, $0x9  }
0x4: {  	s29 =	simm.s32 $0x0;
	s5 =	sshrl.u32 s0, $0x1;
	s2 =	sor.u32 s3, s2  }
0x5: {  	s16 =	ssub.s32 s0, s5;
	s11 =	sshrl.u32 s2, $0x3;
	s3 =	sor.u32 $0x20, s2  }
0x6: {  	s5 =	sor.u32 $0x40, s2;
	s6 =	sor.u32 $0x60, s2;
	s7 =	sor.u32 $0x80, s2  }
0x7: {  	s8 =	sor.u32 $0xA0, s2;
	s9 =	sor.u32 $0xC0, s2;
	s10 =	sor.u32 $0xE0, s2  }
0x8: {  	s0 =	sadd.s32 s4, s11;
	s12 =	sshrl.u32 s3, $0x3;
	s13 =	sshrl.u32 s5, $0x3  }
0x9: {  	s14 =	sshrl.u32 s6, $0x3;
	s15 =	sshrl.u32 s7, $0x3;
	s17 =	sshrl.u32 s8, $0x3  }
0xa: {  	s18 =	sshrl.u32 s9, $0x3;
	s19 =	sshrl.u32 s10, $0x3;
	s11 =	sor.u32 $0x100, s2  }
0xb: {  	s16 =	smax.u32 s16, $0x1;
	[dreg:$0x4] =	wrdreg s0;
	s0 =	sadd.s32 s4, s12  }
0xc: {  	s20 =	sshrl.u32 s11, $0x3;
	s12 =	sor.u32 $0x120, s2;
	[dreg:$0x5] =	wrdreg s0  }
0xd: {  	s0 =	sadd.s32 s4, s13;
	s22 =	sshrl.u32 s12, $0x3;
	s13 =	sor.u32 $0x140, s2  }
0xe: {  	[dreg:$0x6] =	wrdreg s0;
	s0 =	sadd.s32 s4, s14;
	s23 =	sshrl.u32 s13, $0x3  }
0xf: {  	s14 =	sor.u32 $0x160, s2;
	[dreg:$0x7] =	wrdreg s0;
	s0 =	sadd.s32 s4, s15  }
0x10: {  	s24 =	sshrl.u32 s14, $0x3;
	s15 =	sor.u32 $0x180, s2;
	[dreg:$0x8] =	wrdreg s0  }
0x11: {  	s0 =	sadd.s32 s4, s17;
	s25 =	sshrl.u32 s15, $0x3;
	s17 =	sor.u32 $0x1A0, s2  }
0x12: {  	[dreg:$0x9] =	wrdreg s0;
	s0 =	sadd.s32 s4, s18;
	s26 =	sshrl.u32 s17, $0x3  }
0x13: {  	s18 =	sor.u32 $0x1C0, s2;
	[dreg:$0xa] =	wrdreg s0;
	s0 =	sadd.s32 s4, s19  }
0x14: {  	s30 =	sshrl.u32 s18, $0x3;
	s19 =	sor.u32 $0x1E0, s2;
	[dreg:$0xb] =	wrdreg s0  }
0x15: {  	s0 =	sadd.s32 s4, s20;
	s20 =	rddreg [dreg:$0x0];
	s31 =	sshrl.u32 s19, $0x3  }
0x16: {  	[dreg:$0xc] =	wrdreg s0;
	s0 =	sadd.s32 s4, s22;
	s22 =	sshll.u32 s3, $0x6  }
0x17: {  	s3 =	sshll.u32 s9, $0x6;
	[dreg:$0xd] =	wrdreg s0;
	s0 =	sadd.s32 s4, s23  }
0x18: {  	s23 =	sshll.u32 s5, $0x6;
	s5 =	sshll.u32 s11, $0x6;
	s11 =	sshll.u32 s15, $0x6  }
0x19: {  	s15 =	sshll.u32 s1, $0x14;
	s1 =	simm.s32 $0x0;
	[dreg:$0xe] =	wrdreg s0  }
0x1a: {  	s9 =	sshll.u32 s14, $0x6;
	s0 =	sadd.s32 s4, s24;
	[smem:$0x7FF] =	sst s1  }
0x1b: {  	s14 =	sshll.u32 s19, $0x6;
	[dreg:$0xf] =	wrdreg s0;
	s0 =	sadd.s32 s4, s25  }
0x1c: {  	s19 =	sadd.s32 $0x200E00, s20;
	s25 =	sshll.u32 s6, $0x6;
	[dreg:$0x10] =	wrdreg s0  }
0x1d: {  	s0 =	sadd.s32 s4, s26;
	s26 =	sshll.u32 s7, $0x6;
	s7 =	sshll.u32 s12, $0x6  }
0x1e: {  	s12 =	sshll.u32 s17, $0x6;
	s17 =	sshll.u32 s21, $0x10;
	[dreg:$0x11] =	wrdreg s0  }
0x1f: {  	s0 =	sadd.s32 s4, s30;
	s30 =	sshll.u32 s8, $0x6;
	s8 =	sshll.u32 s13, $0x6  }
0x20: {  	s13 =	sshll.u32 s18, $0x6;
	s18 =	sor.u32 s17, s15;
	[dreg:$0x12] =	wrdreg s0  }
0x21: {  	s0 =	sadd.s32 s4, s31;
	s4 =	sshll.u32 s2, $0x6;
	s2 =	sadd.s32 $0x100E00, s20  }
0x22: {  	s20 =	sor.u32 $0x4000, s17;
	[dreg:$0x13] =	wrdreg s0;
	s0 =	sadd.s32 s2, s4  }
0x23: {  	s24 =	sadd.s32 s2, s23;
	s31 =	sadd.s32 s2, s30;
	s4 =	sshll.u32 s10, $0x6  }
0x24: {  	s6 =	sadd.s32 s2, s5;
	s10 =	sadd.s32 s2, s9;
	[dreg:$0x14] =	wrdreg s0  }
0x25: {  	s23 =	sor.u32 s15, s20;
	s30 =	sshll.u32 s21, $0xF;
	[dreg:$0x16] =	wrdreg s24  }
0x26: {  	s9 =	sshrl.u32 s20, $0x1;
	s20 =	simm.s32 $0x20;
	[dreg:$0x19] =	wrdreg s31  }
0x27: {  	s21 =	simm.s32 $0x4040;
	s0 =	sadd.s32 s2, s22;
	[dreg:$0x1c] =	wrdreg s6  }
0x28: {  	[dreg:$0x1f] =	wrdreg s10;
	s22 =	sor.u32 $0x8000, s17;
	s24 =	sor.u32 $0xC000, s17  }
0x29: {  	[dreg:$0x15] =	wrdreg s0;
	s0 =	sadd.s32 s2, s25;
	s25 =	sor.u32 s15, s22  }
0x2a: {  	s10 =	sshrl.u32 s22, $0x1;
	s22 =	simm.s32 $0x3;
	[dreg:$0x17] =	wrdreg s0  }
0x2b: {  	s0 =	sadd.s32 s2, s26;
	s6 =	sshrl.u32 s25, $0x4;
	s26 =	sor.u32 s15, s24  }
0x2c: {  	s25 =	simm.s32 $0x4;
	[dreg:$0x18] =	wrdreg s0;
	s0 =	sadd.s32 s2, s3  }
0x2d: {  	s3 =	sshrl.u32 s18, $0x4;
	s5 =	sadd.s32 s19, s6;
	s6 =	rddreg [dreg:$0x2]  }
0x2e: {  	s18 =	simm.s32 $0x7;
	[dreg:$0x1a] =	wrdreg s0;
	s0 =	sadd.s32 s2, s4  }
0x2f: {  	s3 =	sadd.s32 s19, s3;
	s4 =	sshrl.u32 s23, $0x4;
	s31 =	sadd.s32 s30, s6  }
0x30: {  	s9 =	sadd.s32 s9, s6;
	s10 =	sadd.s32 s10, s6;
	s23 =	simm.s32 $0x1  }
0x31: {  	[dreg:$0x1b] =	wrdreg s0;
	s0 =	sadd.s32 s2, s7;
	s4 =	sadd.s32 s19, s4  }
0x32: {  	s15 =	sadd.s32 $0x7000, s31;
	[dreg:$0x1d] =	wrdreg s0;
	s0 =	sadd.s32 s2, s8  }
0x33: {  	s8 =	sshrl.u32 s17, $0x1;
	s17 =	simm.s32 $0x8040;
	[dreg:$0x1e] =	wrdreg s0  }
0x34: {  	s0 =	sadd.s32 s2, s11;
	s8 =	sadd.s32 s8, s6;
	s11 =	sshrl.u32 s24, $0x1  }
0x35: {  	s24 =	simm.s32 $0x5;
	[smem:$0x7FC] =	sst s0;
	s0 =	sadd.s32 s2, s12  }
0x36: {  	s12 =	sshrl.u32 s26, $0x4;
	s11 =	sadd.s32 s11, s6;
	s26 =	simm.s32 $0x2  }
0x37: {  	[smem:$0x7FD] =	sst s0;
	s0 =	sadd.s32 s2, s13;
	s2 =	sadd.s32 s2, s14  }
0x38: {  	s7 =	sadd.s32 s19, s12;
	s12 =	sadd.s32 $0x1000, s31;
	s13 =	sadd.s32 $0x3000, s31  }
0x39: {  	v0 =	vimm.bf16 $0.0e+00;
	s14 =	sadd.s32 $0x5000, s31;
	s19 =	simm.s32 $0x40;
	_ =	strace $0x8000004A  }
.LBB2_1:
0x3a: {  	s30 =	simm.s32 $0x0;
	s31 =	simm.s32 $0x800  }
.LBB2_2:
0x3b: {  	p0 =	sne.s32 s31, $0x3800;
	[tilespmem:s30+$0x8230] =	vst v0  }
0x3c: {  	[tilespmem:s30+$0x8040] =	vst v0  }
0x3d: {  	[tilespmem:s30+$0x8050] =	vst v0  }
0x3e: {  	[tilespmem:s30+$0x8060] =	vst v0  }
0x3f: {  	[tilespmem:s30+$0x8070] =	vst v0  }
0x40: {  	[tilespmem:s30+$0x8080] =	vst v0  }
0x41: {  	[tilespmem:s30+$0x8090] =	vst v0  }
0x42: {  	[tilespmem:s30+$0x80A0] =	vst v0  }
0x43: {  	[tilespmem:s30+$0x80B0] =	vst v0  }
0x44: {  	[tilespmem:s30+$0x80C0] =	vst v0  }
0x45: {  	[tilespmem:s30+$0x80D0] =	vst v0  }
0x46: {  	[tilespmem:s30+$0x80E0] =	vst v0  }
0x47: {  	[tilespmem:s30+$0x80F0] =	vst v0  }
0x48: {  	[tilespmem:s30+$0x8100] =	vst v0  }
0x49: {  	[tilespmem:s30+$0x8110] =	vst v0  }
0x4a: {  	[tilespmem:s30+$0x8120] =	vst v0  }
0x4b: {  	[tilespmem:s30+$0x8130] =	vst v0  }
0x4c: {  	[tilespmem:s30+$0x8140] =	vst v0  }
0x4d: {  	[tilespmem:s30+$0x8150] =	vst v0  }
0x4e: {  	[tilespmem:s30+$0x8160] =	vst v0  }
0x4f: {  	[tilespmem:s30+$0x8170] =	vst v0  }
0x50: {  	[tilespmem:s30+$0x8180] =	vst v0  }
0x51: {  	[tilespmem:s30+$0x8190] =	vst v0  }
0x52: {  	[tilespmem:s30+$0x81A0] =	vst v0  }
0x53: {  	[tilespmem:s30+$0x81B0] =	vst v0  }
0x54: {  	[tilespmem:s30+$0x81C0] =	vst v0  }
0x55: {  	[tilespmem:s30+$0x81D0] =	vst v0  }
.Ltmp0:
0x56: {  	[tilespmem:s30+$0x81E0] =	vst v0;
	(pc) =	sbr.rel @p0 .LBB2_2-.Ltmp0, $4  }
0x57: {  	[tilespmem:s30+$0x81F0] =	vst v0  }
0x58: {  	[tilespmem:s30+$0x8200] =	vst v0  }
0x59: {  	[tilespmem:s30+$0x8210] =	vst v0  }
0x5a: {  	[tilespmem:s30+$0x8220] =	vst v0;
	s30 =	sshra.s32 s31, $0x2;
	s31 =	sadd.s32 $0x800, s31  }
0x5b: {  	[tilespmem:s30+$0x8230] =	vst v0  }
0x5c: {  	[tilespmem:s30+$0x8040] =	vst v0  }
0x5d: {  	[tilespmem:s30+$0x8050] =	vst v0  }
0x5e: {  	[tilespmem:s30+$0x8060] =	vst v0  }
0x5f: {  	[tilespmem:s30+$0x8070] =	vst v0  }
0x60: {  	[tilespmem:s30+$0x8080] =	vst v0  }
0x61: {  	[tilespmem:s30+$0x8090] =	vst v0  }
0x62: {  	[tilespmem:s30+$0x80A0] =	vst v0  }
0x63: {  	[tilespmem:s30+$0x80B0] =	vst v0  }
0x64: {  	[tilespmem:s30+$0x80C0] =	vst v0  }
0x65: {  	[tilespmem:s30+$0x80D0] =	vst v0  }
0x66: {  	[tilespmem:s30+$0x80E0] =	vst v0  }
0x67: {  	[tilespmem:s30+$0x80F0] =	vst v0  }
0x68: {  	[tilespmem:s30+$0x8100] =	vst v0  }
0x69: {  	[tilespmem:s30+$0x8110] =	vst v0  }
0x6a: {  	[tilespmem:s30+$0x8120] =	vst v0  }
0x6b: {  	[tilespmem:s30+$0x8130] =	vst v0  }
0x6c: {  	[tilespmem:s30+$0x8140] =	vst v0  }
0x6d: {  	[tilespmem:s30+$0x8150] =	vst v0  }
0x6e: {  	[tilespmem:s30+$0x8160] =	vst v0  }
0x6f: {  	[tilespmem:s30+$0x8170] =	vst v0  }
0x70: {  	[tilespmem:s30+$0x8180] =	vst v0  }
0x71: {  	[tilespmem:s30+$0x8190] =	vst v0  }
0x72: {  	[tilespmem:s30+$0x81A0] =	vst v0  }
0x73: {  	[tilespmem:s30+$0x81B0] =	vst v0  }
0x74: {  	[tilespmem:s30+$0x81C0] =	vst v0  }
0x75: {  	[tilespmem:s30+$0x81D0] =	vst v0  }
0x76: {  	[tilespmem:s30+$0x81E0] =	vst v0  }
0x77: {  	[tilespmem:s30+$0x81F0] =	vst v0  }
0x78: {  	[tilespmem:s30+$0x8200] =	vst v0  }
0x79: {  	[tilespmem:s30+$0x8210] =	vst v0  }
0x7a: {  	[tilespmem:s30+$0x8220] =	vst v0  }
0x7b: {  	[spmem:s8] =	stream.linear.scatter [tilespmem:s17], [sflag:$0x7], $0x1000, $0x38;
	[tilespmem:$0x11040] =	vst v63  }
0x7c: {  	_ =	swait.ge [sflag:s18], $0x1000  }
0x7d: {  	[sflag:s18] =	ssyncset.done $0x0  }
0x7e: {  	[sflag:s18] =	ssyncadd.s32 $0xFFFFF000  }
0x7f: {  	[spmem:s12] =	stream.linear.scatter [tilespmem:s17], [sflag:$0x7], $0x1000, $0x38;
	[tilespmem:$0x11040] =	vst v63  }
0x80: {  	_ =	swait.ge [sflag:s18], $0x1000  }
0x81: {  	[sflag:s18] =	ssyncset.done $0x0  }
0x82: {  	[sflag:s18] =	ssyncadd.s32 $0xFFFFF000  }
0x83: {  	[spmem:s9] =	stream.linear.scatter [tilespmem:s17], [sflag:$0x7], $0x1000, $0x38;
	[tilespmem:$0x11040] =	vst v63  }
0x84: {  	_ =	swait.ge [sflag:s18], $0x1000  }
0x85: {  	[sflag:s18] =	ssyncset.done $0x0  }
0x86: {  	[sflag:s18] =	ssyncadd.s32 $0xFFFFF000  }
0x87: {  	[spmem:s13] =	stream.linear.scatter [tilespmem:s17], [sflag:$0x7], $0x1000, $0x38;
	[tilespmem:$0x11040] =	vst v63  }
0x88: {  	_ =	swait.ge [sflag:s18], $0x1000  }
0x89: {  	[sflag:s18] =	ssyncset.done $0x0  }
0x8a: {  	[sflag:s18] =	ssyncadd.s32 $0xFFFFF000  }
0x8b: {  	[spmem:s10] =	stream.linear.scatter [tilespmem:s17], [sflag:$0x7], $0x1000, $0x38;
	[tilespmem:$0x11040] =	vst v63  }
0x8c: {  	_ =	swait.ge [sflag:s18], $0x1000  }
0x8d: {  	[sflag:s18] =	ssyncset.done $0x0  }
0x8e: {  	[sflag:s18] =	ssyncadd.s32 $0xFFFFF000  }
0x8f: {  	[spmem:s14] =	stream.linear.scatter [tilespmem:s17], [sflag:$0x7], $0x1000, $0x38;
	[tilespmem:$0x11040] =	vst v63  }
0x90: {  	_ =	swait.ge [sflag:s18], $0x1000  }
0x91: {  	[sflag:s18] =	ssyncset.done $0x0  }
0x92: {  	[sflag:s18] =	ssyncadd.s32 $0xFFFFF000  }
0x93: {  	[spmem:s11] =	stream.linear.scatter [tilespmem:s17], [sflag:$0x7], $0x1000, $0x38;
	[tilespmem:$0x11040] =	vst v63  }
0x94: {  	_ =	swait.ge [sflag:s18], $0x1000  }
0x95: {  	[sflag:s18] =	ssyncset.done $0x0  }
0x96: {  	[sflag:s18] =	ssyncadd.s32 $0xFFFFF000  }
0x97: {  	[spmem:s15] =	stream.linear.scatter [tilespmem:s17], [sflag:$0x7], $0x1000, $0x38;
	[tilespmem:$0x11040] =	vst v63  }
0x98: {  	_ =	swait.ge [sflag:s18], $0x1000  }
0x99: {  	[sflag:s18] =	ssyncset.done $0x0  }
0x9a: {  	[sflag:s18] =	ssyncadd.s32 $0xFFFFF000  }
0x9b: {  	[bflag:$0x0] =	sbarrier.arrive $0xFFFF  }
0x9c: {  	s31 =	rddreg [dreg:$0x4]  }
0x9d: {  	[tilespmem:s1], [sflag:$0x3] =	stream.linear.gather [hbm4b:s31+s1], $0x20, $0x38;
	[tilespmem:$0x11040] =	vst v63  }
0x9e: {  	s31 =	rddreg [dreg:$0x14]  }
0x9f: {  	[tilespmem:s19], [sflag:$0x1] =	stream.linear.gather [hbm4b:s31+s1], $0x4000, $0x38;
	[tilespmem:$0x11040] =	vst v63  }
0xa0: {  	s31 =	rddreg [dreg:$0x5]  }
0xa1: {  	[tilespmem:s20], [sflag:$0x4] =	stream.linear.gather [hbm4b:s31+s1], $0x20, $0x38;
	[tilespmem:$0x11040] =	vst v63  }
0xa2: {  	s31 =	rddreg [dreg:$0x15]  }
0xa3: {  	[tilespmem:s21], [sflag:$0x2] =	stream.linear.gather [hbm4b:s31+s1], $0x4000, $0x38;
	[tilespmem:$0x11040] =	vst v63  }
0xa4: {  	_ =	swait.ge [sflag:s22], $0x20  }
0xa5: {  	[sflag:s22] =	ssyncset.done $0x0  }
0xa6: {  	[sflag:s22] =	ssyncadd.s32 $0xFFFFFFE0  }
0xa7: {  	_ =	swait.ge [sflag:s23], $0x4000  }
0xa8: {  	[sflag:s23] =	ssyncset.done $0x0  }
0xa9: {  	[sflag:s23] =	ssyncadd.s32 $0xFFFFC000  }
0xaa: {  	[spmem:s6] =	stream.indirect.scatter.add.bf16 [tilespmem:s19], [sflag:$0x5], $0x200, s1, s20, $0xb8;
	[tilespmem:$0x11040] =	vst v63  }
0xab: {  	_ =	swait.ge [sflag:s24], $0x4000  }
0xac: {  	[sflag:s24] =	ssyncset.done $0x0  }
0xad: {  	s31 =	rddreg [dreg:$0x6];
	[sflag:s24] =	ssyncadd.s32 $0xFFFFC000  }
0xae: {  	[tilespmem:s1], [sflag:$0x3] =	stream.linear.gather [hbm4b:s31+s1], $0x20, $0x38;
	[tilespmem:$0x11040] =	vst v63  }
0xaf: {  	s31 =	rddreg [dreg:$0x16]  }
0xb0: {  	[tilespmem:s19], [sflag:$0x1] =	stream.linear.gather [hbm4b:s31+s1], $0x4000, $0x38;
	[tilespmem:$0x11040] =	vst v63  }
0xb1: {  	_ =	swait.ge [sflag:s25], $0x20  }
0xb2: {  	[sflag:s25] =	ssyncset.done $0x0  }
0xb3: {  	[sflag:s25] =	ssyncadd.s32 $0xFFFFFFE0  }
0xb4: {  	_ =	swait.ge [sflag:s26], $0x4000  }
0xb5: {  	[sflag:s26] =	ssyncset.done $0x0  }
0xb6: {  	[sflag:s26] =	ssyncadd.s32 $0xFFFFC000  }
0xb7: {  	[spmem:s6] =	stream.indirect.scatter.add.bf16 [tilespmem:s21], [sflag:$0x6], $0x200, s20, s20, $0xb8;
	[tilespmem:$0x11040] =	vst v63  }
0xb8: {  	_ =	swait.ge [sflag:s28], $0x4000  }
0xb9: {  	[sflag:s28] =	ssyncset.done $0x0  }
0xba: {  	s31 =	rddreg [dreg:$0x7];
	[sflag:s28] =	ssyncadd.s32 $0xFFFFC000  }
0xbb: {  	[tilespmem:s20], [sflag:$0x4] =	stream.linear.gather [hbm4b:s31+s1], $0x20, $0x38;
	[tilespmem:$0x11040] =	vst v63  }
0xbc: {  	s31 =	rddreg [dreg:$0x17]  }
0xbd: {  	[tilespmem:s21], [sflag:$0x2] =	stream.linear.gather [hbm4b:s31+s1], $0x4000, $0x38;
	[tilespmem:$0x11040] =	vst v63  }
0xbe: {  	_ =	swait.ge [sflag:s22], $0x20  }
0xbf: {  	[sflag:s22] =	ssyncset.done $0x0  }
0xc0: {  	[sflag:s22] =	ssyncadd.s32 $0xFFFFFFE0  }
0xc1: {  	_ =	swait.ge [sflag:s23], $0x4000  }
0xc2: {  	[sflag:s23] =	ssyncset.done $0x0  }
0xc3: {  	[sflag:s23] =	ssyncadd.s32 $0xFFFFC000  }
0xc4: {  	[spmem:s6] =	stream.indirect.scatter.add.bf16 [tilespmem:s19], [sflag:$0x5], $0x200, s1, s20, $0xb8;
	[tilespmem:$0x11040] =	vst v63  }
0xc5: {  	_ =	swait.ge [sflag:s24], $0x4000  }
0xc6: {  	[sflag:s24] =	ssyncset.done $0x0  }
0xc7: {  	s31 =	rddreg [dreg:$0x8];
	[sflag:s24] =	ssyncadd.s32 $0xFFFFC000  }
0xc8: {  	[tilespmem:s1], [sflag:$0x3] =	stream.linear.gather [hbm4b:s31+s1], $0x20, $0x38;
	[tilespmem:$0x11040] =	vst v63  }
0xc9: {  	s31 =	rddreg [dreg:$0x18]  }
0xca: {  	[tilespmem:s19], [sflag:$0x1] =	stream.linear.gather [hbm4b:s31+s1], $0x4000, $0x38;
	[tilespmem:$0x11040] =	vst v63  }
0xcb: {  	_ =	swait.ge [sflag:s25], $0x20  }
0xcc: {  	[sflag:s25] =	ssyncset.done $0x0  }
0xcd: {  	[sflag:s25] =	ssyncadd.s32 $0xFFFFFFE0  }
0xce: {  	_ =	swait.ge [sflag:s26], $0x4000  }
0xcf: {  	[sflag:s26] =	ssyncset.done $0x0  }
0xd0: {  	[sflag:s26] =	ssyncadd.s32 $0xFFFFC000  }
0xd1: {  	[spmem:s6] =	stream.indirect.scatter.add.bf16 [tilespmem:s21], [sflag:$0x6], $0x200, s20, s20, $0xb8;
	[tilespmem:$0x11040] =	vst v63  }
0xd2: {  	_ =	swait.ge [sflag:s28], $0x4000  }
0xd3: {  	[sflag:s28] =	ssyncset.done $0x0  }
0xd4: {  	s31 =	rddreg [dreg:$0x9];
	[sflag:s28] =	ssyncadd.s32 $0xFFFFC000  }
0xd5: {  	[tilespmem:s20], [sflag:$0x4] =	stream.linear.gather [hbm4b:s31+s1], $0x20, $0x38;
	[tilespmem:$0x11040] =	vst v63  }
0xd6: {  	s31 =	rddreg [dreg:$0x19]  }
0xd7: {  	[tilespmem:s21], [sflag:$0x2] =	stream.linear.gather [hbm4b:s31+s1], $0x4000, $0x38;
	[tilespmem:$0x11040] =	vst v63  }
0xd8: {  	_ =	swait.ge [sflag:s22], $0x20  }
0xd9: {  	[sflag:s22] =	ssyncset.done $0x0  }
0xda: {  	[sflag:s22] =	ssyncadd.s32 $0xFFFFFFE0  }
0xdb: {  	_ =	swait.ge [sflag:s23], $0x4000  }
0xdc: {  	[sflag:s23] =	ssyncset.done $0x0  }
0xdd: {  	[sflag:s23] =	ssyncadd.s32 $0xFFFFC000  }
0xde: {  	[spmem:s6] =	stream.indirect.scatter.add.bf16 [tilespmem:s19], [sflag:$0x5], $0x200, s1, s20, $0xb8;
	[tilespmem:$0x11040] =	vst v63  }
0xdf: {  	_ =	swait.ge [sflag:s24], $0x4000  }
0xe0: {  	[sflag:s24] =	ssyncset.done $0x0  }
0xe1: {  	s31 =	rddreg [dreg:$0xa];
	[sflag:s24] =	ssyncadd.s32 $0xFFFFC000  }
0xe2: {  	[tilespmem:s1], [sflag:$0x3] =	stream.linear.gather [hbm4b:s31+s1], $0x20, $0x38;
	[tilespmem:$0x11040] =	vst v63  }
0xe3: {  	s31 =	rddreg [dreg:$0x1a]  }
0xe4: {  	[tilespmem:s19], [sflag:$0x1] =	stream.linear.gather [hbm4b:s31+s1], $0x4000, $0x38;
	[tilespmem:$0x11040] =	vst v63  }
0xe5: {  	_ =	swait.ge [sflag:s25], $0x20  }
0xe6: {  	[sflag:s25] =	ssyncset.done $0x0  }
0xe7: {  	[sflag:s25] =	ssyncadd.s32 $0xFFFFFFE0  }
0xe8: {  	_ =	swait.ge [sflag:s26], $0x4000  }
0xe9: {  	[sflag:s26] =	ssyncset.done $0x0  }
0xea: {  	[sflag:s26] =	ssyncadd.s32 $0xFFFFC000  }
0xeb: {  	[spmem:s6] =	stream.indirect.scatter.add.bf16 [tilespmem:s21], [sflag:$0x6], $0x200, s20, s20, $0xb8;
	[tilespmem:$0x11040] =	vst v63  }
0xec: {  	_ =	swait.ge [sflag:s28], $0x4000  }
0xed: {  	[sflag:s28] =	ssyncset.done $0x0  }
0xee: {  	s31 =	rddreg [dreg:$0xb];
	[sflag:s28] =	ssyncadd.s32 $0xFFFFC000  }
0xef: {  	[tilespmem:s20], [sflag:$0x4] =	stream.linear.gather [hbm4b:s31+s1], $0x20, $0x38;
	[tilespmem:$0x11040] =	vst v63  }
0xf0: {  	s31 =	rddreg [dreg:$0x1b]  }
0xf1: {  	[tilespmem:s21], [sflag:$0x2] =	stream.linear.gather [hbm4b:s31+s1], $0x4000, $0x38;
	[tilespmem:$0x11040] =	vst v63  }
0xf2: {  	_ =	swait.ge [sflag:s22], $0x20  }
0xf3: {  	[sflag:s22] =	ssyncset.done $0x0  }
0xf4: {  	[sflag:s22] =	ssyncadd.s32 $0xFFFFFFE0  }
0xf5: {  	_ =	swait.ge [sflag:s23], $0x4000  }
0xf6: {  	[sflag:s23] =	ssyncset.done $0x0  }
0xf7: {  	[sflag:s23] =	ssyncadd.s32 $0xFFFFC000  }
0xf8: {  	[spmem:s6] =	stream.indirect.scatter.add.bf16 [tilespmem:s19], [sflag:$0x5], $0x200, s1, s20, $0xb8;
	[tilespmem:$0x11040] =	vst v63  }
0xf9: {  	_ =	swait.ge [sflag:s24], $0x4000  }
0xfa: {  	[sflag:s24] =	ssyncset.done $0x0  }
0xfb: {  	s31 =	rddreg [dreg:$0xc];
	[sflag:s24] =	ssyncadd.s32 $0xFFFFC000  }
0xfc: {  	[tilespmem:s1], [sflag:$0x3] =	stream.linear.gather [hbm4b:s31+s1], $0x20, $0x38;
	[tilespmem:$0x11040] =	vst v63  }
0xfd: {  	s31 =	rddreg [dreg:$0x1c]  }
0xfe: {  	[tilespmem:s19], [sflag:$0x1] =	stream.linear.gather [hbm4b:s31+s1], $0x4000, $0x38;
	[tilespmem:$0x11040] =	vst v63  }
0xff: {  	_ =	swait.ge [sflag:s25], $0x20  }
0x100: {  	[sflag:s25] =	ssyncset.done $0x0  }
0x101: {  	[sflag:s25] =	ssyncadd.s32 $0xFFFFFFE0  }
0x102: {  	_ =	swait.ge [sflag:s26], $0x4000  }
0x103: {  	[sflag:s26] =	ssyncset.done $0x0  }
0x104: {  	[sflag:s26] =	ssyncadd.s32 $0xFFFFC000  }
0x105: {  	[spmem:s6] =	stream.indirect.scatter.add.bf16 [tilespmem:s21], [sflag:$0x6], $0x200, s20, s20, $0xb8;
	[tilespmem:$0x11040] =	vst v63  }
0x106: {  	_ =	swait.ge [sflag:s28], $0x4000  }
0x107: {  	[sflag:s28] =	ssyncset.done $0x0  }
0x108: {  	s31 =	rddreg [dreg:$0xd];
	[sflag:s28] =	ssyncadd.s32 $0xFFFFC000  }
0x109: {  	[tilespmem:s20], [sflag:$0x4] =	stream.linear.gather [hbm4b:s31+s1], $0x20, $0x38;
	[tilespmem:$0x11040] =	vst v63  }
0x10a: {  	s31 =	rddreg [dreg:$0x1d]  }
0x10b: {  	[tilespmem:s21], [sflag:$0x2] =	stream.linear.gather [hbm4b:s31+s1], $0x4000, $0x38;
	[tilespmem:$0x11040] =	vst v63  }
0x10c: {  	_ =	swait.ge [sflag:s22], $0x20  }
0x10d: {  	[sflag:s22] =	ssyncset.done $0x0  }
0x10e: {  	[sflag:s22] =	ssyncadd.s32 $0xFFFFFFE0  }
0x10f: {  	_ =	swait.ge [sflag:s23], $0x4000  }
0x110: {  	[sflag:s23] =	ssyncset.done $0x0  }
0x111: {  	[sflag:s23] =	ssyncadd.s32 $0xFFFFC000  }
0x112: {  	[spmem:s6] =	stream.indirect.scatter.add.bf16 [tilespmem:s19], [sflag:$0x5], $0x200, s1, s20, $0xb8;
	[tilespmem:$0x11040] =	vst v63  }
0x113: {  	_ =	swait.ge [sflag:s24], $0x4000  }
0x114: {  	[sflag:s24] =	ssyncset.done $0x0  }
0x115: {  	s31 =	rddreg [dreg:$0xe];
	[sflag:s24] =	ssyncadd.s32 $0xFFFFC000  }
0x116: {  	[tilespmem:s1], [sflag:$0x3] =	stream.linear.gather [hbm4b:s31+s1], $0x20, $0x38;
	[tilespmem:$0x11040] =	vst v63  }
0x117: {  	s31 =	rddreg [dreg:$0x1e]  }
0x118: {  	[tilespmem:s19], [sflag:$0x1] =	stream.linear.gather [hbm4b:s31+s1], $0x4000, $0x38;
	[tilespmem:$0x11040] =	vst v63  }
0x119: {  	_ =	swait.ge [sflag:s25], $0x20  }
0x11a: {  	[sflag:s25] =	ssyncset.done $0x0  }
0x11b: {  	[sflag:s25] =	ssyncadd.s32 $0xFFFFFFE0  }
0x11c: {  	_ =	swait.ge [sflag:s26], $0x4000  }
0x11d: {  	[sflag:s26] =	ssyncset.done $0x0  }
0x11e: {  	[sflag:s26] =	ssyncadd.s32 $0xFFFFC000  }
0x11f: {  	[spmem:s6] =	stream.indirect.scatter.add.bf16 [tilespmem:s21], [sflag:$0x6], $0x200, s20, s20, $0xb8;
	[tilespmem:$0x11040] =	vst v63  }
0x120: {  	_ =	swait.ge [sflag:s28], $0x4000  }
0x121: {  	[sflag:s28] =	ssyncset.done $0x0  }
0x122: {  	s31 =	rddreg [dreg:$0xf];
	[sflag:s28] =	ssyncadd.s32 $0xFFFFC000  }
0x123: {  	[tilespmem:s20], [sflag:$0x4] =	stream.linear.gather [hbm4b:s31+s1], $0x20, $0x38;
	[tilespmem:$0x11040] =	vst v63  }
0x124: {  	s31 =	rddreg [dreg:$0x1f]  }
0x125: {  	[tilespmem:s21], [sflag:$0x2] =	stream.linear.gather [hbm4b:s31+s1], $0x4000, $0x38;
	[tilespmem:$0x11040] =	vst v63  }
0x126: {  	_ =	swait.ge [sflag:s22], $0x20  }
0x127: {  	[sflag:s22] =	ssyncset.done $0x0  }
0x128: {  	[sflag:s22] =	ssyncadd.s32 $0xFFFFFFE0  }
0x129: {  	_ =	swait.ge [sflag:s23], $0x4000  }
0x12a: {  	[sflag:s23] =	ssyncset.done $0x0  }
0x12b: {  	[sflag:s23] =	ssyncadd.s32 $0xFFFFC000  }
0x12c: {  	[spmem:s6] =	stream.indirect.scatter.add.bf16 [tilespmem:s19], [sflag:$0x5], $0x200, s1, s20, $0xb8;
	[tilespmem:$0x11040] =	vst v63  }
0x12d: {  	_ =	swait.ge [sflag:s24], $0x4000  }
0x12e: {  	[sflag:s24] =	ssyncset.done $0x0  }
0x12f: {  	s31 =	rddreg [dreg:$0x10];
	[sflag:s24] =	ssyncadd.s32 $0xFFFFC000  }
0x130: {  	[tilespmem:s1], [sflag:$0x3] =	stream.linear.gather [hbm4b:s31+s1], $0x20, $0x38;
	[tilespmem:$0x11040] =	vst v63  }
0x131: {  	s31 =	sld [smem:$0x7FC];
	_ =	sdelay $0x2  }
0x132: {  	[tilespmem:s19], [sflag:$0x1] =	stream.linear.gather [hbm4b:s31+s1], $0x4000, $0x38;
	[tilespmem:$0x11040] =	vst v63  }
0x133: {  	_ =	swait.ge [sflag:s25], $0x20  }
0x134: {  	[sflag:s25] =	ssyncset.done $0x0  }
0x135: {  	[sflag:s25] =	ssyncadd.s32 $0xFFFFFFE0  }
0x136: {  	_ =	swait.ge [sflag:s26], $0x4000  }
0x137: {  	[sflag:s26] =	ssyncset.done $0x0  }
0x138: {  	[sflag:s26] =	ssyncadd.s32 $0xFFFFC000  }
0x139: {  	[spmem:s6] =	stream.indirect.scatter.add.bf16 [tilespmem:s21], [sflag:$0x6], $0x200, s20, s20, $0xb8;
	[tilespmem:$0x11040] =	vst v63  }
0x13a: {  	_ =	swait.ge [sflag:s28], $0x4000  }
0x13b: {  	[sflag:s28] =	ssyncset.done $0x0  }
0x13c: {  	s31 =	rddreg [dreg:$0x11];
	[sflag:s28] =	ssyncadd.s32 $0xFFFFC000  }
0x13d: {  	[tilespmem:s20], [sflag:$0x4] =	stream.linear.gather [hbm4b:s31+s1], $0x20, $0x38;
	[tilespmem:$0x11040] =	vst v63  }
0x13e: {  	s31 =	sld [smem:$0x7FD];
	_ =	sdelay $0x2  }
0x13f: {  	[tilespmem:s21], [sflag:$0x2] =	stream.linear.gather [hbm4b:s31+s1], $0x4000, $0x38;
	[tilespmem:$0x11040] =	vst v63  }
0x140: {  	_ =	swait.ge [sflag:s22], $0x20  }
0x141: {  	[sflag:s22] =	ssyncset.done $0x0  }
0x142: {  	[sflag:s22] =	ssyncadd.s32 $0xFFFFFFE0  }
0x143: {  	_ =	swait.ge [sflag:s23], $0x4000  }
0x144: {  	[sflag:s23] =	ssyncset.done $0x0  }
0x145: {  	[sflag:s23] =	ssyncadd.s32 $0xFFFFC000  }
0x146: {  	[spmem:s6] =	stream.indirect.scatter.add.bf16 [tilespmem:s19], [sflag:$0x5], $0x200, s1, s20, $0xb8;
	[tilespmem:$0x11040] =	vst v63  }
0x147: {  	_ =	swait.ge [sflag:s24], $0x4000  }
0x148: {  	[sflag:s24] =	ssyncset.done $0x0  }
0x149: {  	s31 =	rddreg [dreg:$0x12];
	[sflag:s24] =	ssyncadd.s32 $0xFFFFC000  }
0x14a: {  	[tilespmem:s1], [sflag:$0x3] =	stream.linear.gather [hbm4b:s31+s1], $0x20, $0x38;
	[tilespmem:$0x11040] =	vst v63  }
0x14b: {  	_ = 	snop  }
0x14c: {  	[tilespmem:s19], [sflag:$0x1] =	stream.linear.gather [hbm4b:s0+s1], $0x4000, $0x38;
	[tilespmem:$0x11040] =	vst v63  }
0x14d: {  	_ =	swait.ge [sflag:s25], $0x20  }
0x14e: {  	[sflag:s25] =	ssyncset.done $0x0  }
0x14f: {  	[sflag:s25] =	ssyncadd.s32 $0xFFFFFFE0  }
0x150: {  	_ =	swait.ge [sflag:s26], $0x4000  }
0x151: {  	[sflag:s26] =	ssyncset.done $0x0  }
0x152: {  	[sflag:s26] =	ssyncadd.s32 $0xFFFFC000  }
0x153: {  	[spmem:s6] =	stream.indirect.scatter.add.bf16 [tilespmem:s21], [sflag:$0x6], $0x200, s20, s20, $0xb8;
	[tilespmem:$0x11040] =	vst v63  }
0x154: {  	_ =	swait.ge [sflag:s28], $0x4000  }
0x155: {  	[sflag:s28] =	ssyncset.done $0x0  }
0x156: {  	s31 =	rddreg [dreg:$0x13];
	[sflag:s28] =	ssyncadd.s32 $0xFFFFC000  }
0x157: {  	[tilespmem:s20], [sflag:$0x4] =	stream.linear.gather [hbm4b:s31+s1], $0x20, $0x38;
	[tilespmem:$0x11040] =	vst v63  }
0x158: {  	_ = 	snop  }
0x159: {  	[tilespmem:s21], [sflag:$0x2] =	stream.linear.gather [hbm4b:s2+s1], $0x4000, $0x38;
	[tilespmem:$0x11040] =	vst v63  }
0x15a: {  	_ =	swait.ge [sflag:s22], $0x20  }
0x15b: {  	[sflag:s22] =	ssyncset.done $0x0  }
0x15c: {  	[sflag:s22] =	ssyncadd.s32 $0xFFFFFFE0  }
0x15d: {  	_ =	swait.ge [sflag:s23], $0x4000  }
0x15e: {  	[sflag:s23] =	ssyncset.done $0x0  }
0x15f: {  	[sflag:s23] =	ssyncadd.s32 $0xFFFFC000  }
0x160: {  	[spmem:s6] =	stream.indirect.scatter.add.bf16 [tilespmem:s19], [sflag:$0x5], $0x200, s1, s20, $0xb8;
	[tilespmem:$0x11040] =	vst v63  }
0x161: {  	_ =	swait.ge [sflag:s25], $0x20  }
0x162: {  	[sflag:s25] =	ssyncset.done $0x0  }
0x163: {  	[sflag:s25] =	ssyncadd.s32 $0xFFFFFFE0  }
0x164: {  	_ =	swait.ge [sflag:s26], $0x4000  }
0x165: {  	[sflag:s26] =	ssyncset.done $0x0  }
0x166: {  	[sflag:s26] =	ssyncadd.s32 $0xFFFFC000  }
0x167: {  	[spmem:s6] =	stream.indirect.scatter.add.bf16 [tilespmem:s21], [sflag:$0x6], $0x200, s20, s20, $0xb8;
	[tilespmem:$0x11040] =	vst v63  }
0x168: {  	_ =	swait.ge [sflag:s28], $0x4000  }
0x169: {  	[sflag:s28] =	ssyncset.done $0x0  }
0x16a: {  	[sflag:s28] =	ssyncadd.s32 $0xFFFFC000  }
0x16b: {  	_ =	swait.ge [sflag:s24], $0x4000  }
0x16c: {  	s31 =	stileid.u32;
	[sflag:s24] =	ssyncset.done $0x0  }
0x16d: {  	s30 =	sshll.u32 s31, $0x6;
	[sflag:s24] =	ssyncadd.s32 $0xFFFFC000  }
0x16e: {  	s31 =	sshrl.u32 s8, $0x3;
	s30 =	sor.u32 $0x1C07, s30;
	[bflag:$0x0] =	sbarrier.arrive $0xFFFF  }
0x16f: {  	[hbm:s3], [sflag:s30] =	dma.local [spmem:s31], $0x400  }
0x170: {  	_ =	swait.ge [sflag:s18], $0x400  }
0x171: {  	[sflag:s18] =	ssyncset.done $0x0  }
0x172: {  	s31 =	sshrl.u32 s9, $0x3;
	[sflag:s18] =	ssyncadd.s32 $0xFFFFFC00  }
0x173: {  	[hbm:s4], [sflag:s30] =	dma.local [spmem:s31], $0x400  }
0x174: {  	_ =	swait.ge [sflag:s18], $0x400  }
0x175: {  	[sflag:s18] =	ssyncset.done $0x0  }
0x176: {  	s31 =	sshrl.u32 s10, $0x3;
	[sflag:s18] =	ssyncadd.s32 $0xFFFFFC00  }
0x177: {  	[hbm:s5], [sflag:s30] =	dma.local [spmem:s31], $0x400  }
0x178: {  	s29 =	sadd.s32 $0x1, s29;
	_ =	swait.ge [sflag:s18], $0x400  }
0x179: {  	p0 =	sne.s32 s29, s16;
	[sflag:s18] =	ssyncset.done $0x0  }
.Ltmp1:
0x17a: {  	s31 =	sshrl.u32 s11, $0x3;
	[sflag:s18] =	ssyncadd.s32 $0xFFFFFC00;
	(pc) =	sbr.rel @p0 .LBB2_1-.Ltmp1, $4  }
0x17b: {  	[hbm:s7], [sflag:s30] =	dma.local [spmem:s31], $0x400  }
0x17c: {  	_ =	swait.ge [sflag:s18], $0x400  }
0x17d: {  	[sflag:s18] =	ssyncset.done $0x0  }
0x17e: {  	[sflag:s18] =	ssyncadd.s32 $0xFFFFFC00  }
0x17f: {  	_ =	sfence.sel $0x180000  }
0x180: {  	[bflag:$0x0] =	sbarrier.arrive $0xFFFF  }
0x181: {  	_ =	strace $0x9000004A  }
0x182: {  	s0 =	stileid.u32;
	[bflag:$0x2] =	sbarrier.arrive $0xFFFF  }
0x183: {  	p0 =	sne.s32 s0, $0x0;
	s0 =	rddreg [dreg:$0x3]  }
0x184: {  	s0 =	sadd.s32 @!p0 $0x100000, s0  }
0x185: {  	[sflag:s0] =	ssyncadd.tile.s32 @!p0 $0x1;
	_ =	shalt  }
.Lfunc_end2:
_tile_overlayer_lowered:
.L_overlay_start_2:
0x186: {  	(tag) =	ssettag $0x2  }
0x187: {  	s0 =	rddreg [dreg:$0x0];
	s2 =	stileid.u32  }
0x188: {  	s1 =	rddreg [dreg:$0x1];
	p0 =	sne.s32 s2, $0x0  }
0x189: {  	s3 =	rddreg [dreg:$0x2];
	[bflag:$0x3] =	sbarrier.arrive $0xFFFF;
	s2 =	simm.s32 @!p0 $0x1C07  }
0x18a: {  	[timem:s3], [sflag:s2] =	dma.local @!p0 [hbm:s0], s1  }
0x18b: {  	s0 =	simm.s32 @!p0 $0x7  }
0x18c: {  	_ =	swait.ge @!p0 [sflag:s0], s1  }
0x18d: {  	s1 =	ssub.s32 @!p0 $0x0, s1;
	[sflag:s0] =	ssyncset.done @!p0 $0x0  }
0x18e: {  	[sflag:s0] =	ssyncadd.s32 @!p0 s1  }
0x18f: {  	[bflag:$0x3] =	sbarrier.arrive $0xFFFF  }
0x190: {  	_ =	shalt  }

// kernel: sparse-core-data-format-call.cloned.1.call-start
scs
called_computation_lowered:
.L_overlay_start_0:
0x0: {  	s1 =	sld [smem:$0x3FD9]  }
0x1: {  	s2 =	sld [smem:$0x3FFE];
	_ =	sdelay $0x1  }
0x2: {  	s3 =	srdreg.scid  }
0x3: {  	s0 =	sand.u32 $0x1, s3  }
0x4: {  	s17 =	sshll.u32 s0, $0xA;
	s1 =	sadd.s32 s2, s1  }
0x5: {  	s1 =	sadd.s32 s1, s17  }
0x6: {  	[smem:$0x3FC5] =	sst s1  }
0x7: {  	_ = 	snop  }
0x8: {  	(tm) =	ssettm $0x1  }
0x9: {  	s18 =	sld [smem:$0x3FFB];
	_ =	sdelay $0x3  }
0xa: {  	_ =	strace s18  }
0xb: {  	s1 =	sld [smem:$0x3FFC];
	_ =	sdelay $0x3  }
0xc: {  	_ =	strace s1  }
0xd: {  	s1 =	sld [smem:$0x3FFD];
	_ =	sdelay $0x3  }
0xe: {  	_ =	strace s1  }
0xf: {  	_ =	strace $0x8FFFFFFF  }
0x10: {  	s19 =	sld [smem:$0x3FDB];
	_ =	sdelay $0x1  }
0x11: {  	s20 =	simm.s32 $_scs_section_size  }
0x12: {  	s4 =	simm.s32 $_size__tile_overlayer_lowered;
	s5 =	simm.s32 $_tile_overlayer_lowered  }
0x13: {  	s23 =	simm.s32 $0x1BFF;
	s22 =	sshll.u32 s5, $0x1;
	s1 =	sadd.s32 s20, s19  }
0x14: {  	s6 =	simm.s32 $0x0;
	s21 =	sshll.u32 s4, $0x1;
	s4 =	sadd.s32 s22, s1  }
0x15: {  	[timem:s6], [sflag:s23] =	dma.local [hbm:s4], s21  }
0x16: {  	_ =	swait.ge [sflag:s23], s21  }
0x17: {  	s2 =	ssub.s32 $0x0, s21;
	[sflag:s23] =	ssyncset.done $0x0  }
0x18: {  	[sflag:s23] =	ssyncadd.s32 s2;
	_ =	sdelay $0x1  }
0x19: {  	s24 =	simm.s32 $0x1B8B  }
0x1a: {  	_ =	swait.ge [sflag:s24], $0x1  }
0x1b: {  	[sflag:s24] =	ssyncset.done $0x0  }
0x1c: {  	s26 =	simm.s32 $0x1B8E;
	s25 =	sld [smem:$0x3FFE];
	[sflag:s24] =	ssyncadd.s32 $0xFFFFFFFF  }
0x1d: {  	s27 =	simm.s32 $execute0_lowered;
	[smem:$0x3FD2] =	sst s26  }
0x1e: {  	s4 =	sshll.u32 s27, $0x1;
	_ =	strace $0x80000046;
	[dreg:$0x1] =	wrdreg $0xFFFFFFFF  }
0x1f: {  	s28 =	simm.s32 $_size_execute0_lowered;
	s1 =	sadd.s32 s1, s4;
	[dreg:$0x0] =	wrdreg $0x0  }
0x20: {  	s4 =	sshll.u32 s28, $0x1;
	[dreg:$0x2] =	wrdreg s1  }
0x21: {  	[dreg:$0x3] =	wrdreg s4  }
0x22: {  	[dreg:$0x4] =	wrdreg $0xC0  }
0x23: {  	_ =	task [dreg:s6], $0x5FFFF  }
0x24: {  	[dreg:$0x1] =	wrdreg $0xFFFFFFFF  }
0x25: {  	[dreg:$0x0] =	wrdreg $0x60  }
0x26: {  	[dreg:$0x2] =	wrdreg s25  }
0x27: {  	[dreg:$0x3] =	wrdreg $0x9  }
0x28: {  	_ =	task.clear_ibuf [dreg:s6], $0x4FFFF;
	_ =	strace $0x90000046  }
0x29: {  	s29 =	simm.s32 $0x9;
	_ =	strace $0x80000048  }
0x2a: {  	_ =	swait.ge [sflag:s29], $0x1  }
0x2b: {  	[sflag:s29] =	ssyncadd.s32 $0xFFFFFFFF  }
0x2c: {  	_ =	strace $0x90000048  }
0x2d: {  	_ =	sfence  }
0x2e: {  	s30 =	sld [smem:$0x0];
	_ =	sdelay $0x2  }
0x2f: {  	s31 =	sshll.u32 s3, $0xD;
	s3 =	sshrl.u32 s3, $0x2  }
0x30: {  	s2 =	sand.u32 $0x4000, s31;
	s1 =	sadd.s32 s3, s30  }
0x31: {  	s0 =	sor.u32 s2, s0;
	s1 =	sshll.u32 s1, $0x11  }
0x32: {  	s0 =	sor.u32 s1, s0  }
0x33: {  	s0 =	sadd.s32 $0x8F2B, s0  }
0x34: {  	[sflag:s0] =	ssyncadd.remote.s32 $0x1  }
0x35: {  	_ =	sfence.sel $0xFFFF  }
0x36: {  	[dreg:$0x0] =	wrdreg $0xFFFFFFFF;
	(pc) =	sbr.abs _section_cstart, $3  }
0x37: {  	[dreg:$0x1] =	wrdreg $0xFFFFFFFF  }
0x38: {  	_ =	task.clear_ibuf [dreg:s6], $0x2FFFF;
	_ =	strace $0x9FFFFFFF  }
0x39: {  	(tm) =	ssettm $0x7FFFFFFF  }
tec
execute0_lowered:
.L_overlay_start_1:
0x0: {  	(tag) =	ssettag $0x1  }
0x1: {  	s0 =	srdreg.scid  }
0x2: {  	s1 =	sshll.u32 s0, $0x4  }
0x3: {  	s4 =	rddreg [dreg:$0x0];
	s0 =	stileid.u32;
	s1 =	sand.u32 $0x10, s1  }
0x4: {  	s7 =	simm.s32 $0x1;
	s8 =	simm.s32 $0x2;
	s2 =	sor.u32 s0, s1  }
0x5: {  	s9 =	simm.s32 $0x0;
	s12 =	simm.s32 $0x0;
	s2 =	sshll.u32 s2, $0x4  }
0x6: {  	s11 =	simm.s32 $0x0;
	s3 =	sadd.s32 $0x200E00, s4;
	s6 =	ssub.s32 $0x2000, s2  }
.Ltmp0:
0x7: {  	s4 =	sadd.s32 $0x100E00, s4;
	s5 =	sand.u32 $0x1F0, s6;
	(pc) =	sbr.rel .LBB1_1-.Ltmp0, $4  }
0x8: {  	s1 =	rddreg [dreg:$0x1];
	_ =	strace $0x80000047;
	p0 =	sne.s32 s5, $0x0  }
0x9: {  	s6 =	sshrl.u32 s6, $0x9;
	s5 =	simm.s32 $0x1;
	s7 =	simm.s32 @!p0 $0x0  }
0xa: {  	s10 =	smov.u32 s2;
	[sflag:s5] =	ssyncpa.u1 $0x0;
	s6 =	sadd.s32 s7, s6  }
0xb: {  	[sflag:s8] =	ssyncpa.u1 $0x0;
	s8 =	simm.s32 $0x0;
	s7 =	sadd.s32 $0x1, s6  }
.LBB1_7:
0xc: {  	s14 =	sadd.s32 $0x200, s10  }
0xd: {  	p1 =	sgt.s32 s14, $0x1FFF  }
0xe: {  	s14 =	smov.u32 @p1 s2;
	p1 =	sne.s32 s11, s7  }
.Ltmp1:
0xf: {  	p0 =	slt.u32 s11, $0x2;
	(pc) =	sbr.rel @!p1 .LBB1_8-.Ltmp1, $4  }
0x10: {  	s13 =	simm.s32 @!p0 $0x2  }
0x11: {  	s15 =	sadd.s32 $0x1, s11;
	_ =	swait.ge @!p0 [sflag:s13], $0x4000  }
0x12: {  	s12 =	smov.u32 s10;
	s9 =	sadd.s32 $0x8000, s9;
	[sflag:s13] =	ssyncset.done @!p0 $0x0  }
0x13: {  	s11 =	smov.u32 s15;
	s10 =	smov.u32 s14;
	[sflag:s13] =	ssyncadd.s32 @!p0 $0xFFFFC000  }
.LBB1_1:
0x14: {  	p0 =	sge.u32 s11, s6  }
0x15: {  	s13 =	sxor.u32 @!p0 $0xFFFFFFFF, s11  }
0x16: {  	s31 =	sadd.s32 $0xFFFFFFFF, s11;
	s14 =	sshll.u32 @!p0 s10, $0x7;
	s13 =	sshll.u32 @!p0 s13, $0xE  }
0x17: {  	s15 =	simm.s32 @!p0 $0x0;
	s14 =	sadd.s32 @!p0 s3, s14;
	s13 =	sand.u32 @!p0 $0x4000, s13  }
0x18: {  	[tilespmem:s13], [sflag:$0x1] =	stream.linear.gather @!p0 [hbm4b:s14+s15], $0x4000, $0x38;
	[tilespmem:$0x10000] =	vst v63  }
0x19: {  	p0 =	sge.u32 s31, s6  }
.Ltmp2:
0x1a: {  	_ = 	snop;
	(pc) =	sbr.rel @p0 .LBB1_7-.Ltmp2, $1  }
0x1b: {  	_ =	sdelay $0x3  }
0x1c: {  	s13 =	sshrl.u32 s9, $0x1;
	_ =	swait.ge [sflag:s5], $0x4000  }
0x1d: {  	s15 =	sshll.u32 s11, $0xE;
	s16 =	simm.s32 $0x0;
	s14 =	sand.u32 $0x4000, s13  }
0x1e: {  	[sflag:s5] =	ssyncset.done $0x0;
	s15 =	sand.u32 $0x4000, s15;
	s13 =	sor.u32 $0x200, s14  }
0x1f: {  	s14 =	sor.u32 $0x8080, s14;
	[sflag:s5] =	ssyncadd.s32 $0xFFFFC000;
	s15 =	sor.u32 $0x8000, s15  }
.LBB1_3:
0x20: {  	v0 =	vld [tilespmem:s13+$0xFFFFFE70]  }
0x21: {  	v1 =	vld [tilespmem:s13+$0x70]  }
0x22: {  	v2 =	vld [tilespmem:s13+$0x0]  }
0x23: {  	v3 =	vld [tilespmem:s13+$0xFFFFFE10]  }
0x24: {  	v4 =	vld [tilespmem:s13+$0x10]  }
0x25: {  	v5 =	vld [tilespmem:s13+$0xFFFFFE20]  }
0x26: {  	v7 =	vld [tilespmem:s13+$0x20]  }
0x27: {  	v11 =	vld [tilespmem:s13+$0x30];
	v6 =	vunpack.i.l.s16.s32 v0;
	v8 =	vunpack.i.u.s16.s32 v0;
	v9 =	vunpack.i.u.s16.s32 v1  }
0x28: {  	v10 =	vunpack.i.l.s16.s32 v1;
	v0 =	vunpack.i.u.s16.s32 v2;
	v1 =	vunpack.i.l.s16.s32 v2;
	v2 =	vld [tilespmem:s13+$0xFFFFFE30]  }
0x29: {  	v8 =	vpack.i.b32.b16 v9, v8;
	v9 =	vunpack.i.u.s16.s32 v3;
	v3 =	vunpack.i.l.s16.s32 v3  }
0x2a: {  	v12 =	vld [tilespmem:s13+$0xFFFFFE40];
	v6 =	vpack.i.b32.b16 v10, v6;
	[tilespmem:s14+$0x70] =	vst v8;
	v8 =	vunpack.i.u.s16.s32 v4;
	v4 =	vunpack.i.l.s16.s32 v4  }
0x2b: {  	v13 =	vld [tilespmem:s13+$0x40];
	v10 =	vunpack.i.u.s16.s32 v5;
	v5 =	vunpack.i.l.s16.s32 v5;
	[tilespmem:s14+$0xFFFFFFF0] =	vst v6;
	v3 =	vpack.i.b32.b16 v4, v3  }
0x2c: {  	v6 =	vunpack.i.l.s16.s32 v7;
	v4 =	vld [tilespmem:s13+$0xFFFFFE50];
	[tilespmem:s14+$0xFFFFFF90] =	vst v3;
	v3 =	vpack.i.b32.b16 v8, v9;
	v8 =	vunpack.i.u.s16.s32 v7  }
0x2d: {  	v7 =	vunpack.i.l.s16.s32 v11;
	[tilespmem:s14+$0x10] =	vst v3;
	v3 =	vpack.i.b32.b16 v6, v5;
	v9 =	vunpack.i.u.s16.s32 v2;
	v6 =	vld [tilespmem:s13+$0x50]  }
0x2e: {  	v5 =	vunpack.i.l.s16.s32 v2;
	v2 =	vld [tilespmem:s13+$0xFFFFFE60];
	[tilespmem:s14+$0xFFFFFFA0] =	vst v3;
	v3 =	vpack.i.b32.b16 v8, v10;
	v10 =	vunpack.i.u.s16.s32 v11  }
0x2f: {  	s19 =	simm.s32 $0x0;
	v11 =	vpack.i.b32.b16 v7, v5;
	v7 =	vunpack.i.u.s16.s32 v12;
	v8 =	vunpack.i.l.s16.s32 v12;
	[tilespmem:s14+$0x20] =	vst v3;
	v3 =	vld [tilespmem:s13+$0x60]  }
0x30: {  	s20 =	sadd.s32 $0x80, s13;
	s18 =	smov.u32 s14;
	s17 =	smov.u32 s14;
	v5 =	vld [tilespmem:s13+$0xFFFFFE00];
	[tilespmem:s14+$0xFFFFFFB0] =	vst v11;
	v10 =	vpack.i.b32.b16 v10, v9;
	v9 =	vunpack.i.u.s16.s32 v13;
	v11 =	vunpack.i.l.s16.s32 v13  }
.LBB1_4:
0x31: {  	v12 =	vld [tilespmem:s20+$0xFFFFFE70];
	[tilespmem:s18+$0x30] =	vst v10;
	v8 =	vpack.i.b32.b16 v11, v8;
	v10 =	vunpack.i.u.s16.s32 v4;
	v4 =	vunpack.i.l.s16.s32 v4  }
0x32: {  	s19 =	sadd.s32 $0x2, s19;
	v7 =	vpack.i.b32.b16 v9, v7;
	v11 =	vld [tilespmem:s20+$0x70];
	[tilespmem:s18+$0xFFFFFFC0] =	vst v8;
	v8 =	vunpack.i.u.s16.s32 v6;
	v6 =	vunpack.i.l.s16.s32 v6  }
0x33: {  	p0 =	slt.u32 s19, $0x6;
	v9 =	vld [tilespmem:s20+$0x0];
	[tilespmem:s18+$0x40] =	vst v7;
	v4 =	vpack.i.b32.b16 v6, v4;
	v6 =	vunpack.i.u.s16.s32 v2;
	v2 =	vunpack.i.l.s16.s32 v2  }
0x34: {  	v7 =	vld [tilespmem:s20+$0xFFFFFE10];
	[tilespmem:s18+$0xFFFFFFD0] =	vst v4;
	v4 =	vpack.i.b32.b16 v8, v10;
	v8 =	vunpack.i.u.s16.s32 v3;
	v3 =	vunpack.i.l.s16.s32 v3  }
0x35: {  	v10 =	vld [tilespmem:s20+$0x10];
	v13 =	vunpack.i.u.s16.s32 v5;
	v5 =	vunpack.i.l.s16.s32 v5;
	[tilespmem:s18+$0x50] =	vst v4;
	v2 =	vpack.i.b32.b16 v3, v2  }
0x36: {  	v3 =	vld [tilespmem:s20+$0xFFFFFE20];
	v4 =	vunpack.i.l.s16.s32 v12;
	v1 =	vpack.i.b32.b16 v1, v5;
	v5 =	vpack.i.b32.b16 v0, v13;
	[tilespmem:s18+$0xFFFFFFE0] =	vst v2  }
0x37: {  	v12 =	vunpack.i.u.s16.s32 v12;
	v2 =	vld [tilespmem:s20+$0x20];
	v13 =	vunpack.i.u.s16.s32 v11;
	v11 =	vunpack.i.l.s16.s32 v11;
	[tilespmem:s18+$0xFFFFFF80] =	vst v1  }
0x38: {  	s18 =	sadd.s32 $0x100, s18;
	v0 =	vunpack.i.u.s16.s32 v9;
	v1 =	vunpack.i.l.s16.s32 v9;
	v9 =	vld [tilespmem:s20+$0xFFFFFE30];
	v12 =	vpack.i.b32.b16 v13, v12;
	[tilespmem:s17+$0x0] =	vst v5  }
0x39: {  	v6 =	vpack.i.b32.b16 v8, v6;
	v5 =	vunpack.i.u.s16.s32 v7;
	v7 =	vunpack.i.l.s16.s32 v7;
	v13 =	vld [tilespmem:s20+$0x30];
	[tilespmem:s18+$0x70] =	vst v12  }
0x3a: {  	v4 =	vpack.i.b32.b16 v11, v4;
	v8 =	vunpack.i.u.s16.s32 v10;
	v10 =	vunpack.i.l.s16.s32 v10;
	v12 =	vld [tilespmem:s20+$0xFFFFFE40];
	[tilespmem:s17+$0x60] =	vst v6;
	s17 =	smov.u32 s18  }
0x3b: {  	v6 =	vpack.i.b32.b16 v10, v7;
	v7 =	vunpack.i.u.s16.s32 v3;
	v3 =	vunpack.i.l.s16.s32 v3;
	v11 =	vld [tilespmem:s20+$0x40];
	[tilespmem:s18+$0xFFFFFFF0] =	vst v4  }
.Ltmp3:
0x3c: {  	v5 =	vpack.i.b32.b16 v8, v5;
	[tilespmem:s18+$0xFFFFFF90] =	vst v6;
	v8 =	vunpack.i.u.s16.s32 v2;
	v2 =	vunpack.i.l.s16.s32 v2;
	v4 =	vld [tilespmem:s20+$0xFFFFFE50];
	(pc) =	sbr.rel @p0 .LBB1_4-.Ltmp3, $4  }
0x3d: {  	[tilespmem:s18+$0x10] =	vst v5;
	v2 =	vpack.i.b32.b16 v2, v3;
	v10 =	vunpack.i.u.s16.s32 v9;
	v3 =	vunpack.i.l.s16.s32 v9;
	v6 =	vld [tilespmem:s20+$0x50]  }
0x3e: {  	v5 =	vpack.i.b32.b16 v8, v7;
	[tilespmem:s18+$0xFFFFFFA0] =	vst v2;
	v9 =	vunpack.i.u.s16.s32 v13;
	v7 =	vunpack.i.l.s16.s32 v13;
	v2 =	vld [tilespmem:s20+$0xFFFFFE60]  }
0x3f: {  	[tilespmem:s18+$0x20] =	vst v5;
	v13 =	vpack.i.b32.b16 v7, v3;
	v7 =	vunpack.i.u.s16.s32 v12;
	v8 =	vunpack.i.l.s16.s32 v12;
	v3 =	vld [tilespmem:s20+$0x60]  }
0x40: {  	v10 =	vpack.i.b32.b16 v9, v10;
	v5 =	vld [tilespmem:s20+$0xFFFFFE00];
	[tilespmem:s18+$0xFFFFFFB0] =	vst v13;
	v9 =	vunpack.i.u.s16.s32 v11;
	v11 =	vunpack.i.l.s16.s32 v11;
	s20 =	sadd.s32 $0x80, s20  }
0x41: {  	[tilespmem:s18+$0x30] =	vst v10;
	v8 =	vpack.i.b32.b16 v11, v8  }
0x42: {  	v51 =	vunpack.i.l.s16.s32 v4;
	v7 =	vpack.i.b32.b16 v9, v7;
	[tilespmem:s18+$0xFFFFFFC0] =	vst v8;
	v52 =	vunpack.i.l.s16.s32 v6  }
0x43: {  	v53 =	vunpack.i.u.s16.s32 v4;
	s16 =	sadd.s32 $0x1, s16;
	v54 =	vunpack.i.u.s16.s32 v6;
	[tilespmem:s18+$0x40] =	vst v7;
	v55 =	vpack.i.b32.b16 v52, v51  }
0x44: {  	p0 =	sne.s32 s16, $0x10;
	v56 =	vunpack.i.l.s16.s32 v2;
	v4 =	vpack.i.b32.b16 v54, v53;
	[tilespmem:s18+$0xFFFFFFD0] =	vst v55;
	v57 =	vunpack.i.l.s16.s32 v3  }
.Ltmp4:
0x45: {  	[tilespmem:s18+$0x50] =	vst v4;
	v58 =	vunpack.i.l.s16.s32 v5;
	v59 =	vpack.i.b32.b16 v57, v56;
	(pc) =	sbr.rel @p0 .LBB1_3-.Ltmp4, $4  }
0x46: {  	v61 =	vunpack.i.u.s16.s32 v2;
	v62 =	vunpack.i.u.s16.s32 v3;
	v1 =	vpack.i.b32.b16 v1, v58;
	[tilespmem:s18+$0xFFFFFFE0] =	vst v59  }
0x47: {  	v60 =	vunpack.i.u.s16.s32 v5;
	v63 =	vpack.i.b32.b16 v62, v61;
	[tilespmem:s18+$0xFFFFFF80] =	vst v1  }
0x48: {  	v0 =	vpack.i.b32.b16 v0, v60;
	[tilespmem:s17+$0x60] =	vst v63  }
0x49: {  	s13 =	sadd.s32 $0x400, s13;
	s14 =	sadd.s32 $0x400, s14;
	[tilespmem:s17+$0x0] =	vst v0  }
.Ltmp5:
0x4a: {  	(pc) =	sbr.rel .LBB1_7-.Ltmp5, $4  }
0x4b: {  	_ = 	snop  }
0x4c: {  	s12 =	sshll.u32 s12, $0x7  }
0x4d: {  	s12 =	sadd.s32 s4, s12  }
0x4e: {  	[hbm4b:s12+s8] =	stream.linear.scatter [tilespmem:s15], [sflag:$0x2], $0x4000, $0x38;
	[tilespmem:$0x10000] =	vst v63  }
.LBB1_8:
0x4f: {  	_ =	sfence.sel $0x180000  }
0x50: {  	s2 =	simm.s32 $0x1;
	[bflag:$0x0] =	sbarrier.arrive $0xFFFF  }
0x51: {  	s31 =	simm.s32 $0x2;
	[sflag:s2] =	ssyncpa.u1 $0x1  }
0x52: {  	[sflag:s31] =	ssyncpa.u1 $0x1  }
0x53: {  	p0 =	sne.s32 s0, $0x0;
	_ =	strace $0x90000047  }
0x54: {  	s0 =	sadd.s32 @!p0 $0x100000, s1;
	[bflag:$0x2] =	sbarrier.arrive $0xFFFF  }
0x55: {  	[sflag:s0] =	ssyncadd.tile.s32 @!p0 $0x1;
	_ =	shalt  }
.Lfunc_end1:
_tile_overlayer_lowered:
.L_overlay_start_2:
0x56: {  	(tag) =	ssettag $0x2  }
0x57: {  	s0 =	rddreg [dreg:$0x0];
	s2 =	stileid.u32  }
0x58: {  	s1 =	rddreg [dreg:$0x1];
	p0 =	sne.s32 s2, $0x0  }
0x59: {  	s3 =	rddreg [dreg:$0x2];
	[bflag:$0x3] =	sbarrier.arrive $0xFFFF;
	s2 =	simm.s32 @!p0 $0x1C01  }
0x5a: {  	[timem:s3], [sflag:s2] =	dma.local @!p0 [hbm:s0], s1  }
0x5b: {  	s0 =	simm.s32 @!p0 $0x1  }
0x5c: {  	_ =	swait.ge @!p0 [sflag:s0], s1  }
0x5d: {  	s1 =	ssub.s32 @!p0 $0x0, s1;
	[sflag:s0] =	ssyncset.done @!p0 $0x0  }
0x5e: {  	[sflag:s0] =	ssyncadd.s32 @!p0 s1  }
0x5f: {  	[bflag:$0x3] =	sbarrier.arrive $0xFFFF  }
0x60: {  	_ =	shalt  }

</sc_bundles>
